<compile_context>
chip_gen: v7x
topology: tpu7x:2x2x1
jax: 0.10.2.dev20260603
libtpu: 0.0.44.dev20260713+nightly
codegen_flags: <defaults>
</compile_context>

<pallas_src>
import functools

import jax
import jax.numpy as jnp
from jax import lax
from jax.experimental import pallas as pl
from jax.experimental.pallas import tpu as pltpu
from jax.experimental.pallas import tpu_sc as plsc

N = 10000
NP = 10240
E = 320000
EP = 327680
D = 128
NW = 32
EPW = EP // NW
CHUNK = 128
SLAB = 40
ROWS_PER_W = NP // 16

_mesh = plsc.VectorSubcoreMesh(core_axis_name="c", subcore_axis_name="s")


@functools.partial(
    pl.kernel,
    mesh=_mesh,
    out_type=[
        jax.ShapeDtypeStruct((EP // CHUNK, CHUNK), jnp.int32),
        jax.ShapeDtypeStruct((NP,), jnp.float32),
        jax.ShapeDtypeStruct((NP,), jnp.float32),
    ],
    scratch_types=[
        pltpu.VMEM_SHARED((NP,), jnp.float32),
        pltpu.VMEM((8, CHUNK), jnp.int32),
        pltpu.VMEM((8, CHUNK), jnp.int32),
        pltpu.VMEM((8, CHUNK), jnp.float32),
        pltpu.VMEM((8, CHUNK), jnp.int32),
        pltpu.VMEM((ROWS_PER_W,), jnp.float32),
    ],
)
def _edge_prep(src_h, dst_h, srcm_h, d0_h, d1_h, deg_sh, s2, d2, w2, m2, zb):
    c = lax.axis_index("c")
    s = lax.axis_index("s")
    w = c * 16 + s

    def _z(i, _):
        zb[pl.ds(i * 16, 16)] = jnp.zeros((16,), jnp.float32)
        return _

    lax.fori_loop(0, ROWS_PER_W // 16, _z, None)
    pltpu.sync_copy(zb, deg_sh.at[pl.ds(s * ROWS_PER_W, ROWS_PER_W)])
    plsc.subcore_barrier()

    iota16 = lax.iota(jnp.int32, 16)

    def _block(b, _):
        rowbase = w * (EPW // CHUNK) + b * 8
        pltpu.sync_copy(src_h.at[pl.ds(rowbase, 8)], s2)
        pltpu.sync_copy(dst_h.at[pl.ds(rowbase, 8)], d2)

        def _row(r, _):
            for k in range(CHUNK // 16):
                sl = pl.ds(k * 16, 16)
                sv = s2[r, sl]
                dv = d2[r, sl]
                keep = sv != dv
                w2[r, sl] = jnp.where(keep, 1.0, 0.0).astype(jnp.float32)
                m2[r, sl] = jnp.where(keep, sv, N + iota16)
            return _

        lax.fori_loop(0, 8, _row, None)
        for j in range(8):
            pltpu.sync_copy(w2.at[j], deg_sh.at[s2.at[j]], add=True)
        pltpu.sync_copy(m2, srcm_h.at[pl.ds(rowbase, 8)])
        return _

    lax.fori_loop(0, EPW // (8 * CHUNK), _block, None)
    plsc.subcore_barrier()

    sl = pl.ds(s * ROWS_PER_W, ROWS_PER_W)

    @pl.when(c == 0)
    def _():
        pltpu.sync_copy(deg_sh.at[sl], d0_h.at[sl])

    @pl.when(c == 1)
    def _():
        pltpu.sync_copy(deg_sh.at[sl], d1_h.at[sl])


@functools.partial(
    pl.kernel,
    mesh=_mesh,
    out_type=[
        jax.ShapeDtypeStruct((NP, D), jnp.float32),
        jax.ShapeDtypeStruct((NP, D), jnp.float32),
    ],
    scratch_types=[
        pltpu.VMEM_SHARED((NP, D), jnp.float32),
        pltpu.VMEM((SLAB, CHUNK), jnp.int32),
        pltpu.VMEM((SLAB, CHUNK), jnp.int32),
        pltpu.VMEM((CHUNK, D), jnp.float32),
        pltpu.VMEM((CHUNK, D), jnp.float32),
        pltpu.SemaphoreType.DMA,
        pltpu.SemaphoreType.DMA,
    ],
)
def _seg_sum(u_h, srcm_h, dst_h, sa_h, sb_h, acc_sh, s2, d2, r0, r1,
             gsem, ssem):
    c = lax.axis_index("c")
    s = lax.axis_index("s")
    w = c * 16 + s
    rows = (r0, r1)

    def _zrow(r, _):
        for k in range(D // 16):
            r0[r, pl.ds(k * 16, 16)] = jnp.zeros((16,), jnp.float32)
        return _

    lax.fori_loop(0, CHUNK, _zrow, None)
    for i in range(ROWS_PER_W // CHUNK):
        pltpu.sync_copy(r0, acc_sh.at[pl.ds(s * ROWS_PER_W + i * CHUNK, CHUNK)])
    plsc.subcore_barrier()

    def _drain_scatter():
        pltpu.make_async_copy(u_h.at[pl.ds(0, CHUNK)], r0, ssem).wait()

    for h in range(EPW // CHUNK // SLAB):
        base_ch = w * (EPW // CHUNK) + h * SLAB
        pltpu.sync_copy(srcm_h.at[pl.ds(base_ch, SLAB)], s2)
        pltpu.sync_copy(dst_h.at[pl.ds(base_ch, SLAB)], d2)

        gs = [pltpu.async_copy(u_h.at[s2.at[b]], rows[b], gsem)
              for b in range(2)]
        for b in range(2):
            gs[b].wait()
            pltpu.async_copy(rows[b], acc_sh.at[d2.at[b]], ssem, add=True)

        def _group(t, _):
            g2 = []
            for b in range(2):
                _drain_scatter()
                g2.append(pltpu.async_copy(u_h.at[s2.at[t * 2 + b]], rows[b],
                                           gsem))
            for b in range(2):
                g2[b].wait()
                pltpu.async_copy(rows[b], acc_sh.at[d2.at[t * 2 + b]], ssem,
                                 add=True)
            return _

        lax.fori_loop(1, SLAB // 2, _group, None)
        for _ in range(2):
            _drain_scatter()
    plsc.subcore_barrier()

    sl = pl.ds(s * ROWS_PER_W, ROWS_PER_W)

    @pl.when(c == 0)
    def _():
        pltpu.sync_copy(acc_sh.at[sl], sa_h.at[sl])

    @pl.when(c == 1)
    def _():
        pltpu.sync_copy(acc_sh.at[sl], sb_h.at[sl])


R = 1024
_grid = (NP // R,)
_rowspec = pl.BlockSpec((R, D), lambda i: (i, 0))
_colspec = pl.BlockSpec((R, 1), lambda i: (i, 0))
_wspec = pl.BlockSpec((D, D), lambda i: (0, 0))
_bspec = pl.BlockSpec((1, D), lambda i: (0, 0))


def _silu(h):
    return h * (1.0 / (1.0 + jnp.exp(-h)))


def _dis(d0, d1):
    deg = d0 + d1
    return jnp.where(deg > 0, lax.rsqrt(jnp.where(deg > 0, deg, 1.0)), 0.0)


def _tc_h_body(x, Wi, bi, h_o):
    h_o[...] = _silu(jnp.dot(x[...], Wi[...],
                             preferred_element_type=jnp.float32) + bi[...])


def _tc_in_body(h, d0, d1, W1, W0, u_o, v_o):
    dis = _dis(d0[...], d1[...])
    h = h[...]
    u_o[...] = jnp.dot(dis * h, W1[...], preferred_element_type=jnp.float32)
    v_o[...] = jnp.dot(h, W0[...], preferred_element_type=jnp.float32)


def _tc_mid_body(v, sa, sb, d0, d1, b, W1, W0, u_o, v_o):
    dis = _dis(d0[...], d1[...])
    h = _silu(v[...] - dis * (sa[...] + sb[...]) + b[...])
    u_o[...] = jnp.dot(dis * h, W1[...], preferred_element_type=jnp.float32)
    v_o[...] = jnp.dot(h, W0[...], preferred_element_type=jnp.float32)


def _tc_out_body(v, sa, sb, d0, d1, b, Wo, bo, out_o):
    dis = _dis(d0[...], d1[...])
    h = _silu(v[...] - dis * (sa[...] + sb[...]) + b[...])
    out_o[...] = jnp.dot(h, Wo[...], preferred_element_type=jnp.float32) + bo[...]


_tc_h = pl.pallas_call(
    _tc_h_body,
    grid=_grid,
    in_specs=[_rowspec, _wspec, _bspec],
    out_specs=_rowspec,
    out_shape=jax.ShapeDtypeStruct((NP, D), jnp.float32),
)

_tc_in = pl.pallas_call(
    _tc_in_body,
    grid=_grid,
    in_specs=[_rowspec, _colspec, _colspec, _wspec, _wspec],
    out_specs=[_rowspec, _rowspec],
    out_shape=[jax.ShapeDtypeStruct((NP, D), jnp.float32)] * 2,
)

_tc_mid = pl.pallas_call(
    _tc_mid_body,
    grid=_grid,
    in_specs=[_rowspec, _rowspec, _rowspec, _colspec, _colspec, _bspec,
              _wspec, _wspec],
    out_specs=[_rowspec, _rowspec],
    out_shape=[jax.ShapeDtypeStruct((NP, D), jnp.float32)] * 2,
)

_tc_out = pl.pallas_call(
    _tc_out_body,
    grid=_grid,
    in_specs=[_rowspec, _rowspec, _rowspec, _colspec, _colspec, _bspec,
              _wspec, _bspec],
    out_specs=_rowspec,
    out_shape=jax.ShapeDtypeStruct((NP, D), jnp.float32),
)


def kernel(x, edge_index, W_in, b_in, conv0_W0, conv0_W1, conv0_b,
           conv1_W0, conv1_W1, conv1_b, W_out, b_out):
    src = edge_index[0]
    dst = edge_index[1]
    pad = (jnp.arange(EP - E, dtype=jnp.int32) * 37) % N
    src2 = jnp.concatenate([src, pad]).reshape(EP // CHUNK, CHUNK)
    dst2 = jnp.concatenate([dst, pad]).reshape(EP // CHUNK, CHUNK)

    srcm2, d0, d1 = _edge_prep(src2, dst2)
    d0c = d0.reshape(NP, 1)
    d1c = d1.reshape(NP, 1)

    xp = jnp.pad(x, ((0, NP - N), (0, 0)))
    bi = b_in.reshape(1, D)
    b0 = conv0_b.reshape(1, D)
    b1 = conv1_b.reshape(1, D)
    bo = b_out.reshape(1, D)

    h0 = _tc_h(xp, W_in, bi)
    u0, v0 = _tc_in(h0, d0c, d1c, conv0_W1, conv0_W0)
    sa0, sb0 = _seg_sum(u0, srcm2, dst2)
    u1, v1 = _tc_mid(v0, sa0, sb0, d0c, d1c, b0, conv1_W1, conv1_W0)
    sa1, sb1 = _seg_sum(u1, srcm2, dst2)
    out = _tc_out(v1, sa1, sb1, d0c, d1c, b1, W_out, bo)
    return out[:N]

# --- scband reference (transcript-rebuilt; emitter-appended) ---
"""Pipeline reference for scband-cheb-net-35296041238783 (READ-ONLY COPY).

The authoritative reference and input builder live on the scoring server;
editing this copy changes nothing except your own understanding.
"""

import jax, jax.numpy as jnp
import numpy as np

N = 10000
E = 320000
D_IN = 128
D_H = 128
D_OUT = 128
NUM_LAYERS = 2
K = 2


def setup_inputs(seed: int = 0) -> dict:
    key = jax.random.key(seed)
    ks = jax.random.split(key, 16)
    inp = {}
    inp["x"] = jax.random.normal(ks[0], (N, D_IN), dtype=jnp.float32)
    inp["edge_index"] = jax.random.randint(ks[1], (2, E), 0, N, dtype=jnp.int32)
    s = 0.05
    inp["W_in"] = jax.random.normal(ks[2], (D_IN, D_H), dtype=jnp.float32) * s
    inp["b_in"] = jnp.zeros((D_H,), dtype=jnp.float32)
    inp["conv0_W0"] = jax.random.normal(ks[3], (D_H, D_H), dtype=jnp.float32) * s
    inp["conv0_W1"] = jax.random.normal(ks[4], (D_H, D_H), dtype=jnp.float32) * s
    inp["conv0_b"] = jnp.zeros((D_H,), dtype=jnp.float32)
    inp["conv1_W0"] = jax.random.normal(ks[5], (D_H, D_H), dtype=jnp.float32) * s
    inp["conv1_W1"] = jax.random.normal(ks[6], (D_H, D_H), dtype=jnp.float32) * s
    inp["conv1_b"] = jnp.zeros((D_H,), dtype=jnp.float32)
    inp["W_out"] = jax.random.normal(ks[7], (D_H, D_OUT), dtype=jnp.float32) * s
    inp["b_out"] = jnp.zeros((D_OUT,), dtype=jnp.float32)
    return inp


def _cheb_norm(edge_index):
    # PyG ChebConv.__norm__ with normalization='sym', lambda_max=2.0, edge_weight=None.
    # remove_self_loops -> get_laplacian('sym') -> scale by 2/lambda_max (=1) ->
    # add_self_loops(fill_value=-1) cancels the +1 diagonal of L, giving
    # L_tilde = -D^{-1/2} A D^{-1/2} on the off-diagonal edges and 0 on the diagonal.
    row = edge_index[0]
    col = edge_index[1]
    w = jnp.where(row != col, 1.0, 0.0).astype(jnp.float32)
    deg = jax.ops.segment_sum(w, row, num_segments=N)
    deg_inv_sqrt = jnp.where(deg > 0, 1.0 / jnp.sqrt(deg), 0.0)
    norm = -deg_inv_sqrt[row] * w * deg_inv_sqrt[col]
    return norm


def _cheb_conv(x, edge_index, norm, W0, W1, b):
    # K=2: out = lin0(Tx_0) + lin1(Tx_1) + bias, Tx_0 = x, Tx_1 = L_tilde x
    src = edge_index[0]
    dst = edge_index[1]
    Tx0 = x
    msg = norm[:, None] * Tx0[src]
    Tx1 = jax.ops.segment_sum(msg, dst, num_segments=N)
    out = Tx0 @ W0 + Tx1 @ W1 + b
    return out


def reference(x, edge_index, W_in, b_in, conv0_W0, conv0_W1, conv0_b, conv1_W0, conv1_W1, conv1_b, W_out, b_out):
    norm = _cheb_norm(edge_index)
    h = x @ W_in + b_in
    h = jax.nn.silu(h)
    # dropout is identity in eval mode
    h = _cheb_conv(h, edge_index, norm, conv0_W0, conv0_W1, conv0_b)
    h = jax.nn.silu(h)
    h = _cheb_conv(h, edge_index, norm, conv1_W0, conv1_W1, conv1_b)
    h = jax.nn.silu(h)
    out = h @ W_out + b_out
    return out

if __name__ == "__main__":
    import jax
    _d = setup_inputs()
    print(jax.jit(kernel)(*tuple(_d.values())))

</pallas_src>

<mosaic_0001>
#map = affine_map<(d0, d1) -> (0, 0)>
module attributes {stable_mosaic.version = 14 : i64} {
  func.func @_seg_sum(%arg0: i32, %arg1: i32, %arg2: memref<10240x128xf32, #tpu.memory_space<hbm>>, %arg3: memref<2560x128xi32, #tpu.memory_space<hbm>>, %arg4: memref<2560x128xi32, #tpu.memory_space<hbm>>, %arg5: memref<10240x128xf32, #tpu.memory_space<hbm>>, %arg6: memref<10240x128xf32, #tpu.memory_space<hbm>>, %arg7: memref<10240x128xf32, #tpu.memory_space<vmem_shared>>, %arg8: memref<40x128xi32, #tpu.memory_space<vmem>>, %arg9: memref<40x128xi32, #tpu.memory_space<vmem>>, %arg10: memref<128x128xf32, #tpu.memory_space<vmem>>, %arg11: memref<128x128xf32, #tpu.memory_space<vmem>>, %arg12: memref<!tpu.dma_semaphore, #tpu.memory_space<semaphore_mem>>, %arg13: memref<!tpu.dma_semaphore, #tpu.memory_space<semaphore_mem>>) attributes {dimension_semantics = [#tpu.dimension_semantics<core_parallel>, #tpu.dimension_semantics<subcore_parallel>], iteration_bounds = array<i64: 2, 16>, scalar_prefetch = 0 : i64, scratch_operands = 7 : i64, tpu.core_type = #tpu.core_type<sc_vector_subcore>, window_params = [{transform_indices = #map}, {transform_indices = #map}, {transform_indices = #map}, {transform_indices = #map}, {transform_indices = #map}]} {
    %mul3A = arith.constant 16 : i32
    %mul3A_0 = arith.muli %arg0, %mul3A : i32
    %add3A = arith.addi %mul3A_0, %arg1 : i32
    %scan3A = arith.constant 0 : i32
    %scan3A_1 = arith.constant 128 : i32
    %scan3A_2 = arith.addi %scan3A, %scan3A_1 : i32
    %scan3A_3 = arith.constant 1 : i32
    scf.for %scan3A_159 = %scan3A to %scan3A_2 step %scan3A_3  : i32 {
      %broadcast_in_dim3A = arith.constant 0.000000e+00 : f32
      %broadcast_in_dim3A_160 = vector.broadcast %broadcast_in_dim3A : f32 to vector<16xf32>
      %swap3A = arith.index_cast %scan3A_159 : i32 to index
      %swap3A_161 = arith.constant 0 : index
      %swap3A_162 = tpu.vector_load %arg10[%swap3A, %swap3A_161] {strides = array<i32>} : memref<128x128xf32, #tpu.memory_space<vmem>>, vector<1x16xf32>,
      %swap3A_163 = vector.shape_cast %swap3A_162 : vector<1x16xf32> to vector<16xf32>
      %swap3A_164 = vector.shape_cast %broadcast_in_dim3A_160 : vector<16xf32> to vector<1x16xf32>
      tpu.vector_store %arg10[%swap3A, %swap3A_161], %swap3A_164 {strides = array<i32>} : memref<128x128xf32, #tpu.memory_space<vmem>>, vector<1x16xf32>,
      %broadcast_in_dim3A_165 = arith.constant 0.000000e+00 : f32
      %broadcast_in_dim3A_166 = vector.broadcast %broadcast_in_dim3A_165 : f32 to vector<16xf32>
      %swap3A_167 = arith.index_cast %scan3A_159 : i32 to index
      %swap3A_168 = arith.constant 16 : index
      %swap3A_169 = tpu.vector_load %arg10[%swap3A_167, %swap3A_168] {strides = array<i32>} : memref<128x128xf32, #tpu.memory_space<vmem>>, vector<1x16xf32>,
      %swap3A_170 = vector.shape_cast %swap3A_169 : vector<1x16xf32> to vector<16xf32>
      %swap3A_171 = vector.shape_cast %broadcast_in_dim3A_166 : vector<16xf32> to vector<1x16xf32>
      tpu.vector_store %arg10[%swap3A_167, %swap3A_168], %swap3A_171 {strides = array<i32>} : memref<128x128xf32, #tpu.memory_space<vmem>>, vector<1x16xf32>,
      %broadcast_in_dim3A_172 = arith.constant 0.000000e+00 : f32
      %broadcast_in_dim3A_173 = vector.broadcast %broadcast_in_dim3A_172 : f32 to vector<16xf32>
      %swap3A_174 = arith.index_cast %scan3A_159 : i32 to index
      %swap3A_175 = arith.constant 32 : index
      %swap3A_176 = tpu.vector_load %arg10[%swap3A_174, %swap3A_175] {strides = array<i32>} : memref<128x128xf32, #tpu.memory_space<vmem>>, vector<1x16xf32>,
      %swap3A_177 = vector.shape_cast %swap3A_176 : vector<1x16xf32> to vector<16xf32>
      %swap3A_178 = vector.shape_cast %broadcast_in_dim3A_173 : vector<16xf32> to vector<1x16xf32>
      tpu.vector_store %arg10[%swap3A_174, %swap3A_175], %swap3A_178 {strides = array<i32>} : memref<128x128xf32, #tpu.memory_space<vmem>>, vector<1x16xf32>,
      %broadcast_in_dim3A_179 = arith.constant 0.000000e+00 : f32
      %broadcast_in_dim3A_180 = vector.broadcast %broadcast_in_dim3A_179 : f32 to vector<16xf32>
      %swap3A_181 = arith.index_cast %scan3A_159 : i32 to index
      %swap3A_182 = arith.constant 48 : index
      %swap3A_183 = tpu.vector_load %arg10[%swap3A_181, %swap3A_182] {strides = array<i32>} : memref<128x128xf32, #tpu.memory_space<vmem>>, vector<1x16xf32>,
      %swap3A_184 = vector.shape_cast %swap3A_183 : vector<1x16xf32> to vector<16xf32>
      %swap3A_185 = vector.shape_cast %broadcast_in_dim3A_180 : vector<16xf32> to vector<1x16xf32>
      tpu.vector_store %arg10[%swap3A_181, %swap3A_182], %swap3A_185 {strides = array<i32>} : memref<128x128xf32, #tpu.memory_space<vmem>>, vector<1x16xf32>,
      %broadcast_in_dim3A_186 = arith.constant 0.000000e+00 : f32
      %broadcast_in_dim3A_187 = vector.broadcast %broadcast_in_dim3A_186 : f32 to vector<16xf32>
      %swap3A_188 = arith.index_cast %scan3A_159 : i32 to index
      %swap3A_189 = arith.constant 64 : index
      %swap3A_190 = tpu.vector_load %arg10[%swap3A_188, %swap3A_189] {strides = array<i32>} : memref<128x128xf32, #tpu.memory_space<vmem>>, vector<1x16xf32>,
      %swap3A_191 = vector.shape_cast %swap3A_190 : vector<1x16xf32> to vector<16xf32>
      %swap3A_192 = vector.shape_cast %broadcast_in_dim3A_187 : vector<16xf32> to vector<1x16xf32>
      tpu.vector_store %arg10[%swap3A_188, %swap3A_189], %swap3A_192 {strides = array<i32>} : memref<128x128xf32, #tpu.memory_space<vmem>>, vector<1x16xf32>,
      %broadcast_in_dim3A_193 = arith.constant 0.000000e+00 : f32
      %broadcast_in_dim3A_194 = vector.broadcast %broadcast_in_dim3A_193 : f32 to vector<16xf32>
      %swap3A_195 = arith.index_cast %scan3A_159 : i32 to index
      %swap3A_196 = arith.constant 80 : index
      %swap3A_197 = tpu.vector_load %arg10[%swap3A_195, %swap3A_196] {strides = array<i32>} : memref<128x128xf32, #tpu.memory_space<vmem>>, vector<1x16xf32>,
      %swap3A_198 = vector.shape_cast %swap3A_197 : vector<1x16xf32> to vector<16xf32>
      %swap3A_199 = vector.shape_cast %broadcast_in_dim3A_194 : vector<16xf32> to vector<1x16xf32>
      tpu.vector_store %arg10[%swap3A_195, %swap3A_196], %swap3A_199 {strides = array<i32>} : memref<128x128xf32, #tpu.memory_space<vmem>>, vector<1x16xf32>,
      %broadcast_in_dim3A_200 = arith.constant 0.000000e+00 : f32
      %broadcast_in_dim3A_201 = vector.broadcast %broadcast_in_dim3A_200 : f32 to vector<16xf32>
      %swap3A_202 = arith.index_cast %scan3A_159 : i32 to index
      %swap3A_203 = arith.constant 96 : index
      %swap3A_204 = tpu.vector_load %arg10[%swap3A_202, %swap3A_203] {strides = array<i32>} : memref<128x128xf32, #tpu.memory_space<vmem>>, vector<1x16xf32>,
      %swap3A_205 = vector.shape_cast %swap3A_204 : vector<1x16xf32> to vector<16xf32>
      %swap3A_206 = vector.shape_cast %broadcast_in_dim3A_201 : vector<16xf32> to vector<1x16xf32>
      tpu.vector_store %arg10[%swap3A_202, %swap3A_203], %swap3A_206 {strides = array<i32>} : memref<128x128xf32, #tpu.memory_space<vmem>>, vector<1x16xf32>,
      %broadcast_in_dim3A_207 = arith.constant 0.000000e+00 : f32
      %broadcast_in_dim3A_208 = vector.broadcast %broadcast_in_dim3A_207 : f32 to vector<16xf32>
      %swap3A_209 = arith.index_cast %scan3A_159 : i32 to index
      %swap3A_210 = arith.constant 112 : index
      %swap3A_211 = tpu.vector_load %arg10[%swap3A_209, %swap3A_210] {strides = array<i32>} : memref<128x128xf32, #tpu.memory_space<vmem>>, vector<1x16xf32>,
      %swap3A_212 = vector.shape_cast %swap3A_211 : vector<1x16xf32> to vector<16xf32>
      %swap3A_213 = vector.shape_cast %broadcast_in_dim3A_208 : vector<16xf32> to vector<1x16xf32>
      tpu.vector_store %arg10[%swap3A_209, %swap3A_210], %swap3A_213 {strides = array<i32>} : memref<128x128xf32, #tpu.memory_space<vmem>>, vector<1x16xf32>,
    }
    %scan3A_4 = arith.constant 128 : i32
    %mul3A_5 = arith.constant 640 : i32
    %mul3A_6 = arith.muli %arg1, %mul3A_5 : i32
    %add3A_7 = arith.constant 0 : i32
    %add3A_8 = arith.addi %mul3A_6, %add3A_7 : i32
    "tpu.region"() ({
      %run_scoped3A = tpu.sem_alloc : memref<!tpu.dma_semaphore, #tpu.memory_space<semaphore_mem>>
      %dma_start3A_159 = arith.constant 0 : i32
      %dma_start3A_160 = tpu.memref_slice %arg7[%add3A_8, %dma_start3A_159] : memref<10240x128xf32, #tpu.memory_space<vmem_shared>> -> memref<128x128xf32, #tpu.memory_space<vmem_shared>>
      %dma_start3A_161 = arith.constant 0 : i32
      %dma_start3A_162 = tpu.memref_slice %arg7[%add3A_8, %dma_start3A_161] : memref<10240x128xf32, #tpu.memory_space<vmem_shared>> -> memref<128x128xf32, #tpu.memory_space<vmem_shared>>
      tpu.enqueue_dma source(%arg10 : memref<128x128xf32, #tpu.memory_space<vmem>>) target(%dma_start3A_162 : memref<128x128xf32, #tpu.memory_space<vmem_shared>>) target_semaphore(%run_scoped3A : memref<!tpu.dma_semaphore, #tpu.memory_space<semaphore_mem>>)
      %dma_wait3A_163 = arith.constant 0 : i32
      %dma_wait3A_164 = tpu.memref_slice %arg7[%add3A_8, %dma_wait3A_163] : memref<10240x128xf32, #tpu.memory_space<vmem_shared>> -> memref<128x128xf32, #tpu.memory_space<vmem_shared>>
      %dma_wait3A_165 = arith.constant 0 : i32
      %dma_wait3A_166 = tpu.memref_slice %arg7[%add3A_8, %dma_wait3A_165] : memref<10240x128xf32, #tpu.memory_space<vmem_shared>> -> memref<128x128xf32, #tpu.memory_space<vmem_shared>>
      tpu.wait_dma2 semaphore(%run_scoped3A : memref<!tpu.dma_semaphore, #tpu.memory_space<semaphore_mem>>) src(%arg10 : memref<128x128xf32, #tpu.memory_space<vmem>>) dst(%dma_wait3A_166 : memref<128x128xf32, #tpu.memory_space<vmem_shared>>)
      tpu.yield
    }) : () -> ()
    %mul3A_9 = arith.constant 640 : i32
    %mul3A_10 = arith.muli %arg1, %mul3A_9 : i32
    %add3A_11 = arith.constant 128 : i32
    %add3A_12 = arith.addi %mul3A_10, %add3A_11 : i32
    "tpu.region"() ({
      %run_scoped3A = tpu.sem_alloc : memref<!tpu.dma_semaphore, #tpu.memory_space<semaphore_mem>>
      %dma_start3A_159 = arith.constant 0 : i32
      %dma_start3A_160 = tpu.memref_slice %arg7[%add3A_12, %dma_start3A_159] : memref<10240x128xf32, #tpu.memory_space<vmem_shared>> -> memref<128x128xf32, #tpu.memory_space<vmem_shared>>
      %dma_start3A_161 = arith.constant 0 : i32
      %dma_start3A_162 = tpu.memref_slice %arg7[%add3A_12, %dma_start3A_161] : memref<10240x128xf32, #tpu.memory_space<vmem_shared>> -> memref<128x128xf32, #tpu.memory_space<vmem_shared>>
      tpu.enqueue_dma source(%arg10 : memref<128x128xf32, #tpu.memory_space<vmem>>) target(%dma_start3A_162 : memref<128x128xf32, #tpu.memory_space<vmem_shared>>) target_semaphore(%run_scoped3A : memref<!tpu.dma_semaphore, #tpu.memory_space<semaphore_mem>>)
      %dma_wait3A_163 = arith.constant 0 : i32
      %dma_wait3A_164 = tpu.memref_slice %arg7[%add3A_12, %dma_wait3A_163] : memref<10240x128xf32, #tpu.memory_space<vmem_shared>> -> memref<128x128xf32, #tpu.memory_space<vmem_shared>>
      %dma_wait3A_165 = arith.constant 0 : i32
      %dma_wait3A_166 = tpu.memref_slice %arg7[%add3A_12, %dma_wait3A_165] : memref<10240x128xf32, #tpu.memory_space<vmem_shared>> -> memref<128x128xf32, #tpu.memory_space<vmem_shared>>
      tpu.wait_dma2 semaphore(%run_scoped3A : memref<!tpu.dma_semaphore, #tpu.memory_space<semaphore_mem>>) src(%arg10 : memref<128x128xf32, #tpu.memory_space<vmem>>) dst(%dma_wait3A_166 : memref<128x128xf32, #tpu.memory_space<vmem_shared>>)
      tpu.yield
    }) : () -> ()
    %mul3A_13 = arith.constant 640 : i32
    %mul3A_14 = arith.muli %arg1, %mul3A_13 : i32
    %add3A_15 = arith.constant 256 : i32
    %add3A_16 = arith.addi %mul3A_14, %add3A_15 : i32
    "tpu.region"() ({
      %run_scoped3A = tpu.sem_alloc : memref<!tpu.dma_semaphore, #tpu.memory_space<semaphore_mem>>
      %dma_start3A_159 = arith.constant 0 : i32
      %dma_start3A_160 = tpu.memref_slice %arg7[%add3A_16, %dma_start3A_159] : memref<10240x128xf32, #tpu.memory_space<vmem_shared>> -> memref<128x128xf32, #tpu.memory_space<vmem_shared>>
      %dma_start3A_161 = arith.constant 0 : i32
      %dma_start3A_162 = tpu.memref_slice %arg7[%add3A_16, %dma_start3A_161] : memref<10240x128xf32, #tpu.memory_space<vmem_shared>> -> memref<128x128xf32, #tpu.memory_space<vmem_shared>>
      tpu.enqueue_dma source(%arg10 : memref<128x128xf32, #tpu.memory_space<vmem>>) target(%dma_start3A_162 : memref<128x128xf32, #tpu.memory_space<vmem_shared>>) target_semaphore(%run_scoped3A : memref<!tpu.dma_semaphore, #tpu.memory_space<semaphore_mem>>)
      %dma_wait3A_163 = arith.constant 0 : i32
      %dma_wait3A_164 = tpu.memref_slice %arg7[%add3A_16, %dma_wait3A_163] : memref<10240x128xf32, #tpu.memory_space<vmem_shared>> -> memref<128x128xf32, #tpu.memory_space<vmem_shared>>
      %dma_wait3A_165 = arith.constant 0 : i32
      %dma_wait3A_166 = tpu.memref_slice %arg7[%add3A_16, %dma_wait3A_165] : memref<10240x128xf32, #tpu.memory_space<vmem_shared>> -> memref<128x128xf32, #tpu.memory_space<vmem_shared>>
      tpu.wait_dma2 semaphore(%run_scoped3A : memref<!tpu.dma_semaphore, #tpu.memory_space<semaphore_mem>>) src(%arg10 : memref<128x128xf32, #tpu.memory_space<vmem>>) dst(%dma_wait3A_166 : memref<128x128xf32, #tpu.memory_space<vmem_shared>>)
      tpu.yield
    }) : () -> ()
    %mul3A_17 = arith.constant 640 : i32
    %mul3A_18 = arith.muli %arg1, %mul3A_17 : i32
    %add3A_19 = arith.constant 384 : i32
    %add3A_20 = arith.addi %mul3A_18, %add3A_19 : i32
    "tpu.region"() ({
      %run_scoped3A = tpu.sem_alloc : memref<!tpu.dma_semaphore, #tpu.memory_space<semaphore_mem>>
      %dma_start3A_159 = arith.constant 0 : i32
      %dma_start3A_160 = tpu.memref_slice %arg7[%add3A_20, %dma_start3A_159] : memref<10240x128xf32, #tpu.memory_space<vmem_shared>> -> memref<128x128xf32, #tpu.memory_space<vmem_shared>>
      %dma_start3A_161 = arith.constant 0 : i32
      %dma_start3A_162 = tpu.memref_slice %arg7[%add3A_20, %dma_start3A_161] : memref<10240x128xf32, #tpu.memory_space<vmem_shared>> -> memref<128x128xf32, #tpu.memory_space<vmem_shared>>
      tpu.enqueue_dma source(%arg10 : memref<128x128xf32, #tpu.memory_space<vmem>>) target(%dma_start3A_162 : memref<128x128xf32, #tpu.memory_space<vmem_shared>>) target_semaphore(%run_scoped3A : memref<!tpu.dma_semaphore, #tpu.memory_space<semaphore_mem>>)
      %dma_wait3A_163 = arith.constant 0 : i32
      %dma_wait3A_164 = tpu.memref_slice %arg7[%add3A_20, %dma_wait3A_163] : memref<10240x128xf32, #tpu.memory_space<vmem_shared>> -> memref<128x128xf32, #tpu.memory_space<vmem_shared>>
      %dma_wait3A_165 = arith.constant 0 : i32
      %dma_wait3A_166 = tpu.memref_slice %arg7[%add3A_20, %dma_wait3A_165] : memref<10240x128xf32, #tpu.memory_space<vmem_shared>> -> memref<128x128xf32, #tpu.memory_space<vmem_shared>>
      tpu.wait_dma2 semaphore(%run_scoped3A : memref<!tpu.dma_semaphore, #tpu.memory_space<semaphore_mem>>) src(%arg10 : memref<128x128xf32, #tpu.memory_space<vmem>>) dst(%dma_wait3A_166 : memref<128x128xf32, #tpu.memory_space<vmem_shared>>)
      tpu.yield
    }) : () -> ()
    %mul3A_21 = arith.constant 640 : i32
    %mul3A_22 = arith.muli %arg1, %mul3A_21 : i32
    %add3A_23 = arith.constant 512 : i32
    %add3A_24 = arith.addi %mul3A_22, %add3A_23 : i32
    "tpu.region"() ({
      %run_scoped3A = tpu.sem_alloc : memref<!tpu.dma_semaphore, #tpu.memory_space<semaphore_mem>>
      %dma_start3A_159 = arith.constant 0 : i32
      %dma_start3A_160 = tpu.memref_slice %arg7[%add3A_24, %dma_start3A_159] : memref<10240x128xf32, #tpu.memory_space<vmem_shared>> -> memref<128x128xf32, #tpu.memory_space<vmem_shared>>
      %dma_start3A_161 = arith.constant 0 : i32
      %dma_start3A_162 = tpu.memref_slice %arg7[%add3A_24, %dma_start3A_161] : memref<10240x128xf32, #tpu.memory_space<vmem_shared>> -> memref<128x128xf32, #tpu.memory_space<vmem_shared>>
      tpu.enqueue_dma source(%arg10 : memref<128x128xf32, #tpu.memory_space<vmem>>) target(%dma_start3A_162 : memref<128x128xf32, #tpu.memory_space<vmem_shared>>) target_semaphore(%run_scoped3A : memref<!tpu.dma_semaphore, #tpu.memory_space<semaphore_mem>>)
      %dma_wait3A_163 = arith.constant 0 : i32
      %dma_wait3A_164 = tpu.memref_slice %arg7[%add3A_24, %dma_wait3A_163] : memref<10240x128xf32, #tpu.memory_space<vmem_shared>> -> memref<128x128xf32, #tpu.memory_space<vmem_shared>>
      %dma_wait3A_165 = arith.constant 0 : i32
      %dma_wait3A_166 = tpu.memref_slice %arg7[%add3A_24, %dma_wait3A_165] : memref<10240x128xf32, #tpu.memory_space<vmem_shared>> -> memref<128x128xf32, #tpu.memory_space<vmem_shared>>
      tpu.wait_dma2 semaphore(%run_scoped3A : memref<!tpu.dma_semaphore, #tpu.memory_space<semaphore_mem>>) src(%arg10 : memref<128x128xf32, #tpu.memory_space<vmem>>) dst(%dma_wait3A_166 : memref<128x128xf32, #tpu.memory_space<vmem_shared>>)
      tpu.yield
    }) : () -> ()
    %barrier3A = arith.constant 0 : index
    tpu.barrier barrier_id(%barrier3A)
    %mul3A_25 = arith.constant 80 : i32
    %mul3A_26 = arith.muli %add3A, %mul3A_25 : i32
    %add3A_27 = arith.constant 0 : i32
    %add3A_28 = arith.addi %mul3A_26, %add3A_27 : i32
    "tpu.region"() ({
      %run_scoped3A = tpu.sem_alloc : memref<!tpu.dma_semaphore, #tpu.memory_space<semaphore_mem>>
      %dma_start3A_159 = arith.constant 0 : i32
      %dma_start3A_160 = tpu.memref_slice %arg3[%add3A_28, %dma_start3A_159] : memref<2560x128xi32, #tpu.memory_space<hbm>> -> memref<40x128xi32, #tpu.memory_space<hbm>>
      %dma_start3A_161 = arith.constant 0 : i32
      %dma_start3A_162 = tpu.memref_slice %arg3[%add3A_28, %dma_start3A_161] : memref<2560x128xi32, #tpu.memory_space<hbm>> -> memref<40x128xi32, #tpu.memory_space<hbm>>
      tpu.enqueue_dma source(%dma_start3A_162 : memref<40x128xi32, #tpu.memory_space<hbm>>) target(%arg8 : memref<40x128xi32, #tpu.memory_space<vmem>>) target_semaphore(%run_scoped3A : memref<!tpu.dma_semaphore, #tpu.memory_space<semaphore_mem>>)
      %dma_wait3A_163 = arith.constant 0 : i32
      %dma_wait3A_164 = tpu.memref_slice %arg3[%add3A_28, %dma_wait3A_163] : memref<2560x128xi32, #tpu.memory_space<hbm>> -> memref<40x128xi32, #tpu.memory_space<hbm>>
      %dma_wait3A_165 = arith.constant 0 : i32
      %dma_wait3A_166 = tpu.memref_slice %arg3[%add3A_28, %dma_wait3A_165] : memref<2560x128xi32, #tpu.memory_space<hbm>> -> memref<40x128xi32, #tpu.memory_space<hbm>>
      tpu.wait_dma2 semaphore(%run_scoped3A : memref<!tpu.dma_semaphore, #tpu.memory_space<semaphore_mem>>) src(%dma_wait3A_166 : memref<40x128xi32, #tpu.memory_space<hbm>>) dst(%arg8 : memref<40x128xi32, #tpu.memory_space<vmem>>)
      tpu.yield
    }) : () -> ()
    "tpu.region"() ({
      %run_scoped3A = tpu.sem_alloc : memref<!tpu.dma_semaphore, #tpu.memory_space<semaphore_mem>>
      %dma_start3A_159 = arith.constant 0 : i32
      %dma_start3A_160 = tpu.memref_slice %arg4[%add3A_28, %dma_start3A_159] : memref<2560x128xi32, #tpu.memory_space<hbm>> -> memref<40x128xi32, #tpu.memory_space<hbm>>
      %dma_start3A_161 = arith.constant 0 : i32
      %dma_start3A_162 = tpu.memref_slice %arg4[%add3A_28, %dma_start3A_161] : memref<2560x128xi32, #tpu.memory_space<hbm>> -> memref<40x128xi32, #tpu.memory_space<hbm>>
      tpu.enqueue_dma source(%dma_start3A_162 : memref<40x128xi32, #tpu.memory_space<hbm>>) target(%arg9 : memref<40x128xi32, #tpu.memory_space<vmem>>) target_semaphore(%run_scoped3A : memref<!tpu.dma_semaphore, #tpu.memory_space<semaphore_mem>>)
      %dma_wait3A_163 = arith.constant 0 : i32
      %dma_wait3A_164 = tpu.memref_slice %arg4[%add3A_28, %dma_wait3A_163] : memref<2560x128xi32, #tpu.memory_space<hbm>> -> memref<40x128xi32, #tpu.memory_space<hbm>>
      %dma_wait3A_165 = arith.constant 0 : i32
      %dma_wait3A_166 = tpu.memref_slice %arg4[%add3A_28, %dma_wait3A_165] : memref<2560x128xi32, #tpu.memory_space<hbm>> -> memref<40x128xi32, #tpu.memory_space<hbm>>
      tpu.wait_dma2 semaphore(%run_scoped3A : memref<!tpu.dma_semaphore, #tpu.memory_space<semaphore_mem>>) src(%dma_wait3A_166 : memref<40x128xi32, #tpu.memory_space<hbm>>) dst(%arg9 : memref<40x128xi32, #tpu.memory_space<vmem>>)
      tpu.yield
    }) : () -> ()
    %dma_start3A = arith.constant 0 : i32
    %dma_start3A_29 = arith.constant 0 : i32
    %dma_start3A_30 = tpu.memref_slice %arg8[%dma_start3A, %dma_start3A_29] : memref<40x128xi32, #tpu.memory_space<vmem>> -> memref<1x128xi32, #tpu.memory_space<vmem>>
    %dma_start3A_31 = tpu.memref_squeeze %dma_start3A_30 : memref<1x128xi32, #tpu.memory_space<vmem>> -> memref<128xi32, #tpu.memory_space<vmem>>
    %dma_start3A_32 = arith.constant 0 : i32
    %dma_start3A_33 = arith.constant 0 : i32
    %dma_start3A_34 = tpu.memref_slice %arg2[%dma_start3A_32, %dma_start3A_33] : memref<10240x128xf32, #tpu.memory_space<hbm>> -> memref<10240x128xf32, #tpu.memory_space<hbm>>
    tpu.enqueue_indirect_dma source(%dma_start3A_34 : memref<10240x128xf32, #tpu.memory_space<hbm>>) target(%arg10 : memref<128x128xf32, #tpu.memory_space<vmem>>) offsets(%dma_start3A_31 : memref<128xi32, #tpu.memory_space<vmem>>) semaphore(%arg12 : memref<!tpu.dma_semaphore, #tpu.memory_space<semaphore_mem>>)
    %dma_start3A_35 = arith.constant 1 : i32
    %dma_start3A_36 = arith.constant 0 : i32
    %dma_start3A_37 = tpu.memref_slice %arg8[%dma_start3A_35, %dma_start3A_36] : memref<40x128xi32, #tpu.memory_space<vmem>> -> memref<1x128xi32, #tpu.memory_space<vmem>>
    %dma_start3A_38 = tpu.memref_squeeze %dma_start3A_37 : memref<1x128xi32, #tpu.memory_space<vmem>> -> memref<128xi32, #tpu.memory_space<vmem>>
    %dma_start3A_39 = arith.constant 0 : i32
    %dma_start3A_40 = arith.constant 0 : i32
    %dma_start3A_41 = tpu.memref_slice %arg2[%dma_start3A_39, %dma_start3A_40] : memref<10240x128xf32, #tpu.memory_space<hbm>> -> memref<10240x128xf32, #tpu.memory_space<hbm>>
    tpu.enqueue_indirect_dma source(%dma_start3A_41 : memref<10240x128xf32, #tpu.memory_space<hbm>>) target(%arg11 : memref<128x128xf32, #tpu.memory_space<vmem>>) offsets(%dma_start3A_38 : memref<128xi32, #tpu.memory_space<vmem>>) semaphore(%arg12 : memref<!tpu.dma_semaphore, #tpu.memory_space<semaphore_mem>>)
    %dma_wait3A = arith.constant 0 : i32
    %dma_wait3A_42 = arith.constant 0 : i32
    %dma_wait3A_43 = tpu.memref_slice %arg8[%dma_wait3A, %dma_wait3A_42] : memref<40x128xi32, #tpu.memory_space<vmem>> -> memref<1x128xi32, #tpu.memory_space<vmem>>
    %dma_wait3A_44 = tpu.memref_squeeze %dma_wait3A_43 : memref<1x128xi32, #tpu.memory_space<vmem>> -> memref<128xi32, #tpu.memory_space<vmem>>
    %dma_wait3A_45 = arith.constant 0 : i32
    %dma_wait3A_46 = arith.constant 0 : i32
    %dma_wait3A_47 = tpu.memref_slice %arg2[%dma_wait3A_45, %dma_wait3A_46] : memref<10240x128xf32, #tpu.memory_space<hbm>> -> memref<10240x128xf32, #tpu.memory_space<hbm>>
    tpu.wait_indirect_dma semaphore(%arg12 : memref<!tpu.dma_semaphore, #tpu.memory_space<semaphore_mem>>) src(%dma_wait3A_47 : memref<10240x128xf32, #tpu.memory_space<hbm>>) dst(%arg10 : memref<128x128xf32, #tpu.memory_space<vmem>>)
    %dma_start3A_48 = arith.constant 0 : i32
    %dma_start3A_49 = arith.constant 0 : i32
    %dma_start3A_50 = tpu.memref_slice %arg9[%dma_start3A_48, %dma_start3A_49] : memref<40x128xi32, #tpu.memory_space<vmem>> -> memref<1x128xi32, #tpu.memory_space<vmem>>
    %dma_start3A_51 = tpu.memref_squeeze %dma_start3A_50 : memref<1x128xi32, #tpu.memory_space<vmem>> -> memref<128xi32, #tpu.memory_space<vmem>>
    %dma_start3A_52 = arith.constant 0 : i32
    %dma_start3A_53 = arith.constant 0 : i32
    %dma_start3A_54 = tpu.memref_slice %arg7[%dma_start3A_52, %dma_start3A_53] : memref<10240x128xf32, #tpu.memory_space<vmem_shared>> -> memref<10240x128xf32, #tpu.memory_space<vmem_shared>>
    tpu.enqueue_indirect_dma source(%arg10 : memref<128x128xf32, #tpu.memory_space<vmem>>) target(%dma_start3A_54 : memref<10240x128xf32, #tpu.memory_space<vmem_shared>>) offsets(%dma_start3A_51 : memref<128xi32, #tpu.memory_space<vmem>>) semaphore(%arg13 : memref<!tpu.dma_semaphore, #tpu.memory_space<semaphore_mem>>) {add = true}
    %dma_wait3A_55 = arith.constant 1 : i32
    %dma_wait3A_56 = arith.constant 0 : i32
    %dma_wait3A_57 = tpu.memref_slice %arg8[%dma_wait3A_55, %dma_wait3A_56] : memref<40x128xi32, #tpu.memory_space<vmem>> -> memref<1x128xi32, #tpu.memory_space<vmem>>
    %dma_wait3A_58 = tpu.memref_squeeze %dma_wait3A_57 : memref<1x128xi32, #tpu.memory_space<vmem>> -> memref<128xi32, #tpu.memory_space<vmem>>
    %dma_wait3A_59 = arith.constant 0 : i32
    %dma_wait3A_60 = arith.constant 0 : i32
    %dma_wait3A_61 = tpu.memref_slice %arg2[%dma_wait3A_59, %dma_wait3A_60] : memref<10240x128xf32, #tpu.memory_space<hbm>> -> memref<10240x128xf32, #tpu.memory_space<hbm>>
    tpu.wait_indirect_dma semaphore(%arg12 : memref<!tpu.dma_semaphore, #tpu.memory_space<semaphore_mem>>) src(%dma_wait3A_61 : memref<10240x128xf32, #tpu.memory_space<hbm>>) dst(%arg11 : memref<128x128xf32, #tpu.memory_space<vmem>>)
    %dma_start3A_62 = arith.constant 1 : i32
    %dma_start3A_63 = arith.constant 0 : i32
    %dma_start3A_64 = tpu.memref_slice %arg9[%dma_start3A_62, %dma_start3A_63] : memref<40x128xi32, #tpu.memory_space<vmem>> -> memref<1x128xi32, #tpu.memory_space<vmem>>
    %dma_start3A_65 = tpu.memref_squeeze %dma_start3A_64 : memref<1x128xi32, #tpu.memory_space<vmem>> -> memref<128xi32, #tpu.memory_space<vmem>>
    %dma_start3A_66 = arith.constant 0 : i32
    %dma_start3A_67 = arith.constant 0 : i32
    %dma_start3A_68 = tpu.memref_slice %arg7[%dma_start3A_66, %dma_start3A_67] : memref<10240x128xf32, #tpu.memory_space<vmem_shared>> -> memref<10240x128xf32, #tpu.memory_space<vmem_shared>>
    tpu.enqueue_indirect_dma source(%arg11 : memref<128x128xf32, #tpu.memory_space<vmem>>) target(%dma_start3A_68 : memref<10240x128xf32, #tpu.memory_space<vmem_shared>>) offsets(%dma_start3A_65 : memref<128xi32, #tpu.memory_space<vmem>>) semaphore(%arg13 : memref<!tpu.dma_semaphore, #tpu.memory_space<semaphore_mem>>) {add = true}
    %scan3A_69 = arith.constant 1 : i32
    %scan3A_70 = arith.constant 19 : i32
    %scan3A_71 = arith.addi %scan3A_69, %scan3A_70 : i32
    %scan3A_72 = arith.constant 1 : i32
    scf.for %scan3A_159 = %scan3A_69 to %scan3A_71 step %scan3A_72  : i32 {
      %dma_wait3A_160 = arith.constant 0 : i32
      %dma_wait3A_161 = arith.constant 0 : i32
      %dma_wait3A_162 = tpu.memref_slice %arg2[%dma_wait3A_160, %dma_wait3A_161] : memref<10240x128xf32, #tpu.memory_space<hbm>> -> memref<128x128xf32, #tpu.memory_space<hbm>>
      %dma_wait3A_163 = arith.constant 0 : i32
      %dma_wait3A_164 = arith.constant 0 : i32
      %dma_wait3A_165 = tpu.memref_slice %arg2[%dma_wait3A_163, %dma_wait3A_164] : memref<10240x128xf32, #tpu.memory_space<hbm>> -> memref<128x128xf32, #tpu.memory_space<hbm>>
      tpu.wait_dma2 semaphore(%arg13 : memref<!tpu.dma_semaphore, #tpu.memory_space<semaphore_mem>>) src(%dma_wait3A_165 : memref<128x128xf32, #tpu.memory_space<hbm>>) dst(%arg10 : memref<128x128xf32, #tpu.memory_space<vmem>>)
      %mul3A_166 = arith.constant 2 : i32
      %mul3A_167 = arith.muli %scan3A_159, %mul3A_166 : i32
      %add3A_168 = arith.constant 0 : i32
      %add3A_169 = arith.addi %mul3A_167, %add3A_168 : i32
      %dma_start3A_170 = arith.constant 0 : i32
      %dma_start3A_171 = tpu.memref_slice %arg8[%add3A_169, %dma_start3A_170] : memref<40x128xi32, #tpu.memory_space<vmem>> -> memref<1x128xi32, #tpu.memory_space<vmem>>
      %dma_start3A_172 = tpu.memref_squeeze %dma_start3A_171 : memref<1x128xi32, #tpu.memory_space<vmem>> -> memref<128xi32, #tpu.memory_space<vmem>>
      %dma_start3A_173 = arith.constant 0 : i32
      %dma_start3A_174 = arith.constant 0 : i32
      %dma_start3A_175 = tpu.memref_slice %arg2[%dma_start3A_173, %dma_start3A_174] : memref<10240x128xf32, #tpu.memory_space<hbm>> -> memref<10240x128xf32, #tpu.memory_space<hbm>>
      tpu.enqueue_indirect_dma source(%dma_start3A_175 : memref<10240x128xf32, #tpu.memory_space<hbm>>) target(%arg10 : memref<128x128xf32, #tpu.memory_space<vmem>>) offsets(%dma_start3A_172 : memref<128xi32, #tpu.memory_space<vmem>>) semaphore(%arg12 : memref<!tpu.dma_semaphore, #tpu.memory_space<semaphore_mem>>)
      %dma_wait3A_176 = arith.constant 0 : i32
      %dma_wait3A_177 = arith.constant 0 : i32
      %dma_wait3A_178 = tpu.memref_slice %arg2[%dma_wait3A_176, %dma_wait3A_177] : memref<10240x128xf32, #tpu.memory_space<hbm>> -> memref<128x128xf32, #tpu.memory_space<hbm>>
      %dma_wait3A_179 = arith.constant 0 : i32
      %dma_wait3A_180 = arith.constant 0 : i32
      %dma_wait3A_181 = tpu.memref_slice %arg2[%dma_wait3A_179, %dma_wait3A_180] : memref<10240x128xf32, #tpu.memory_space<hbm>> -> memref<128x128xf32, #tpu.memory_space<hbm>>
      tpu.wait_dma2 semaphore(%arg13 : memref<!tpu.dma_semaphore, #tpu.memory_space<semaphore_mem>>) src(%dma_wait3A_181 : memref<128x128xf32, #tpu.memory_space<hbm>>) dst(%arg10 : memref<128x128xf32, #tpu.memory_space<vmem>>)
      %mul3A_182 = arith.constant 2 : i32
      %mul3A_183 = arith.muli %scan3A_159, %mul3A_182 : i32
      %add3A_184 = arith.constant 1 : i32
      %add3A_185 = arith.addi %mul3A_183, %add3A_184 : i32
      %dma_start3A_186 = arith.constant 0 : i32
      %dma_start3A_187 = tpu.memref_slice %arg8[%add3A_185, %dma_start3A_186] : memref<40x128xi32, #tpu.memory_space<vmem>> -> memref<1x128xi32, #tpu.memory_space<vmem>>
      %dma_start3A_188 = tpu.memref_squeeze %dma_start3A_187 : memref<1x128xi32, #tpu.memory_space<vmem>> -> memref<128xi32, #tpu.memory_space<vmem>>
      %dma_start3A_189 = arith.constant 0 : i32
      %dma_start3A_190 = arith.constant 0 : i32
      %dma_start3A_191 = tpu.memref_slice %arg2[%dma_start3A_189, %dma_start3A_190] : memref<10240x128xf32, #tpu.memory_space<hbm>> -> memref<10240x128xf32, #tpu.memory_space<hbm>>
      tpu.enqueue_indirect_dma source(%dma_start3A_191 : memref<10240x128xf32, #tpu.memory_space<hbm>>) target(%arg11 : memref<128x128xf32, #tpu.memory_space<vmem>>) offsets(%dma_start3A_188 : memref<128xi32, #tpu.memory_space<vmem>>) semaphore(%arg12 : memref<!tpu.dma_semaphore, #tpu.memory_space<semaphore_mem>>)
      %dma_wait3A_192 = arith.constant 0 : i32
      %dma_wait3A_193 = tpu.memref_slice %arg8[%add3A_169, %dma_wait3A_192] : memref<40x128xi32, #tpu.memory_space<vmem>> -> memref<1x128xi32, #tpu.memory_space<vmem>>
      %dma_wait3A_194 = tpu.memref_squeeze %dma_wait3A_193 : memref<1x128xi32, #tpu.memory_space<vmem>> -> memref<128xi32, #tpu.memory_space<vmem>>
      %dma_wait3A_195 = arith.constant 0 : i32
      %dma_wait3A_196 = arith.constant 0 : i32
      %dma_wait3A_197 = tpu.memref_slice %arg2[%dma_wait3A_195, %dma_wait3A_196] : memref<10240x128xf32, #tpu.memory_space<hbm>> -> memref<10240x128xf32, #tpu.memory_space<hbm>>
      tpu.wait_indirect_dma semaphore(%arg12 : memref<!tpu.dma_semaphore, #tpu.memory_space<semaphore_mem>>) src(%dma_wait3A_197 : memref<10240x128xf32, #tpu.memory_space<hbm>>) dst(%arg10 : memref<128x128xf32, #tpu.memory_space<vmem>>)
      %mul3A_198 = arith.constant 2 : i32
      %mul3A_199 = arith.muli %scan3A_159, %mul3A_198 : i32
      %add3A_200 = arith.constant 0 : i32
      %add3A_201 = arith.addi %mul3A_199, %add3A_200 : i32
      %dma_start3A_202 = arith.constant 0 : i32
      %dma_start3A_203 = tpu.memref_slice %arg9[%add3A_201, %dma_start3A_202] : memref<40x128xi32, #tpu.memory_space<vmem>> -> memref<1x128xi32, #tpu.memory_space<vmem>>
      %dma_start3A_204 = tpu.memref_squeeze %dma_start3A_203 : memref<1x128xi32, #tpu.memory_space<vmem>> -> memref<128xi32, #tpu.memory_space<vmem>>
      %dma_start3A_205 = arith.constant 0 : i32
      %dma_start3A_206 = arith.constant 0 : i32
      %dma_start3A_207 = tpu.memref_slice %arg7[%dma_start3A_205, %dma_start3A_206] : memref<10240x128xf32, #tpu.memory_space<vmem_shared>> -> memref<10240x128xf32, #tpu.memory_space<vmem_shared>>
      tpu.enqueue_indirect_dma source(%arg10 : memref<128x128xf32, #tpu.memory_space<vmem>>) target(%dma_start3A_207 : memref<10240x128xf32, #tpu.memory_space<vmem_shared>>) offsets(%dma_start3A_204 : memref<128xi32, #tpu.memory_space<vmem>>) semaphore(%arg13 : memref<!tpu.dma_semaphore, #tpu.memory_space<semaphore_mem>>) {add = true}
      %dma_wait3A_208 = arith.constant 0 : i32
      %dma_wait3A_209 = tpu.memref_slice %arg8[%add3A_185, %dma_wait3A_208] : memref<40x128xi32, #tpu.memory_space<vmem>> -> memref<1x128xi32, #tpu.memory_space<vmem>>
      %dma_wait3A_210 = tpu.memref_squeeze %dma_wait3A_209 : memref<1x128xi32, #tpu.memory_space<vmem>> -> memref<128xi32, #tpu.memory_space<vmem>>
      %dma_wait3A_211 = arith.constant 0 : i32
      %dma_wait3A_212 = arith.constant 0 : i32
      %dma_wait3A_213 = tpu.memref_slice %arg2[%dma_wait3A_211, %dma_wait3A_212] : memref<10240x128xf32, #tpu.memory_space<hbm>> -> memref<10240x128xf32, #tpu.memory_space<hbm>>
      tpu.wait_indirect_dma semaphore(%arg12 : memref<!tpu.dma_semaphore, #tpu.memory_space<semaphore_mem>>) src(%dma_wait3A_213 : memref<10240x128xf32, #tpu.memory_space<hbm>>) dst(%arg11 : memref<128x128xf32, #tpu.memory_space<vmem>>)
      %mul3A_214 = arith.constant 2 : i32
      %mul3A_215 = arith.muli %scan3A_159, %mul3A_214 : i32
      %add3A_216 = arith.constant 1 : i32
      %add3A_217 = arith.addi %mul3A_215, %add3A_216 : i32
      %dma_start3A_218 = arith.constant 0 : i32
      %dma_start3A_219 = tpu.memref_slice %arg9[%add3A_217, %dma_start3A_218] : memref<40x128xi32, #tpu.memory_space<vmem>> -> memref<1x128xi32, #tpu.memory_space<vmem>>
      %dma_start3A_220 = tpu.memref_squeeze %dma_start3A_219 : memref<1x128xi32, #tpu.memory_space<vmem>> -> memref<128xi32, #tpu.memory_space<vmem>>
      %dma_start3A_221 = arith.constant 0 : i32
      %dma_start3A_222 = arith.constant 0 : i32
      %dma_start3A_223 = tpu.memref_slice %arg7[%dma_start3A_221, %dma_start3A_222] : memref<10240x128xf32, #tpu.memory_space<vmem_shared>> -> memref<10240x128xf32, #tpu.memory_space<vmem_shared>>
      tpu.enqueue_indirect_dma source(%arg11 : memref<128x128xf32, #tpu.memory_space<vmem>>) target(%dma_start3A_223 : memref<10240x128xf32, #tpu.memory_space<vmem_shared>>) offsets(%dma_start3A_220 : memref<128xi32, #tpu.memory_space<vmem>>) semaphore(%arg13 : memref<!tpu.dma_semaphore, #tpu.memory_space<semaphore_mem>>) {add = true}
    }
    %scan3A_73 = arith.constant 19 : i32
    %dma_wait3A_74 = arith.constant 0 : i32
    %dma_wait3A_75 = arith.constant 0 : i32
    %dma_wait3A_76 = tpu.memref_slice %arg2[%dma_wait3A_74, %dma_wait3A_75] : memref<10240x128xf32, #tpu.memory_space<hbm>> -> memref<128x128xf32, #tpu.memory_space<hbm>>
    %dma_wait3A_77 = arith.constant 0 : i32
    %dma_wait3A_78 = arith.constant 0 : i32
    %dma_wait3A_79 = tpu.memref_slice %arg2[%dma_wait3A_77, %dma_wait3A_78] : memref<10240x128xf32, #tpu.memory_space<hbm>> -> memref<128x128xf32, #tpu.memory_space<hbm>>
    tpu.wait_dma2 semaphore(%arg13 : memref<!tpu.dma_semaphore, #tpu.memory_space<semaphore_mem>>) src(%dma_wait3A_79 : memref<128x128xf32, #tpu.memory_space<hbm>>) dst(%arg10 : memref<128x128xf32, #tpu.memory_space<vmem>>)
    %dma_wait3A_80 = arith.constant 0 : i32
    %dma_wait3A_81 = arith.constant 0 : i32
    %dma_wait3A_82 = tpu.memref_slice %arg2[%dma_wait3A_80, %dma_wait3A_81] : memref<10240x128xf32, #tpu.memory_space<hbm>> -> memref<128x128xf32, #tpu.memory_space<hbm>>
    %dma_wait3A_83 = arith.constant 0 : i32
    %dma_wait3A_84 = arith.constant 0 : i32
    %dma_wait3A_85 = tpu.memref_slice %arg2[%dma_wait3A_83, %dma_wait3A_84] : memref<10240x128xf32, #tpu.memory_space<hbm>> -> memref<128x128xf32, #tpu.memory_space<hbm>>
    tpu.wait_dma2 semaphore(%arg13 : memref<!tpu.dma_semaphore, #tpu.memory_space<semaphore_mem>>) src(%dma_wait3A_85 : memref<128x128xf32, #tpu.memory_space<hbm>>) dst(%arg10 : memref<128x128xf32, #tpu.memory_space<vmem>>)
    %mul3A_86 = arith.constant 80 : i32
    %mul3A_87 = arith.muli %add3A, %mul3A_86 : i32
    %add3A_88 = arith.constant 40 : i32
    %add3A_89 = arith.addi %mul3A_87, %add3A_88 : i32
    "tpu.region"() ({
      %run_scoped3A = tpu.sem_alloc : memref<!tpu.dma_semaphore, #tpu.memory_space<semaphore_mem>>
      %dma_start3A_159 = arith.constant 0 : i32
      %dma_start3A_160 = tpu.memref_slice %arg3[%add3A_89, %dma_start3A_159] : memref<2560x128xi32, #tpu.memory_space<hbm>> -> memref<40x128xi32, #tpu.memory_space<hbm>>
      %dma_start3A_161 = arith.constant 0 : i32
      %dma_start3A_162 = tpu.memref_slice %arg3[%add3A_89, %dma_start3A_161] : memref<2560x128xi32, #tpu.memory_space<hbm>> -> memref<40x128xi32, #tpu.memory_space<hbm>>
      tpu.enqueue_dma source(%dma_start3A_162 : memref<40x128xi32, #tpu.memory_space<hbm>>) target(%arg8 : memref<40x128xi32, #tpu.memory_space<vmem>>) target_semaphore(%run_scoped3A : memref<!tpu.dma_semaphore, #tpu.memory_space<semaphore_mem>>)
      %dma_wait3A_163 = arith.constant 0 : i32
      %dma_wait3A_164 = tpu.memref_slice %arg3[%add3A_89, %dma_wait3A_163] : memref<2560x128xi32, #tpu.memory_space<hbm>> -> memref<40x128xi32, #tpu.memory_space<hbm>>
      %dma_wait3A_165 = arith.constant 0 : i32
      %dma_wait3A_166 = tpu.memref_slice %arg3[%add3A_89, %dma_wait3A_165] : memref<2560x128xi32, #tpu.memory_space<hbm>> -> memref<40x128xi32, #tpu.memory_space<hbm>>
      tpu.wait_dma2 semaphore(%run_scoped3A : memref<!tpu.dma_semaphore, #tpu.memory_space<semaphore_mem>>) src(%dma_wait3A_166 : memref<40x128xi32, #tpu.memory_space<hbm>>) dst(%arg8 : memref<40x128xi32, #tpu.memory_space<vmem>>)
      tpu.yield
    }) : () -> ()
    "tpu.region"() ({
      %run_scoped3A = tpu.sem_alloc : memref<!tpu.dma_semaphore, #tpu.memory_space<semaphore_mem>>
      %dma_start3A_159 = arith.constant 0 : i32
      %dma_start3A_160 = tpu.memref_slice %arg4[%add3A_89, %dma_start3A_159] : memref<2560x128xi32, #tpu.memory_space<hbm>> -> memref<40x128xi32, #tpu.memory_space<hbm>>
      %dma_start3A_161 = arith.constant 0 : i32
      %dma_start3A_162 = tpu.memref_slice %arg4[%add3A_89, %dma_start3A_161] : memref<2560x128xi32, #tpu.memory_space<hbm>> -> memref<40x128xi32, #tpu.memory_space<hbm>>
      tpu.enqueue_dma source(%dma_start3A_162 : memref<40x128xi32, #tpu.memory_space<hbm>>) target(%arg9 : memref<40x128xi32, #tpu.memory_space<vmem>>) target_semaphore(%run_scoped3A : memref<!tpu.dma_semaphore, #tpu.memory_space<semaphore_mem>>)
      %dma_wait3A_163 = arith.constant 0 : i32
      %dma_wait3A_164 = tpu.memref_slice %arg4[%add3A_89, %dma_wait3A_163] : memref<2560x128xi32, #tpu.memory_space<hbm>> -> memref<40x128xi32, #tpu.memory_space<hbm>>
      %dma_wait3A_165 = arith.constant 0 : i32
      %dma_wait3A_166 = tpu.memref_slice %arg4[%add3A_89, %dma_wait3A_165] : memref<2560x128xi32, #tpu.memory_space<hbm>> -> memref<40x128xi32, #tpu.memory_space<hbm>>
      tpu.wait_dma2 semaphore(%run_scoped3A : memref<!tpu.dma_semaphore, #tpu.memory_space<semaphore_mem>>) src(%dma_wait3A_166 : memref<40x128xi32, #tpu.memory_space<hbm>>) dst(%arg9 : memref<40x128xi32, #tpu.memory_space<vmem>>)
      tpu.yield
    }) : () -> ()
    %dma_start3A_90 = arith.constant 0 : i32
    %dma_start3A_91 = arith.constant 0 : i32
    %dma_start3A_92 = tpu.memref_slice %arg8[%dma_start3A_90, %dma_start3A_91] : memref<40x128xi32, #tpu.memory_space<vmem>> -> memref<1x128xi32, #tpu.memory_space<vmem>>
    %dma_start3A_93 = tpu.memref_squeeze %dma_start3A_92 : memref<1x128xi32, #tpu.memory_space<vmem>> -> memref<128xi32, #tpu.memory_space<vmem>>
    %dma_start3A_94 = arith.constant 0 : i32
    %dma_start3A_95 = arith.constant 0 : i32
    %dma_start3A_96 = tpu.memref_slice %arg2[%dma_start3A_94, %dma_start3A_95] : memref<10240x128xf32, #tpu.memory_space<hbm>> -> memref<10240x128xf32, #tpu.memory_space<hbm>>
    tpu.enqueue_indirect_dma source(%dma_start3A_96 : memref<10240x128xf32, #tpu.memory_space<hbm>>) target(%arg10 : memref<128x128xf32, #tpu.memory_space<vmem>>) offsets(%dma_start3A_93 : memref<128xi32, #tpu.memory_space<vmem>>) semaphore(%arg12 : memref<!tpu.dma_semaphore, #tpu.memory_space<semaphore_mem>>)
    %dma_start3A_97 = arith.constant 1 : i32
    %dma_start3A_98 = arith.constant 0 : i32
    %dma_start3A_99 = tpu.memref_slice %arg8[%dma_start3A_97, %dma_start3A_98] : memref<40x128xi32, #tpu.memory_space<vmem>> -> memref<1x128xi32, #tpu.memory_space<vmem>>
    %dma_start3A_100 = tpu.memref_squeeze %dma_start3A_99 : memref<1x128xi32, #tpu.memory_space<vmem>> -> memref<128xi32, #tpu.memory_space<vmem>>
    %dma_start3A_101 = arith.constant 0 : i32
    %dma_start3A_102 = arith.constant 0 : i32
    %dma_start3A_103 = tpu.memref_slice %arg2[%dma_start3A_101, %dma_start3A_102] : memref<10240x128xf32, #tpu.memory_space<hbm>> -> memref<10240x128xf32, #tpu.memory_space<hbm>>
    tpu.enqueue_indirect_dma source(%dma_start3A_103 : memref<10240x128xf32, #tpu.memory_space<hbm>>) target(%arg11 : memref<128x128xf32, #tpu.memory_space<vmem>>) offsets(%dma_start3A_100 : memref<128xi32, #tpu.memory_space<vmem>>) semaphore(%arg12 : memref<!tpu.dma_semaphore, #tpu.memory_space<semaphore_mem>>)
    %dma_wait3A_104 = arith.constant 0 : i32
    %dma_wait3A_105 = arith.constant 0 : i32
    %dma_wait3A_106 = tpu.memref_slice %arg8[%dma_wait3A_104, %dma_wait3A_105] : memref<40x128xi32, #tpu.memory_space<vmem>> -> memref<1x128xi32, #tpu.memory_space<vmem>>
    %dma_wait3A_107 = tpu.memref_squeeze %dma_wait3A_106 : memref<1x128xi32, #tpu.memory_space<vmem>> -> memref<128xi32, #tpu.memory_space<vmem>>
    %dma_wait3A_108 = arith.constant 0 : i32
    %dma_wait3A_109 = arith.constant 0 : i32
    %dma_wait3A_110 = tpu.memref_slice %arg2[%dma_wait3A_108, %dma_wait3A_109] : memref<10240x128xf32, #tpu.memory_space<hbm>> -> memref<10240x128xf32, #tpu.memory_space<hbm>>
    tpu.wait_indirect_dma semaphore(%arg12 : memref<!tpu.dma_semaphore, #tpu.memory_space<semaphore_mem>>) src(%dma_wait3A_110 : memref<10240x128xf32, #tpu.memory_space<hbm>>) dst(%arg10 : memref<128x128xf32, #tpu.memory_space<vmem>>)
    %dma_start3A_111 = arith.constant 0 : i32
    %dma_start3A_112 = arith.constant 0 : i32
    %dma_start3A_113 = tpu.memref_slice %arg9[%dma_start3A_111, %dma_start3A_112] : memref<40x128xi32, #tpu.memory_space<vmem>> -> memref<1x128xi32, #tpu.memory_space<vmem>>
    %dma_start3A_114 = tpu.memref_squeeze %dma_start3A_113 : memref<1x128xi32, #tpu.memory_space<vmem>> -> memref<128xi32, #tpu.memory_space<vmem>>
    %dma_start3A_115 = arith.constant 0 : i32
    %dma_start3A_116 = arith.constant 0 : i32
    %dma_start3A_117 = tpu.memref_slice %arg7[%dma_start3A_115, %dma_start3A_116] : memref<10240x128xf32, #tpu.memory_space<vmem_shared>> -> memref<10240x128xf32, #tpu.memory_space<vmem_shared>>
    tpu.enqueue_indirect_dma source(%arg10 : memref<128x128xf32, #tpu.memory_space<vmem>>) target(%dma_start3A_117 : memref<10240x128xf32, #tpu.memory_space<vmem_shared>>) offsets(%dma_start3A_114 : memref<128xi32, #tpu.memory_space<vmem>>) semaphore(%arg13 : memref<!tpu.dma_semaphore, #tpu.memory_space<semaphore_mem>>) {add = true}
    %dma_wait3A_118 = arith.constant 1 : i32
    %dma_wait3A_119 = arith.constant 0 : i32
    %dma_wait3A_120 = tpu.memref_slice %arg8[%dma_wait3A_118, %dma_wait3A_119] : memref<40x128xi32, #tpu.memory_space<vmem>> -> memref<1x128xi32, #tpu.memory_space<vmem>>
    %dma_wait3A_121 = tpu.memref_squeeze %dma_wait3A_120 : memref<1x128xi32, #tpu.memory_space<vmem>> -> memref<128xi32, #tpu.memory_space<vmem>>
    %dma_wait3A_122 = arith.constant 0 : i32
    %dma_wait3A_123 = arith.constant 0 : i32
    %dma_wait3A_124 = tpu.memref_slice %arg2[%dma_wait3A_122, %dma_wait3A_123] : memref<10240x128xf32, #tpu.memory_space<hbm>> -> memref<10240x128xf32, #tpu.memory_space<hbm>>
    tpu.wait_indirect_dma semaphore(%arg12 : memref<!tpu.dma_semaphore, #tpu.memory_space<semaphore_mem>>) src(%dma_wait3A_124 : memref<10240x128xf32, #tpu.memory_space<hbm>>) dst(%arg11 : memref<128x128xf32, #tpu.memory_space<vmem>>)
    %dma_start3A_125 = arith.constant 1 : i32
    %dma_start3A_126 = arith.constant 0 : i32
    %dma_start3A_127 = tpu.memref_slice %arg9[%dma_start3A_125, %dma_start3A_126] : memref<40x128xi32, #tpu.memory_space<vmem>> -> memref<1x128xi32, #tpu.memory_space<vmem>>
    %dma_start3A_128 = tpu.memref_squeeze %dma_start3A_127 : memref<1x128xi32, #tpu.memory_space<vmem>> -> memref<128xi32, #tpu.memory_space<vmem>>
    %dma_start3A_129 = arith.constant 0 : i32
    %dma_start3A_130 = arith.constant 0 : i32
    %dma_start3A_131 = tpu.memref_slice %arg7[%dma_start3A_129, %dma_start3A_130] : memref<10240x128xf32, #tpu.memory_space<vmem_shared>> -> memref<10240x128xf32, #tpu.memory_space<vmem_shared>>
    tpu.enqueue_indirect_dma source(%arg11 : memref<128x128xf32, #tpu.memory_space<vmem>>) target(%dma_start3A_131 : memref<10240x128xf32, #tpu.memory_space<vmem_shared>>) offsets(%dma_start3A_128 : memref<128xi32, #tpu.memory_space<vmem>>) semaphore(%arg13 : memref<!tpu.dma_semaphore, #tpu.memory_space<semaphore_mem>>) {add = true}
    %scan3A_132 = arith.constant 1 : i32
    %scan3A_133 = arith.constant 19 : i32
    %scan3A_134 = arith.addi %scan3A_132, %scan3A_133 : i32
    %scan3A_135 = arith.constant 1 : i32
    scf.for %scan3A_159 = %scan3A_132 to %scan3A_134 step %scan3A_135  : i32 {
      %dma_wait3A_160 = arith.constant 0 : i32
      %dma_wait3A_161 = arith.constant 0 : i32
      %dma_wait3A_162 = tpu.memref_slice %arg2[%dma_wait3A_160, %dma_wait3A_161] : memref<10240x128xf32, #tpu.memory_space<hbm>> -> memref<128x128xf32, #tpu.memory_space<hbm>>
      %dma_wait3A_163 = arith.constant 0 : i32
      %dma_wait3A_164 = arith.constant 0 : i32
      %dma_wait3A_165 = tpu.memref_slice %arg2[%dma_wait3A_163, %dma_wait3A_164] : memref<10240x128xf32, #tpu.memory_space<hbm>> -> memref<128x128xf32, #tpu.memory_space<hbm>>
      tpu.wait_dma2 semaphore(%arg13 : memref<!tpu.dma_semaphore, #tpu.memory_space<semaphore_mem>>) src(%dma_wait3A_165 : memref<128x128xf32, #tpu.memory_space<hbm>>) dst(%arg10 : memref<128x128xf32, #tpu.memory_space<vmem>>)
      %mul3A_166 = arith.constant 2 : i32
      %mul3A_167 = arith.muli %scan3A_159, %mul3A_166 : i32
      %add3A_168 = arith.constant 0 : i32
      %add3A_169 = arith.addi %mul3A_167, %add3A_168 : i32
      %dma_start3A_170 = arith.constant 0 : i32
      %dma_start3A_171 = tpu.memref_slice %arg8[%add3A_169, %dma_start3A_170] : memref<40x128xi32, #tpu.memory_space<vmem>> -> memref<1x128xi32, #tpu.memory_space<vmem>>
      %dma_start3A_172 = tpu.memref_squeeze %dma_start3A_171 : memref<1x128xi32, #tpu.memory_space<vmem>> -> memref<128xi32, #tpu.memory_space<vmem>>
      %dma_start3A_173 = arith.constant 0 : i32
      %dma_start3A_174 = arith.constant 0 : i32
      %dma_start3A_175 = tpu.memref_slice %arg2[%dma_start3A_173, %dma_start3A_174] : memref<10240x128xf32, #tpu.memory_space<hbm>> -> memref<10240x128xf32, #tpu.memory_space<hbm>>
      tpu.enqueue_indirect_dma source(%dma_start3A_175 : memref<10240x128xf32, #tpu.memory_space<hbm>>) target(%arg10 : memref<128x128xf32, #tpu.memory_space<vmem>>) offsets(%dma_start3A_172 : memref<128xi32, #tpu.memory_space<vmem>>) semaphore(%arg12 : memref<!tpu.dma_semaphore, #tpu.memory_space<semaphore_mem>>)
      %dma_wait3A_176 = arith.constant 0 : i32
      %dma_wait3A_177 = arith.constant 0 : i32
      %dma_wait3A_178 = tpu.memref_slice %arg2[%dma_wait3A_176, %dma_wait3A_177] : memref<10240x128xf32, #tpu.memory_space<hbm>> -> memref<128x128xf32, #tpu.memory_space<hbm>>
      %dma_wait3A_179 = arith.constant 0 : i32
      %dma_wait3A_180 = arith.constant 0 : i32
      %dma_wait3A_181 = tpu.memref_slice %arg2[%dma_wait3A_179, %dma_wait3A_180] : memref<10240x128xf32, #tpu.memory_space<hbm>> -> memref<128x128xf32, #tpu.memory_space<hbm>>
      tpu.wait_dma2 semaphore(%arg13 : memref<!tpu.dma_semaphore, #tpu.memory_space<semaphore_mem>>) src(%dma_wait3A_181 : memref<128x128xf32, #tpu.memory_space<hbm>>) dst(%arg10 : memref<128x128xf32, #tpu.memory_space<vmem>>)
      %mul3A_182 = arith.constant 2 : i32
      %mul3A_183 = arith.muli %scan3A_159, %mul3A_182 : i32
      %add3A_184 = arith.constant 1 : i32
      %add3A_185 = arith.addi %mul3A_183, %add3A_184 : i32
      %dma_start3A_186 = arith.constant 0 : i32
      %dma_start3A_187 = tpu.memref_slice %arg8[%add3A_185, %dma_start3A_186] : memref<40x128xi32, #tpu.memory_space<vmem>> -> memref<1x128xi32, #tpu.memory_space<vmem>>
      %dma_start3A_188 = tpu.memref_squeeze %dma_start3A_187 : memref<1x128xi32, #tpu.memory_space<vmem>> -> memref<128xi32, #tpu.memory_space<vmem>>
      %dma_start3A_189 = arith.constant 0 : i32
      %dma_start3A_190 = arith.constant 0 : i32
      %dma_start3A_191 = tpu.memref_slice %arg2[%dma_start3A_189, %dma_start3A_190] : memref<10240x128xf32, #tpu.memory_space<hbm>> -> memref<10240x128xf32, #tpu.memory_space<hbm>>
      tpu.enqueue_indirect_dma source(%dma_start3A_191 : memref<10240x128xf32, #tpu.memory_space<hbm>>) target(%arg11 : memref<128x128xf32, #tpu.memory_space<vmem>>) offsets(%dma_start3A_188 : memref<128xi32, #tpu.memory_space<vmem>>) semaphore(%arg12 : memref<!tpu.dma_semaphore, #tpu.memory_space<semaphore_mem>>)
      %dma_wait3A_192 = arith.constant 0 : i32
      %dma_wait3A_193 = tpu.memref_slice %arg8[%add3A_169, %dma_wait3A_192] : memref<40x128xi32, #tpu.memory_space<vmem>> -> memref<1x128xi32, #tpu.memory_space<vmem>>
      %dma_wait3A_194 = tpu.memref_squeeze %dma_wait3A_193 : memref<1x128xi32, #tpu.memory_space<vmem>> -> memref<128xi32, #tpu.memory_space<vmem>>
      %dma_wait3A_195 = arith.constant 0 : i32
      %dma_wait3A_196 = arith.constant 0 : i32
      %dma_wait3A_197 = tpu.memref_slice %arg2[%dma_wait3A_195, %dma_wait3A_196] : memref<10240x128xf32, #tpu.memory_space<hbm>> -> memref<10240x128xf32, #tpu.memory_space<hbm>>
      tpu.wait_indirect_dma semaphore(%arg12 : memref<!tpu.dma_semaphore, #tpu.memory_space<semaphore_mem>>) src(%dma_wait3A_197 : memref<10240x128xf32, #tpu.memory_space<hbm>>) dst(%arg10 : memref<128x128xf32, #tpu.memory_space<vmem>>)
      %mul3A_198 = arith.constant 2 : i32
      %mul3A_199 = arith.muli %scan3A_159, %mul3A_198 : i32
      %add3A_200 = arith.constant 0 : i32
      %add3A_201 = arith.addi %mul3A_199, %add3A_200 : i32
      %dma_start3A_202 = arith.constant 0 : i32
      %dma_start3A_203 = tpu.memref_slice %arg9[%add3A_201, %dma_start3A_202] : memref<40x128xi32, #tpu.memory_space<vmem>> -> memref<1x128xi32, #tpu.memory_space<vmem>>
      %dma_start3A_204 = tpu.memref_squeeze %dma_start3A_203 : memref<1x128xi32, #tpu.memory_space<vmem>> -> memref<128xi32, #tpu.memory_space<vmem>>
      %dma_start3A_205 = arith.constant 0 : i32
      %dma_start3A_206 = arith.constant 0 : i32
      %dma_start3A_207 = tpu.memref_slice %arg7[%dma_start3A_205, %dma_start3A_206] : memref<10240x128xf32, #tpu.memory_space<vmem_shared>> -> memref<10240x128xf32, #tpu.memory_space<vmem_shared>>
      tpu.enqueue_indirect_dma source(%arg10 : memref<128x128xf32, #tpu.memory_space<vmem>>) target(%dma_start3A_207 : memref<10240x128xf32, #tpu.memory_space<vmem_shared>>) offsets(%dma_start3A_204 : memref<128xi32, #tpu.memory_space<vmem>>) semaphore(%arg13 : memref<!tpu.dma_semaphore, #tpu.memory_space<semaphore_mem>>) {add = true}
      %dma_wait3A_208 = arith.constant 0 : i32
      %dma_wait3A_209 = tpu.memref_slice %arg8[%add3A_185, %dma_wait3A_208] : memref<40x128xi32, #tpu.memory_space<vmem>> -> memref<1x128xi32, #tpu.memory_space<vmem>>
      %dma_wait3A_210 = tpu.memref_squeeze %dma_wait3A_209 : memref<1x128xi32, #tpu.memory_space<vmem>> -> memref<128xi32, #tpu.memory_space<vmem>>
      %dma_wait3A_211 = arith.constant 0 : i32
      %dma_wait3A_212 = arith.constant 0 : i32
      %dma_wait3A_213 = tpu.memref_slice %arg2[%dma_wait3A_211, %dma_wait3A_212] : memref<10240x128xf32, #tpu.memory_space<hbm>> -> memref<10240x128xf32, #tpu.memory_space<hbm>>
      tpu.wait_indirect_dma semaphore(%arg12 : memref<!tpu.dma_semaphore, #tpu.memory_space<semaphore_mem>>) src(%dma_wait3A_213 : memref<10240x128xf32, #tpu.memory_space<hbm>>) dst(%arg11 : memref<128x128xf32, #tpu.memory_space<vmem>>)
      %mul3A_214 = arith.constant 2 : i32
      %mul3A_215 = arith.muli %scan3A_159, %mul3A_214 : i32
      %add3A_216 = arith.constant 1 : i32
      %add3A_217 = arith.addi %mul3A_215, %add3A_216 : i32
      %dma_start3A_218 = arith.constant 0 : i32
      %dma_start3A_219 = tpu.memref_slice %arg9[%add3A_217, %dma_start3A_218] : memref<40x128xi32, #tpu.memory_space<vmem>> -> memref<1x128xi32, #tpu.memory_space<vmem>>
      %dma_start3A_220 = tpu.memref_squeeze %dma_start3A_219 : memref<1x128xi32, #tpu.memory_space<vmem>> -> memref<128xi32, #tpu.memory_space<vmem>>
      %dma_start3A_221 = arith.constant 0 : i32
      %dma_start3A_222 = arith.constant 0 : i32
      %dma_start3A_223 = tpu.memref_slice %arg7[%dma_start3A_221, %dma_start3A_222] : memref<10240x128xf32, #tpu.memory_space<vmem_shared>> -> memref<10240x128xf32, #tpu.memory_space<vmem_shared>>
      tpu.enqueue_indirect_dma source(%arg11 : memref<128x128xf32, #tpu.memory_space<vmem>>) target(%dma_start3A_223 : memref<10240x128xf32, #tpu.memory_space<vmem_shared>>) offsets(%dma_start3A_220 : memref<128xi32, #tpu.memory_space<vmem>>) semaphore(%arg13 : memref<!tpu.dma_semaphore, #tpu.memory_space<semaphore_mem>>) {add = true}
    }
    %scan3A_136 = arith.constant 19 : i32
    %dma_wait3A_137 = arith.constant 0 : i32
    %dma_wait3A_138 = arith.constant 0 : i32
    %dma_wait3A_139 = tpu.memref_slice %arg2[%dma_wait3A_137, %dma_wait3A_138] : memref<10240x128xf32, #tpu.memory_space<hbm>> -> memref<128x128xf32, #tpu.memory_space<hbm>>
    %dma_wait3A_140 = arith.constant 0 : i32
    %dma_wait3A_141 = arith.constant 0 : i32
    %dma_wait3A_142 = tpu.memref_slice %arg2[%dma_wait3A_140, %dma_wait3A_141] : memref<10240x128xf32, #tpu.memory_space<hbm>> -> memref<128x128xf32, #tpu.memory_space<hbm>>
    tpu.wait_dma2 semaphore(%arg13 : memref<!tpu.dma_semaphore, #tpu.memory_space<semaphore_mem>>) src(%dma_wait3A_142 : memref<128x128xf32, #tpu.memory_space<hbm>>) dst(%arg10 : memref<128x128xf32, #tpu.memory_space<vmem>>)
    %dma_wait3A_143 = arith.constant 0 : i32
    %dma_wait3A_144 = arith.constant 0 : i32
    %dma_wait3A_145 = tpu.memref_slice %arg2[%dma_wait3A_143, %dma_wait3A_144] : memref<10240x128xf32, #tpu.memory_space<hbm>> -> memref<128x128xf32, #tpu.memory_space<hbm>>
    %dma_wait3A_146 = arith.constant 0 : i32
    %dma_wait3A_147 = arith.constant 0 : i32
    %dma_wait3A_148 = tpu.memref_slice %arg2[%dma_wait3A_146, %dma_wait3A_147] : memref<10240x128xf32, #tpu.memory_space<hbm>> -> memref<128x128xf32, #tpu.memory_space<hbm>>
    tpu.wait_dma2 semaphore(%arg13 : memref<!tpu.dma_semaphore, #tpu.memory_space<semaphore_mem>>) src(%dma_wait3A_148 : memref<128x128xf32, #tpu.memory_space<hbm>>) dst(%arg10 : memref<128x128xf32, #tpu.memory_space<vmem>>)
    %barrier3A_149 = arith.constant 0 : index
    tpu.barrier barrier_id(%barrier3A_149)
    %mul3A_150 = arith.constant 640 : i32
    %mul3A_151 = arith.muli %arg1, %mul3A_150 : i32
    %eq3A = arith.constant 0 : i32
    %eq3A_152 = arith.cmpi eq, %arg0, %eq3A : i32
    %convert_element_type3A = arith.extui %eq3A_152 : i1 to i32
    %cond3A = arith.constant 0 : i32
    %cond3A_153 = arith.cmpi ne, %convert_element_type3A, %cond3A : i32
    scf.if %cond3A_153 {
      "tpu.region"() ({
        %run_scoped3A = tpu.sem_alloc : memref<!tpu.dma_semaphore, #tpu.memory_space<semaphore_mem>>
        %dma_start3A_159 = arith.constant 0 : i32
        %dma_start3A_160 = tpu.memref_slice %arg5[%mul3A_151, %dma_start3A_159] : memref<10240x128xf32, #tpu.memory_space<hbm>> -> memref<640x128xf32, #tpu.memory_space<hbm>>
        %dma_start3A_161 = arith.constant 0 : i32
        %dma_start3A_162 = tpu.memref_slice %arg7[%mul3A_151, %dma_start3A_161] : memref<10240x128xf32, #tpu.memory_space<vmem_shared>> -> memref<640x128xf32, #tpu.memory_space<vmem_shared>>
        tpu.enqueue_dma source(%dma_start3A_162 : memref<640x128xf32, #tpu.memory_space<vmem_shared>>) target(%dma_start3A_160 : memref<640x128xf32, #tpu.memory_space<hbm>>) target_semaphore(%run_scoped3A : memref<!tpu.dma_semaphore, #tpu.memory_space<semaphore_mem>>)
        %dma_wait3A_163 = arith.constant 0 : i32
        %dma_wait3A_164 = tpu.memref_slice %arg5[%mul3A_151, %dma_wait3A_163] : memref<10240x128xf32, #tpu.memory_space<hbm>> -> memref<640x128xf32, #tpu.memory_space<hbm>>
        %dma_wait3A_165 = arith.constant 0 : i32
        %dma_wait3A_166 = tpu.memref_slice %arg7[%mul3A_151, %dma_wait3A_165] : memref<10240x128xf32, #tpu.memory_space<vmem_shared>> -> memref<640x128xf32, #tpu.memory_space<vmem_shared>>
        tpu.wait_dma2 semaphore(%run_scoped3A : memref<!tpu.dma_semaphore, #tpu.memory_space<semaphore_mem>>) src(%dma_wait3A_166 : memref<640x128xf32, #tpu.memory_space<vmem_shared>>) dst(%dma_wait3A_164 : memref<640x128xf32, #tpu.memory_space<hbm>>)
        tpu.yield
      }) : () -> ()
    } else {
    }
    %eq3A_154 = arith.constant 1 : i32
    %eq3A_155 = arith.cmpi eq, %arg0, %eq3A_154 : i32
    %convert_element_type3A_156 = arith.extui %eq3A_155 : i1 to i32
    %cond3A_157 = arith.constant 0 : i32
    %cond3A_158 = arith.cmpi ne, %convert_element_type3A_156, %cond3A_157 : i32
    scf.if %cond3A_158 {
      "tpu.region"() ({
        %run_scoped3A = tpu.sem_alloc : memref<!tpu.dma_semaphore, #tpu.memory_space<semaphore_mem>>
        %dma_start3A_159 = arith.constant 0 : i32
        %dma_start3A_160 = tpu.memref_slice %arg6[%mul3A_151, %dma_start3A_159] : memref<10240x128xf32, #tpu.memory_space<hbm>> -> memref<640x128xf32, #tpu.memory_space<hbm>>
        %dma_start3A_161 = arith.constant 0 : i32
        %dma_start3A_162 = tpu.memref_slice %arg7[%mul3A_151, %dma_start3A_161] : memref<10240x128xf32, #tpu.memory_space<vmem_shared>> -> memref<640x128xf32, #tpu.memory_space<vmem_shared>>
        tpu.enqueue_dma source(%dma_start3A_162 : memref<640x128xf32, #tpu.memory_space<vmem_shared>>) target(%dma_start3A_160 : memref<640x128xf32, #tpu.memory_space<hbm>>) target_semaphore(%run_scoped3A : memref<!tpu.dma_semaphore, #tpu.memory_space<semaphore_mem>>)
        %dma_wait3A_163 = arith.constant 0 : i32
        %dma_wait3A_164 = tpu.memref_slice %arg6[%mul3A_151, %dma_wait3A_163] : memref<10240x128xf32, #tpu.memory_space<hbm>> -> memref<640x128xf32, #tpu.memory_space<hbm>>
        %dma_wait3A_165 = arith.constant 0 : i32
        %dma_wait3A_166 = tpu.memref_slice %arg7[%mul3A_151, %dma_wait3A_165] : memref<10240x128xf32, #tpu.memory_space<vmem_shared>> -> memref<640x128xf32, #tpu.memory_space<vmem_shared>>
        tpu.wait_dma2 semaphore(%run_scoped3A : memref<!tpu.dma_semaphore, #tpu.memory_space<semaphore_mem>>) src(%dma_wait3A_166 : memref<640x128xf32, #tpu.memory_space<vmem_shared>>) dst(%dma_wait3A_164 : memref<640x128xf32, #tpu.memory_space<hbm>>)
        tpu.yield
      }) : () -> ()
    } else {
    }
    return
  }
}

#map = affine_map<(d0, d1) -> (0, 0)>
#map1 = affine_map<(d0, d1) -> (0)>
module attributes {stable_mosaic.version = 14 : i64} {
  func.func @_edge_prep(%arg0: i32, %arg1: i32, %arg2: memref<2560x128xi32, #tpu.memory_space<hbm>>, %arg3: memref<2560x128xi32, #tpu.memory_space<hbm>>, %arg4: memref<2560x128xi32, #tpu.memory_space<hbm>>, %arg5: memref<10240xf32, #tpu.memory_space<hbm>>, %arg6: memref<10240xf32, #tpu.memory_space<hbm>>, %arg7: memref<10240xf32, #tpu.memory_space<vmem_shared>>, %arg8: memref<8x128xi32, #tpu.memory_space<vmem>>, %arg9: memref<8x128xi32, #tpu.memory_space<vmem>>, %arg10: memref<8x128xf32, #tpu.memory_space<vmem>>, %arg11: memref<8x128xi32, #tpu.memory_space<vmem>>, %arg12: memref<640xf32, #tpu.memory_space<vmem>>) attributes {dimension_semantics = [#tpu.dimension_semantics<core_parallel>, #tpu.dimension_semantics<subcore_parallel>], iteration_bounds = array<i64: 2, 16>, scalar_prefetch = 0 : i64, scratch_operands = 6 : i64, tpu.core_type = #tpu.core_type<sc_vector_subcore>, window_params = [{transform_indices = #map}, {transform_indices = #map}, {transform_indices = #map}, {transform_indices = #map1}, {transform_indices = #map1}]} {
    %mul3A = arith.constant 16 : i32
    %mul3A_0 = arith.muli %arg0, %mul3A : i32
    %add3A = arith.addi %mul3A_0, %arg1 : i32
    %scan3A = arith.constant 0 : i32
    %scan3A_1 = arith.constant 40 : i32
    %scan3A_2 = arith.addi %scan3A, %scan3A_1 : i32
    %scan3A_3 = arith.constant 1 : i32
    scf.for %scan3A_22 = %scan3A to %scan3A_2 step %scan3A_3  : i32 {
      %broadcast_in_dim3A = arith.constant 0.000000e+00 : f32
      %broadcast_in_dim3A_23 = vector.broadcast %broadcast_in_dim3A : f32 to vector<16xf32>
      %mul3A_24 = arith.constant 16 : i32
      %mul3A_25 = arith.muli %scan3A_22, %mul3A_24 : i32
      %swap3A = arith.index_cast %mul3A_25 : i32 to index
      %swap3A_26 = tpu.vector_load %arg12[%swap3A] {strides = array<i32>} : memref<640xf32, #tpu.memory_space<vmem>>, vector<16xf32>,
      %swap3A_27 = vector.shape_cast %swap3A_26 : vector<16xf32> to vector<16xf32>
      %swap3A_28 = vector.shape_cast %broadcast_in_dim3A_23 : vector<16xf32> to vector<16xf32>
      tpu.vector_store %arg12[%swap3A], %swap3A_28 {strides = array<i32>} : memref<640xf32, #tpu.memory_space<vmem>>, vector<16xf32>,
    }
    %scan3A_4 = arith.constant 40 : i32
    %mul3A_5 = arith.constant 640 : i32
    %mul3A_6 = arith.muli %arg1, %mul3A_5 : i32
    "tpu.region"() ({
      %run_scoped3A = tpu.sem_alloc : memref<!tpu.dma_semaphore, #tpu.memory_space<semaphore_mem>>
      %dma_start3A = tpu.memref_slice %arg7[%mul3A_6] : memref<10240xf32, #tpu.memory_space<vmem_shared>> -> memref<640xf32, #tpu.memory_space<vmem_shared>>
      %dma_start3A_22 = tpu.memref_slice %arg7[%mul3A_6] : memref<10240xf32, #tpu.memory_space<vmem_shared>> -> memref<640xf32, #tpu.memory_space<vmem_shared>>
      tpu.enqueue_dma source(%arg12 : memref<640xf32, #tpu.memory_space<vmem>>) target(%dma_start3A_22 : memref<640xf32, #tpu.memory_space<vmem_shared>>) target_semaphore(%run_scoped3A : memref<!tpu.dma_semaphore, #tpu.memory_space<semaphore_mem>>)
      %dma_wait3A = tpu.memref_slice %arg7[%mul3A_6] : memref<10240xf32, #tpu.memory_space<vmem_shared>> -> memref<640xf32, #tpu.memory_space<vmem_shared>>
      %dma_wait3A_23 = tpu.memref_slice %arg7[%mul3A_6] : memref<10240xf32, #tpu.memory_space<vmem_shared>> -> memref<640xf32, #tpu.memory_space<vmem_shared>>
      tpu.wait_dma2 semaphore(%run_scoped3A : memref<!tpu.dma_semaphore, #tpu.memory_space<semaphore_mem>>) src(%arg12 : memref<640xf32, #tpu.memory_space<vmem>>) dst(%dma_wait3A_23 : memref<640xf32, #tpu.memory_space<vmem_shared>>)
      tpu.yield
    }) : () -> ()
    %barrier3A = arith.constant 0 : index
    tpu.barrier barrier_id(%barrier3A)
    %iota3A = tpu.iota {dimensions = array<i32: 0>} : vector<16xi32>
    %scan3A_7 = arith.constant 0 : i32
    %scan3A_8 = arith.constant 10 : i32
    %scan3A_9 = arith.addi %scan3A_7, %scan3A_8 : i32
    %scan3A_10 = arith.constant 1 : i32
    scf.for %scan3A_22 = %scan3A_7 to %scan3A_9 step %scan3A_10  : i32 {
      %mul3A_23 = arith.constant 80 : i32
      %mul3A_24 = arith.muli %add3A, %mul3A_23 : i32
      %mul3A_25 = arith.constant 8 : i32
      %mul3A_26 = arith.muli %scan3A_22, %mul3A_25 : i32
      %add3A_27 = arith.addi %mul3A_24, %mul3A_26 : i32
      "tpu.region"() ({
        %run_scoped3A_48 = tpu.sem_alloc : memref<!tpu.dma_semaphore, #tpu.memory_space<semaphore_mem>>
        %dma_start3A = arith.constant 0 : i32
        %dma_start3A_49 = tpu.memref_slice %arg2[%add3A_27, %dma_start3A] : memref<2560x128xi32, #tpu.memory_space<hbm>> -> memref<8x128xi32, #tpu.memory_space<hbm>>
        %dma_start3A_50 = arith.constant 0 : i32
        %dma_start3A_51 = tpu.memref_slice %arg2[%add3A_27, %dma_start3A_50] : memref<2560x128xi32, #tpu.memory_space<hbm>> -> memref<8x128xi32, #tpu.memory_space<hbm>>
        tpu.enqueue_dma source(%dma_start3A_51 : memref<8x128xi32, #tpu.memory_space<hbm>>) target(%arg8 : memref<8x128xi32, #tpu.memory_space<vmem>>) target_semaphore(%run_scoped3A_48 : memref<!tpu.dma_semaphore, #tpu.memory_space<semaphore_mem>>)
        %dma_wait3A = arith.constant 0 : i32
        %dma_wait3A_52 = tpu.memref_slice %arg2[%add3A_27, %dma_wait3A] : memref<2560x128xi32, #tpu.memory_space<hbm>> -> memref<8x128xi32, #tpu.memory_space<hbm>>
        %dma_wait3A_53 = arith.constant 0 : i32
        %dma_wait3A_54 = tpu.memref_slice %arg2[%add3A_27, %dma_wait3A_53] : memref<2560x128xi32, #tpu.memory_space<hbm>> -> memref<8x128xi32, #tpu.memory_space<hbm>>
        tpu.wait_dma2 semaphore(%run_scoped3A_48 : memref<!tpu.dma_semaphore, #tpu.memory_space<semaphore_mem>>) src(%dma_wait3A_54 : memref<8x128xi32, #tpu.memory_space<hbm>>) dst(%arg8 : memref<8x128xi32, #tpu.memory_space<vmem>>)
        tpu.yield
      }) : () -> ()
      "tpu.region"() ({
        %run_scoped3A_48 = tpu.sem_alloc : memref<!tpu.dma_semaphore, #tpu.memory_space<semaphore_mem>>
        %dma_start3A = arith.constant 0 : i32
        %dma_start3A_49 = tpu.memref_slice %arg3[%add3A_27, %dma_start3A] : memref<2560x128xi32, #tpu.memory_space<hbm>> -> memref<8x128xi32, #tpu.memory_space<hbm>>
        %dma_start3A_50 = arith.constant 0 : i32
        %dma_start3A_51 = tpu.memref_slice %arg3[%add3A_27, %dma_start3A_50] : memref<2560x128xi32, #tpu.memory_space<hbm>> -> memref<8x128xi32, #tpu.memory_space<hbm>>
        tpu.enqueue_dma source(%dma_start3A_51 : memref<8x128xi32, #tpu.memory_space<hbm>>) target(%arg9 : memref<8x128xi32, #tpu.memory_space<vmem>>) target_semaphore(%run_scoped3A_48 : memref<!tpu.dma_semaphore, #tpu.memory_space<semaphore_mem>>)
        %dma_wait3A = arith.constant 0 : i32
        %dma_wait3A_52 = tpu.memref_slice %arg3[%add3A_27, %dma_wait3A] : memref<2560x128xi32, #tpu.memory_space<hbm>> -> memref<8x128xi32, #tpu.memory_space<hbm>>
        %dma_wait3A_53 = arith.constant 0 : i32
        %dma_wait3A_54 = tpu.memref_slice %arg3[%add3A_27, %dma_wait3A_53] : memref<2560x128xi32, #tpu.memory_space<hbm>> -> memref<8x128xi32, #tpu.memory_space<hbm>>
        tpu.wait_dma2 semaphore(%run_scoped3A_48 : memref<!tpu.dma_semaphore, #tpu.memory_space<semaphore_mem>>) src(%dma_wait3A_54 : memref<8x128xi32, #tpu.memory_space<hbm>>) dst(%arg9 : memref<8x128xi32, #tpu.memory_space<vmem>>)
        tpu.yield
      }) : () -> ()
      %scan3A_28 = arith.constant 0 : i32
      %scan3A_29 = arith.constant 8 : i32
      %scan3A_30 = arith.addi %scan3A_28, %scan3A_29 : i32
      %scan3A_31 = arith.constant 1 : i32
      scf.for %scan3A_48 = %scan3A_28 to %scan3A_30 step %scan3A_31  : i32 {
        %get3A = arith.index_cast %scan3A_48 : i32 to index
        %get3A_49 = arith.constant 0 : index
        %get3A_50 = tpu.vector_load %arg8[%get3A, %get3A_49] {strides = array<i32>} : memref<8x128xi32, #tpu.memory_space<vmem>>, vector<1x16xi32>,
        %get3A_51 = vector.shape_cast %get3A_50 : vector<1x16xi32> to vector<16xi32>
        %get3A_52 = arith.index_cast %scan3A_48 : i32 to index
        %get3A_53 = arith.constant 0 : index
        %get3A_54 = tpu.vector_load %arg9[%get3A_52, %get3A_53] {strides = array<i32>} : memref<8x128xi32, #tpu.memory_space<vmem>>, vector<1x16xi32>,
        %get3A_55 = vector.shape_cast %get3A_54 : vector<1x16xi32> to vector<16xi32>
        %ne3A = arith.cmpi ne, %get3A_51, %get3A_55 : vector<16xi32>
        %jit3A = arith.constant 1.000000e+00 : f32
        %jit3A_56 = arith.constant 0.000000e+00 : f32
        %broadcast_in_dim3A = vector.broadcast %jit3A : f32 to vector<16xf32>
        %broadcast_in_dim3A_57 = vector.broadcast %jit3A_56 : f32 to vector<16xf32>
        %select_n3A = arith.select %ne3A, %broadcast_in_dim3A, %broadcast_in_dim3A_57 : vector<16xi1>, vector<16xf32>
        %swap3A = arith.index_cast %scan3A_48 : i32 to index
        %swap3A_58 = arith.constant 0 : index
        %swap3A_59 = tpu.vector_load %arg10[%swap3A, %swap3A_58] {strides = array<i32>} : memref<8x128xf32, #tpu.memory_space<vmem>>, vector<1x16xf32>,
        %swap3A_60 = vector.shape_cast %swap3A_59 : vector<1x16xf32> to vector<16xf32>
        %swap3A_61 = vector.shape_cast %select_n3A : vector<16xf32> to vector<1x16xf32>
        tpu.vector_store %arg10[%swap3A, %swap3A_58], %swap3A_61 {strides = array<i32>} : memref<8x128xf32, #tpu.memory_space<vmem>>, vector<1x16xf32>,
        %add3A_62 = arith.constant 10000 : i32
        %add3A_63 = vector.broadcast %add3A_62 : i32 to vector<16xi32>
        %add3A_64 = arith.addi %add3A_63, %iota3A : vector<16xi32>
        %select_n3A_65 = arith.select %ne3A, %get3A_51, %add3A_64 : vector<16xi1>, vector<16xi32>
        %swap3A_66 = arith.index_cast %scan3A_48 : i32 to index
        %swap3A_67 = arith.constant 0 : index
        %swap3A_68 = tpu.vector_load %arg11[%swap3A_66, %swap3A_67] {strides = array<i32>} : memref<8x128xi32, #tpu.memory_space<vmem>>, vector<1x16xi32>,
        %swap3A_69 = vector.shape_cast %swap3A_68 : vector<1x16xi32> to vector<16xi32>
        %swap3A_70 = vector.shape_cast %select_n3A_65 : vector<16xi32> to vector<1x16xi32>
        tpu.vector_store %arg11[%swap3A_66, %swap3A_67], %swap3A_70 {strides = array<i32>} : memref<8x128xi32, #tpu.memory_space<vmem>>, vector<1x16xi32>,
        %get3A_71 = arith.index_cast %scan3A_48 : i32 to index
        %get3A_72 = arith.constant 16 : index
        %get3A_73 = tpu.vector_load %arg8[%get3A_71, %get3A_72] {strides = array<i32>} : memref<8x128xi32, #tpu.memory_space<vmem>>, vector<1x16xi32>,
        %get3A_74 = vector.shape_cast %get3A_73 : vector<1x16xi32> to vector<16xi32>
        %get3A_75 = arith.index_cast %scan3A_48 : i32 to index
        %get3A_76 = arith.constant 16 : index
        %get3A_77 = tpu.vector_load %arg9[%get3A_75, %get3A_76] {strides = array<i32>} : memref<8x128xi32, #tpu.memory_space<vmem>>, vector<1x16xi32>,
        %get3A_78 = vector.shape_cast %get3A_77 : vector<1x16xi32> to vector<16xi32>
        %ne3A_79 = arith.cmpi ne, %get3A_74, %get3A_78 : vector<16xi32>
        %jit3A_80 = arith.constant 1.000000e+00 : f32
        %jit3A_81 = arith.constant 0.000000e+00 : f32
        %broadcast_in_dim3A_82 = vector.broadcast %jit3A_80 : f32 to vector<16xf32>
        %broadcast_in_dim3A_83 = vector.broadcast %jit3A_81 : f32 to vector<16xf32>
        %select_n3A_84 = arith.select %ne3A_79, %broadcast_in_dim3A_82, %broadcast_in_dim3A_83 : vector<16xi1>, vector<16xf32>
        %swap3A_85 = arith.index_cast %scan3A_48 : i32 to index
        %swap3A_86 = arith.constant 16 : index
        %swap3A_87 = tpu.vector_load %arg10[%swap3A_85, %swap3A_86] {strides = array<i32>} : memref<8x128xf32, #tpu.memory_space<vmem>>, vector<1x16xf32>,
        %swap3A_88 = vector.shape_cast %swap3A_87 : vector<1x16xf32> to vector<16xf32>
        %swap3A_89 = vector.shape_cast %select_n3A_84 : vector<16xf32> to vector<1x16xf32>
        tpu.vector_store %arg10[%swap3A_85, %swap3A_86], %swap3A_89 {strides = array<i32>} : memref<8x128xf32, #tpu.memory_space<vmem>>, vector<1x16xf32>,
        %add3A_90 = arith.constant 10000 : i32
        %add3A_91 = vector.broadcast %add3A_90 : i32 to vector<16xi32>
        %add3A_92 = arith.addi %add3A_91, %iota3A : vector<16xi32>
        %select_n3A_93 = arith.select %ne3A_79, %get3A_74, %add3A_92 : vector<16xi1>, vector<16xi32>
        %swap3A_94 = arith.index_cast %scan3A_48 : i32 to index
        %swap3A_95 = arith.constant 16 : index
        %swap3A_96 = tpu.vector_load %arg11[%swap3A_94, %swap3A_95] {strides = array<i32>} : memref<8x128xi32, #tpu.memory_space<vmem>>, vector<1x16xi32>,
        %swap3A_97 = vector.shape_cast %swap3A_96 : vector<1x16xi32> to vector<16xi32>
        %swap3A_98 = vector.shape_cast %select_n3A_93 : vector<16xi32> to vector<1x16xi32>
        tpu.vector_store %arg11[%swap3A_94, %swap3A_95], %swap3A_98 {strides = array<i32>} : memref<8x128xi32, #tpu.memory_space<vmem>>, vector<1x16xi32>,
        %get3A_99 = arith.index_cast %scan3A_48 : i32 to index
        %get3A_100 = arith.constant 32 : index
        %get3A_101 = tpu.vector_load %arg8[%get3A_99, %get3A_100] {strides = array<i32>} : memref<8x128xi32, #tpu.memory_space<vmem>>, vector<1x16xi32>,
        %get3A_102 = vector.shape_cast %get3A_101 : vector<1x16xi32> to vector<16xi32>
        %get3A_103 = arith.index_cast %scan3A_48 : i32 to index
        %get3A_104 = arith.constant 32 : index
        %get3A_105 = tpu.vector_load %arg9[%get3A_103, %get3A_104] {strides = array<i32>} : memref<8x128xi32, #tpu.memory_space<vmem>>, vector<1x16xi32>,
        %get3A_106 = vector.shape_cast %get3A_105 : vector<1x16xi32> to vector<16xi32>
        %ne3A_107 = arith.cmpi ne, %get3A_102, %get3A_106 : vector<16xi32>
        %jit3A_108 = arith.constant 1.000000e+00 : f32
        %jit3A_109 = arith.constant 0.000000e+00 : f32
        %broadcast_in_dim3A_110 = vector.broadcast %jit3A_108 : f32 to vector<16xf32>
        %broadcast_in_dim3A_111 = vector.broadcast %jit3A_109 : f32 to vector<16xf32>
        %select_n3A_112 = arith.select %ne3A_107, %broadcast_in_dim3A_110, %broadcast_in_dim3A_111 : vector<16xi1>, vector<16xf32>
        %swap3A_113 = arith.index_cast %scan3A_48 : i32 to index
        %swap3A_114 = arith.constant 32 : index
        %swap3A_115 = tpu.vector_load %arg10[%swap3A_113, %swap3A_114] {strides = array<i32>} : memref<8x128xf32, #tpu.memory_space<vmem>>, vector<1x16xf32>,
        %swap3A_116 = vector.shape_cast %swap3A_115 : vector<1x16xf32> to vector<16xf32>
        %swap3A_117 = vector.shape_cast %select_n3A_112 : vector<16xf32> to vector<1x16xf32>
        tpu.vector_store %arg10[%swap3A_113, %swap3A_114], %swap3A_117 {strides = array<i32>} : memref<8x128xf32, #tpu.memory_space<vmem>>, vector<1x16xf32>,
        %add3A_118 = arith.constant 10000 : i32
        %add3A_119 = vector.broadcast %add3A_118 : i32 to vector<16xi32>
        %add3A_120 = arith.addi %add3A_119, %iota3A : vector<16xi32>
        %select_n3A_121 = arith.select %ne3A_107, %get3A_102, %add3A_120 : vector<16xi1>, vector<16xi32>
        %swap3A_122 = arith.index_cast %scan3A_48 : i32 to index
        %swap3A_123 = arith.constant 32 : index
        %swap3A_124 = tpu.vector_load %arg11[%swap3A_122, %swap3A_123] {strides = array<i32>} : memref<8x128xi32, #tpu.memory_space<vmem>>, vector<1x16xi32>,
        %swap3A_125 = vector.shape_cast %swap3A_124 : vector<1x16xi32> to vector<16xi32>
        %swap3A_126 = vector.shape_cast %select_n3A_121 : vector<16xi32> to vector<1x16xi32>
        tpu.vector_store %arg11[%swap3A_122, %swap3A_123], %swap3A_126 {strides = array<i32>} : memref<8x128xi32, #tpu.memory_space<vmem>>, vector<1x16xi32>,
        %get3A_127 = arith.index_cast %scan3A_48 : i32 to index
        %get3A_128 = arith.constant 48 : index
        %get3A_129 = tpu.vector_load %arg8[%get3A_127, %get3A_128] {strides = array<i32>} : memref<8x128xi32, #tpu.memory_space<vmem>>, vector<1x16xi32>,
        %get3A_130 = vector.shape_cast %get3A_129 : vector<1x16xi32> to vector<16xi32>
        %get3A_131 = arith.index_cast %scan3A_48 : i32 to index
        %get3A_132 = arith.constant 48 : index
        %get3A_133 = tpu.vector_load %arg9[%get3A_131, %get3A_132] {strides = array<i32>} : memref<8x128xi32, #tpu.memory_space<vmem>>, vector<1x16xi32>,
        %get3A_134 = vector.shape_cast %get3A_133 : vector<1x16xi32> to vector<16xi32>
        %ne3A_135 = arith.cmpi ne, %get3A_130, %get3A_134 : vector<16xi32>
        %jit3A_136 = arith.constant 1.000000e+00 : f32
        %jit3A_137 = arith.constant 0.000000e+00 : f32
        %broadcast_in_dim3A_138 = vector.broadcast %jit3A_136 : f32 to vector<16xf32>
        %broadcast_in_dim3A_139 = vector.broadcast %jit3A_137 : f32 to vector<16xf32>
        %select_n3A_140 = arith.select %ne3A_135, %broadcast_in_dim3A_138, %broadcast_in_dim3A_139 : vector<16xi1>, vector<16xf32>
        %swap3A_141 = arith.index_cast %scan3A_48 : i32 to index
        %swap3A_142 = arith.constant 48 : index
        %swap3A_143 = tpu.vector_load %arg10[%swap3A_141, %swap3A_142] {strides = array<i32>} : memref<8x128xf32, #tpu.memory_space<vmem>>, vector<1x16xf32>,
        %swap3A_144 = vector.shape_cast %swap3A_143 : vector<1x16xf32> to vector<16xf32>
        %swap3A_145 = vector.shape_cast %select_n3A_140 : vector<16xf32> to vector<1x16xf32>
        tpu.vector_store %arg10[%swap3A_141, %swap3A_142], %swap3A_145 {strides = array<i32>} : memref<8x128xf32, #tpu.memory_space<vmem>>, vector<1x16xf32>,
        %add3A_146 = arith.constant 10000 : i32
        %add3A_147 = vector.broadcast %add3A_146 : i32 to vector<16xi32>
        %add3A_148 = arith.addi %add3A_147, %iota3A : vector<16xi32>
        %select_n3A_149 = arith.select %ne3A_135, %get3A_130, %add3A_148 : vector<16xi1>, vector<16xi32>
        %swap3A_150 = arith.index_cast %scan3A_48 : i32 to index
        %swap3A_151 = arith.constant 48 : index
        %swap3A_152 = tpu.vector_load %arg11[%swap3A_150, %swap3A_151] {strides = array<i32>} : memref<8x128xi32, #tpu.memory_space<vmem>>, vector<1x16xi32>,
        %swap3A_153 = vector.shape_cast %swap3A_152 : vector<1x16xi32> to vector<16xi32>
        %swap3A_154 = vector.shape_cast %select_n3A_149 : vector<16xi32> to vector<1x16xi32>
        tpu.vector_store %arg11[%swap3A_150, %swap3A_151], %swap3A_154 {strides = array<i32>} : memref<8x128xi32, #tpu.memory_space<vmem>>, vector<1x16xi32>,
        %get3A_155 = arith.index_cast %scan3A_48 : i32 to index
        %get3A_156 = arith.constant 64 : index
        %get3A_157 = tpu.vector_load %arg8[%get3A_155, %get3A_156] {strides = array<i32>} : memref<8x128xi32, #tpu.memory_space<vmem>>, vector<1x16xi32>,
        %get3A_158 = vector.shape_cast %get3A_157 : vector<1x16xi32> to vector<16xi32>
        %get3A_159 = arith.index_cast %scan3A_48 : i32 to index
        %get3A_160 = arith.constant 64 : index
        %get3A_161 = tpu.vector_load %arg9[%get3A_159, %get3A_160] {strides = array<i32>} : memref<8x128xi32, #tpu.memory_space<vmem>>, vector<1x16xi32>,
        %get3A_162 = vector.shape_cast %get3A_161 : vector<1x16xi32> to vector<16xi32>
        %ne3A_163 = arith.cmpi ne, %get3A_158, %get3A_162 : vector<16xi32>
        %jit3A_164 = arith.constant 1.000000e+00 : f32
        %jit3A_165 = arith.constant 0.000000e+00 : f32
        %broadcast_in_dim3A_166 = vector.broadcast %jit3A_164 : f32 to vector<16xf32>
        %broadcast_in_dim3A_167 = vector.broadcast %jit3A_165 : f32 to vector<16xf32>
        %select_n3A_168 = arith.select %ne3A_163, %broadcast_in_dim3A_166, %broadcast_in_dim3A_167 : vector<16xi1>, vector<16xf32>
        %swap3A_169 = arith.index_cast %scan3A_48 : i32 to index
        %swap3A_170 = arith.constant 64 : index
        %swap3A_171 = tpu.vector_load %arg10[%swap3A_169, %swap3A_170] {strides = array<i32>} : memref<8x128xf32, #tpu.memory_space<vmem>>, vector<1x16xf32>,
        %swap3A_172 = vector.shape_cast %swap3A_171 : vector<1x16xf32> to vector<16xf32>
        %swap3A_173 = vector.shape_cast %select_n3A_168 : vector<16xf32> to vector<1x16xf32>
        tpu.vector_store %arg10[%swap3A_169, %swap3A_170], %swap3A_173 {strides = array<i32>} : memref<8x128xf32, #tpu.memory_space<vmem>>, vector<1x16xf32>,
        %add3A_174 = arith.constant 10000 : i32
        %add3A_175 = vector.broadcast %add3A_174 : i32 to vector<16xi32>
        %add3A_176 = arith.addi %add3A_175, %iota3A : vector<16xi32>
        %select_n3A_177 = arith.select %ne3A_163, %get3A_158, %add3A_176 : vector<16xi1>, vector<16xi32>
        %swap3A_178 = arith.index_cast %scan3A_48 : i32 to index
        %swap3A_179 = arith.constant 64 : index
        %swap3A_180 = tpu.vector_load %arg11[%swap3A_178, %swap3A_179] {strides = array<i32>} : memref<8x128xi32, #tpu.memory_space<vmem>>, vector<1x16xi32>,
        %swap3A_181 = vector.shape_cast %swap3A_180 : vector<1x16xi32> to vector<16xi32>
        %swap3A_182 = vector.shape_cast %select_n3A_177 : vector<16xi32> to vector<1x16xi32>
        tpu.vector_store %arg11[%swap3A_178, %swap3A_179], %swap3A_182 {strides = array<i32>} : memref<8x128xi32, #tpu.memory_space<vmem>>, vector<1x16xi32>,
        %get3A_183 = arith.index_cast %scan3A_48 : i32 to index
        %get3A_184 = arith.constant 80 : index
        %get3A_185 = tpu.vector_load %arg8[%get3A_183, %get3A_184] {strides = array<i32>} : memref<8x128xi32, #tpu.memory_space<vmem>>, vector<1x16xi32>,
        %get3A_186 = vector.shape_cast %get3A_185 : vector<1x16xi32> to vector<16xi32>
        %get3A_187 = arith.index_cast %scan3A_48 : i32 to index
        %get3A_188 = arith.constant 80 : index
        %get3A_189 = tpu.vector_load %arg9[%get3A_187, %get3A_188] {strides = array<i32>} : memref<8x128xi32, #tpu.memory_space<vmem>>, vector<1x16xi32>,
        %get3A_190 = vector.shape_cast %get3A_189 : vector<1x16xi32> to vector<16xi32>
        %ne3A_191 = arith.cmpi ne, %get3A_186, %get3A_190 : vector<16xi32>
        %jit3A_192 = arith.constant 1.000000e+00 : f32
        %jit3A_193 = arith.constant 0.000000e+00 : f32
        %broadcast_in_dim3A_194 = vector.broadcast %jit3A_192 : f32 to vector<16xf32>
        %broadcast_in_dim3A_195 = vector.broadcast %jit3A_193 : f32 to vector<16xf32>
        %select_n3A_196 = arith.select %ne3A_191, %broadcast_in_dim3A_194, %broadcast_in_dim3A_195 : vector<16xi1>, vector<16xf32>
        %swap3A_197 = arith.index_cast %scan3A_48 : i32 to index
        %swap3A_198 = arith.constant 80 : index
        %swap3A_199 = tpu.vector_load %arg10[%swap3A_197, %swap3A_198] {strides = array<i32>} : memref<8x128xf32, #tpu.memory_space<vmem>>, vector<1x16xf32>,
        %swap3A_200 = vector.shape_cast %swap3A_199 : vector<1x16xf32> to vector<16xf32>
        %swap3A_201 = vector.shape_cast %select_n3A_196 : vector<16xf32> to vector<1x16xf32>
        tpu.vector_store %arg10[%swap3A_197, %swap3A_198], %swap3A_201 {strides = array<i32>} : memref<8x128xf32, #tpu.memory_space<vmem>>, vector<1x16xf32>,
        %add3A_202 = arith.constant 10000 : i32
        %add3A_203 = vector.broadcast %add3A_202 : i32 to vector<16xi32>
        %add3A_204 = arith.addi %add3A_203, %iota3A : vector<16xi32>
        %select_n3A_205 = arith.select %ne3A_191, %get3A_186, %add3A_204 : vector<16xi1>, vector<16xi32>
        %swap3A_206 = arith.index_cast %scan3A_48 : i32 to index
        %swap3A_207 = arith.constant 80 : index
        %swap3A_208 = tpu.vector_load %arg11[%swap3A_206, %swap3A_207] {strides = array<i32>} : memref<8x128xi32, #tpu.memory_space<vmem>>, vector<1x16xi32>,
        %swap3A_209 = vector.shape_cast %swap3A_208 : vector<1x16xi32> to vector<16xi32>
        %swap3A_210 = vector.shape_cast %select_n3A_205 : vector<16xi32> to vector<1x16xi32>
        tpu.vector_store %arg11[%swap3A_206, %swap3A_207], %swap3A_210 {strides = array<i32>} : memref<8x128xi32, #tpu.memory_space<vmem>>, vector<1x16xi32>,
        %get3A_211 = arith.index_cast %scan3A_48 : i32 to index
        %get3A_212 = arith.constant 96 : index
        %get3A_213 = tpu.vector_load %arg8[%get3A_211, %get3A_212] {strides = array<i32>} : memref<8x128xi32, #tpu.memory_space<vmem>>, vector<1x16xi32>,
        %get3A_214 = vector.shape_cast %get3A_213 : vector<1x16xi32> to vector<16xi32>
        %get3A_215 = arith.index_cast %scan3A_48 : i32 to index
        %get3A_216 = arith.constant 96 : index
        %get3A_217 = tpu.vector_load %arg9[%get3A_215, %get3A_216] {strides = array<i32>} : memref<8x128xi32, #tpu.memory_space<vmem>>, vector<1x16xi32>,
        %get3A_218 = vector.shape_cast %get3A_217 : vector<1x16xi32> to vector<16xi32>
        %ne3A_219 = arith.cmpi ne, %get3A_214, %get3A_218 : vector<16xi32>
        %jit3A_220 = arith.constant 1.000000e+00 : f32
        %jit3A_221 = arith.constant 0.000000e+00 : f32
        %broadcast_in_dim3A_222 = vector.broadcast %jit3A_220 : f32 to vector<16xf32>
        %broadcast_in_dim3A_223 = vector.broadcast %jit3A_221 : f32 to vector<16xf32>
        %select_n3A_224 = arith.select %ne3A_219, %broadcast_in_dim3A_222, %broadcast_in_dim3A_223 : vector<16xi1>, vector<16xf32>
        %swap3A_225 = arith.index_cast %scan3A_48 : i32 to index
        %swap3A_226 = arith.constant 96 : index
        %swap3A_227 = tpu.vector_load %arg10[%swap3A_225, %swap3A_226] {strides = array<i32>} : memref<8x128xf32, #tpu.memory_space<vmem>>, vector<1x16xf32>,
        %swap3A_228 = vector.shape_cast %swap3A_227 : vector<1x16xf32> to vector<16xf32>
        %swap3A_229 = vector.shape_cast %select_n3A_224 : vector<16xf32> to vector<1x16xf32>
        tpu.vector_store %arg10[%swap3A_225, %swap3A_226], %swap3A_229 {strides = array<i32>} : memref<8x128xf32, #tpu.memory_space<vmem>>, vector<1x16xf32>,
        %add3A_230 = arith.constant 10000 : i32
        %add3A_231 = vector.broadcast %add3A_230 : i32 to vector<16xi32>
        %add3A_232 = arith.addi %add3A_231, %iota3A : vector<16xi32>
        %select_n3A_233 = arith.select %ne3A_219, %get3A_214, %add3A_232 : vector<16xi1>, vector<16xi32>
        %swap3A_234 = arith.index_cast %scan3A_48 : i32 to index
        %swap3A_235 = arith.constant 96 : index
        %swap3A_236 = tpu.vector_load %arg11[%swap3A_234, %swap3A_235] {strides = array<i32>} : memref<8x128xi32, #tpu.memory_space<vmem>>, vector<1x16xi32>,
        %swap3A_237 = vector.shape_cast %swap3A_236 : vector<1x16xi32> to vector<16xi32>
        %swap3A_238 = vector.shape_cast %select_n3A_233 : vector<16xi32> to vector<1x16xi32>
        tpu.vector_store %arg11[%swap3A_234, %swap3A_235], %swap3A_238 {strides = array<i32>} : memref<8x128xi32, #tpu.memory_space<vmem>>, vector<1x16xi32>,
        %get3A_239 = arith.index_cast %scan3A_48 : i32 to index
        %get3A_240 = arith.constant 112 : index
        %get3A_241 = tpu.vector_load %arg8[%get3A_239, %get3A_240] {strides = array<i32>} : memref<8x128xi32, #tpu.memory_space<vmem>>, vector<1x16xi32>,
        %get3A_242 = vector.shape_cast %get3A_241 : vector<1x16xi32> to vector<16xi32>
        %get3A_243 = arith.index_cast %scan3A_48 : i32 to index
        %get3A_244 = arith.constant 112 : index
        %get3A_245 = tpu.vector_load %arg9[%get3A_243, %get3A_244] {strides = array<i32>} : memref<8x128xi32, #tpu.memory_space<vmem>>, vector<1x16xi32>,
        %get3A_246 = vector.shape_cast %get3A_245 : vector<1x16xi32> to vector<16xi32>
        %ne3A_247 = arith.cmpi ne, %get3A_242, %get3A_246 : vector<16xi32>
        %jit3A_248 = arith.constant 1.000000e+00 : f32
        %jit3A_249 = arith.constant 0.000000e+00 : f32
        %broadcast_in_dim3A_250 = vector.broadcast %jit3A_248 : f32 to vector<16xf32>
        %broadcast_in_dim3A_251 = vector.broadcast %jit3A_249 : f32 to vector<16xf32>
        %select_n3A_252 = arith.select %ne3A_247, %broadcast_in_dim3A_250, %broadcast_in_dim3A_251 : vector<16xi1>, vector<16xf32>
        %swap3A_253 = arith.index_cast %scan3A_48 : i32 to index
        %swap3A_254 = arith.constant 112 : index
        %swap3A_255 = tpu.vector_load %arg10[%swap3A_253, %swap3A_254] {strides = array<i32>} : memref<8x128xf32, #tpu.memory_space<vmem>>, vector<1x16xf32>,
        %swap3A_256 = vector.shape_cast %swap3A_255 : vector<1x16xf32> to vector<16xf32>
        %swap3A_257 = vector.shape_cast %select_n3A_252 : vector<16xf32> to vector<1x16xf32>
        tpu.vector_store %arg10[%swap3A_253, %swap3A_254], %swap3A_257 {strides = array<i32>} : memref<8x128xf32, #tpu.memory_space<vmem>>, vector<1x16xf32>,
        %add3A_258 = arith.constant 10000 : i32
        %add3A_259 = vector.broadcast %add3A_258 : i32 to vector<16xi32>
        %add3A_260 = arith.addi %add3A_259, %iota3A : vector<16xi32>
        %select_n3A_261 = arith.select %ne3A_247, %get3A_242, %add3A_260 : vector<16xi1>, vector<16xi32>
        %swap3A_262 = arith.index_cast %scan3A_48 : i32 to index
        %swap3A_263 = arith.constant 112 : index
        %swap3A_264 = tpu.vector_load %arg11[%swap3A_262, %swap3A_263] {strides = array<i32>} : memref<8x128xi32, #tpu.memory_space<vmem>>, vector<1x16xi32>,
        %swap3A_265 = vector.shape_cast %swap3A_264 : vector<1x16xi32> to vector<16xi32>
        %swap3A_266 = vector.shape_cast %select_n3A_261 : vector<16xi32> to vector<1x16xi32>
        tpu.vector_store %arg11[%swap3A_262, %swap3A_263], %swap3A_266 {strides = array<i32>} : memref<8x128xi32, #tpu.memory_space<vmem>>, vector<1x16xi32>,
      }
      %scan3A_32 = arith.constant 8 : i32
      %run_scoped3A = arith.constant 0 : i32
      %run_scoped3A_33 = arith.constant 0 : i32
      "tpu.region"() ({
        %run_scoped3A_48 = tpu.sem_alloc : memref<!tpu.dma_semaphore, #tpu.memory_space<semaphore_mem>>
        %dma_start3A = arith.constant 0 : i32
        %dma_start3A_49 = tpu.memref_slice %arg10[%run_scoped3A, %dma_start3A] : memref<8x128xf32, #tpu.memory_space<vmem>> -> memref<1x128xf32, #tpu.memory_space<vmem>>
        %dma_start3A_50 = tpu.memref_squeeze %dma_start3A_49 : memref<1x128xf32, #tpu.memory_space<vmem>> -> memref<128xf32, #tpu.memory_space<vmem>>
        %dma_start3A_51 = arith.constant 0 : i32
        %dma_start3A_52 = tpu.memref_slice %arg8[%run_scoped3A_33, %dma_start3A_51] : memref<8x128xi32, #tpu.memory_space<vmem>> -> memref<1x128xi32, #tpu.memory_space<vmem>>
        %dma_start3A_53 = tpu.memref_squeeze %dma_start3A_52 : memref<1x128xi32, #tpu.memory_space<vmem>> -> memref<128xi32, #tpu.memory_space<vmem>>
        %dma_start3A_54 = arith.constant 0 : i32
        %dma_start3A_55 = tpu.memref_slice %arg7[%dma_start3A_54] : memref<10240xf32, #tpu.memory_space<vmem_shared>> -> memref<10240xf32, #tpu.memory_space<vmem_shared>>
        tpu.enqueue_indirect_dma source(%dma_start3A_50 : memref<128xf32, #tpu.memory_space<vmem>>) target(%dma_start3A_55 : memref<10240xf32, #tpu.memory_space<vmem_shared>>) offsets(%dma_start3A_53 : memref<128xi32, #tpu.memory_space<vmem>>) semaphore(%run_scoped3A_48 : memref<!tpu.dma_semaphore, #tpu.memory_space<semaphore_mem>>) {add = true}
        %dma_wait3A = arith.constant 0 : i32
        %dma_wait3A_56 = tpu.memref_slice %arg10[%run_scoped3A, %dma_wait3A] : memref<8x128xf32, #tpu.memory_space<vmem>> -> memref<1x128xf32, #tpu.memory_space<vmem>>
        %dma_wait3A_57 = tpu.memref_squeeze %dma_wait3A_56 : memref<1x128xf32, #tpu.memory_space<vmem>> -> memref<128xf32, #tpu.memory_space<vmem>>
        %dma_wait3A_58 = arith.constant 0 : i32
        %dma_wait3A_59 = tpu.memref_slice %arg8[%run_scoped3A_33, %dma_wait3A_58] : memref<8x128xi32, #tpu.memory_space<vmem>> -> memref<1x128xi32, #tpu.memory_space<vmem>>
        %dma_wait3A_60 = tpu.memref_squeeze %dma_wait3A_59 : memref<1x128xi32, #tpu.memory_space<vmem>> -> memref<128xi32, #tpu.memory_space<vmem>>
        %dma_wait3A_61 = arith.constant 0 : i32
        %dma_wait3A_62 = tpu.memref_slice %arg7[%dma_wait3A_61] : memref<10240xf32, #tpu.memory_space<vmem_shared>> -> memref<10240xf32, #tpu.memory_space<vmem_shared>>
        tpu.wait_indirect_dma semaphore(%run_scoped3A_48 : memref<!tpu.dma_semaphore, #tpu.memory_space<semaphore_mem>>) src(%dma_wait3A_57 : memref<128xf32, #tpu.memory_space<vmem>>) dst(%dma_wait3A_62 : memref<10240xf32, #tpu.memory_space<vmem_shared>>)
        tpu.yield
      }) : () -> ()
      %run_scoped3A_34 = arith.constant 1 : i32
      %run_scoped3A_35 = arith.constant 1 : i32
      "tpu.region"() ({
        %run_scoped3A_48 = tpu.sem_alloc : memref<!tpu.dma_semaphore, #tpu.memory_space<semaphore_mem>>
        %dma_start3A = arith.constant 0 : i32
        %dma_start3A_49 = tpu.memref_slice %arg10[%run_scoped3A_34, %dma_start3A] : memref<8x128xf32, #tpu.memory_space<vmem>> -> memref<1x128xf32, #tpu.memory_space<vmem>>
        %dma_start3A_50 = tpu.memref_squeeze %dma_start3A_49 : memref<1x128xf32, #tpu.memory_space<vmem>> -> memref<128xf32, #tpu.memory_space<vmem>>
        %dma_start3A_51 = arith.constant 0 : i32
        %dma_start3A_52 = tpu.memref_slice %arg8[%run_scoped3A_35, %dma_start3A_51] : memref<8x128xi32, #tpu.memory_space<vmem>> -> memref<1x128xi32, #tpu.memory_space<vmem>>
        %dma_start3A_53 = tpu.memref_squeeze %dma_start3A_52 : memref<1x128xi32, #tpu.memory_space<vmem>> -> memref<128xi32, #tpu.memory_space<vmem>>
        %dma_start3A_54 = arith.constant 0 : i32
        %dma_start3A_55 = tpu.memref_slice %arg7[%dma_start3A_54] : memref<10240xf32, #tpu.memory_space<vmem_shared>> -> memref<10240xf32, #tpu.memory_space<vmem_shared>>
        tpu.enqueue_indirect_dma source(%dma_start3A_50 : memref<128xf32, #tpu.memory_space<vmem>>) target(%dma_start3A_55 : memref<10240xf32, #tpu.memory_space<vmem_shared>>) offsets(%dma_start3A_53 : memref<128xi32, #tpu.memory_space<vmem>>) semaphore(%run_scoped3A_48 : memref<!tpu.dma_semaphore, #tpu.memory_space<semaphore_mem>>) {add = true}
        %dma_wait3A = arith.constant 0 : i32
        %dma_wait3A_56 = tpu.memref_slice %arg10[%run_scoped3A_34, %dma_wait3A] : memref<8x128xf32, #tpu.memory_space<vmem>> -> memref<1x128xf32, #tpu.memory_space<vmem>>
        %dma_wait3A_57 = tpu.memref_squeeze %dma_wait3A_56 : memref<1x128xf32, #tpu.memory_space<vmem>> -> memref<128xf32, #tpu.memory_space<vmem>>
        %dma_wait3A_58 = arith.constant 0 : i32
        %dma_wait3A_59 = tpu.memref_slice %arg8[%run_scoped3A_35, %dma_wait3A_58] : memref<8x128xi32, #tpu.memory_space<vmem>> -> memref<1x128xi32, #tpu.memory_space<vmem>>
        %dma_wait3A_60 = tpu.memref_squeeze %dma_wait3A_59 : memref<1x128xi32, #tpu.memory_space<vmem>> -> memref<128xi32, #tpu.memory_space<vmem>>
        %dma_wait3A_61 = arith.constant 0 : i32
        %dma_wait3A_62 = tpu.memref_slice %arg7[%dma_wait3A_61] : memref<10240xf32, #tpu.memory_space<vmem_shared>> -> memref<10240xf32, #tpu.memory_space<vmem_shared>>
        tpu.wait_indirect_dma semaphore(%run_scoped3A_48 : memref<!tpu.dma_semaphore, #tpu.memory_space<semaphore_mem>>) src(%dma_wait3A_57 : memref<128xf32, #tpu.memory_space<vmem>>) dst(%dma_wait3A_62 : memref<10240xf32, #tpu.memory_space<vmem_shared>>)
        tpu.yield
      }) : () -> ()
      %run_scoped3A_36 = arith.constant 2 : i32
      %run_scoped3A_37 = arith.constant 2 : i32
      "tpu.region"() ({
        %run_scoped3A_48 = tpu.sem_alloc : memref<!tpu.dma_semaphore, #tpu.memory_space<semaphore_mem>>
        %dma_start3A = arith.constant 0 : i32
        %dma_start3A_49 = tpu.memref_slice %arg10[%run_scoped3A_36, %dma_start3A] : memref<8x128xf32, #tpu.memory_space<vmem>> -> memref<1x128xf32, #tpu.memory_space<vmem>>
        %dma_start3A_50 = tpu.memref_squeeze %dma_start3A_49 : memref<1x128xf32, #tpu.memory_space<vmem>> -> memref<128xf32, #tpu.memory_space<vmem>>
        %dma_start3A_51 = arith.constant 0 : i32
        %dma_start3A_52 = tpu.memref_slice %arg8[%run_scoped3A_37, %dma_start3A_51] : memref<8x128xi32, #tpu.memory_space<vmem>> -> memref<1x128xi32, #tpu.memory_space<vmem>>
        %dma_start3A_53 = tpu.memref_squeeze %dma_start3A_52 : memref<1x128xi32, #tpu.memory_space<vmem>> -> memref<128xi32, #tpu.memory_space<vmem>>
        %dma_start3A_54 = arith.constant 0 : i32
        %dma_start3A_55 = tpu.memref_slice %arg7[%dma_start3A_54] : memref<10240xf32, #tpu.memory_space<vmem_shared>> -> memref<10240xf32, #tpu.memory_space<vmem_shared>>
        tpu.enqueue_indirect_dma source(%dma_start3A_50 : memref<128xf32, #tpu.memory_space<vmem>>) target(%dma_start3A_55 : memref<10240xf32, #tpu.memory_space<vmem_shared>>) offsets(%dma_start3A_53 : memref<128xi32, #tpu.memory_space<vmem>>) semaphore(%run_scoped3A_48 : memref<!tpu.dma_semaphore, #tpu.memory_space<semaphore_mem>>) {add = true}
        %dma_wait3A = arith.constant 0 : i32
        %dma_wait3A_56 = tpu.memref_slice %arg10[%run_scoped3A_36, %dma_wait3A] : memref<8x128xf32, #tpu.memory_space<vmem>> -> memref<1x128xf32, #tpu.memory_space<vmem>>
        %dma_wait3A_57 = tpu.memref_squeeze %dma_wait3A_56 : memref<1x128xf32, #tpu.memory_space<vmem>> -> memref<128xf32, #tpu.memory_space<vmem>>
        %dma_wait3A_58 = arith.constant 0 : i32
        %dma_wait3A_59 = tpu.memref_slice %arg8[%run_scoped3A_37, %dma_wait3A_58] : memref<8x128xi32, #tpu.memory_space<vmem>> -> memref<1x128xi32, #tpu.memory_space<vmem>>
        %dma_wait3A_60 = tpu.memref_squeeze %dma_wait3A_59 : memref<1x128xi32, #tpu.memory_space<vmem>> -> memref<128xi32, #tpu.memory_space<vmem>>
        %dma_wait3A_61 = arith.constant 0 : i32
        %dma_wait3A_62 = tpu.memref_slice %arg7[%dma_wait3A_61] : memref<10240xf32, #tpu.memory_space<vmem_shared>> -> memref<10240xf32, #tpu.memory_space<vmem_shared>>
        tpu.wait_indirect_dma semaphore(%run_scoped3A_48 : memref<!tpu.dma_semaphore, #tpu.memory_space<semaphore_mem>>) src(%dma_wait3A_57 : memref<128xf32, #tpu.memory_space<vmem>>) dst(%dma_wait3A_62 : memref<10240xf32, #tpu.memory_space<vmem_shared>>)
        tpu.yield
      }) : () -> ()
      %run_scoped3A_38 = arith.constant 3 : i32
      %run_scoped3A_39 = arith.constant 3 : i32
      "tpu.region"() ({
        %run_scoped3A_48 = tpu.sem_alloc : memref<!tpu.dma_semaphore, #tpu.memory_space<semaphore_mem>>
        %dma_start3A = arith.constant 0 : i32
        %dma_start3A_49 = tpu.memref_slice %arg10[%run_scoped3A_38, %dma_start3A] : memref<8x128xf32, #tpu.memory_space<vmem>> -> memref<1x128xf32, #tpu.memory_space<vmem>>
        %dma_start3A_50 = tpu.memref_squeeze %dma_start3A_49 : memref<1x128xf32, #tpu.memory_space<vmem>> -> memref<128xf32, #tpu.memory_space<vmem>>
        %dma_start3A_51 = arith.constant 0 : i32
        %dma_start3A_52 = tpu.memref_slice %arg8[%run_scoped3A_39, %dma_start3A_51] : memref<8x128xi32, #tpu.memory_space<vmem>> -> memref<1x128xi32, #tpu.memory_space<vmem>>
        %dma_start3A_53 = tpu.memref_squeeze %dma_start3A_52 : memref<1x128xi32, #tpu.memory_space<vmem>> -> memref<128xi32, #tpu.memory_space<vmem>>
        %dma_start3A_54 = arith.constant 0 : i32
        %dma_start3A_55 = tpu.memref_slice %arg7[%dma_start3A_54] : memref<10240xf32, #tpu.memory_space<vmem_shared>> -> memref<10240xf32, #tpu.memory_space<vmem_shared>>
        tpu.enqueue_indirect_dma source(%dma_start3A_50 : memref<128xf32, #tpu.memory_space<vmem>>) target(%dma_start3A_55 : memref<10240xf32, #tpu.memory_space<vmem_shared>>) offsets(%dma_start3A_53 : memref<128xi32, #tpu.memory_space<vmem>>) semaphore(%run_scoped3A_48 : memref<!tpu.dma_semaphore, #tpu.memory_space<semaphore_mem>>) {add = true}
        %dma_wait3A = arith.constant 0 : i32
        %dma_wait3A_56 = tpu.memref_slice %arg10[%run_scoped3A_38, %dma_wait3A] : memref<8x128xf32, #tpu.memory_space<vmem>> -> memref<1x128xf32, #tpu.memory_space<vmem>>
        %dma_wait3A_57 = tpu.memref_squeeze %dma_wait3A_56 : memref<1x128xf32, #tpu.memory_space<vmem>> -> memref<128xf32, #tpu.memory_space<vmem>>
        %dma_wait3A_58 = arith.constant 0 : i32
        %dma_wait3A_59 = tpu.memref_slice %arg8[%run_scoped3A_39, %dma_wait3A_58] : memref<8x128xi32, #tpu.memory_space<vmem>> -> memref<1x128xi32, #tpu.memory_space<vmem>>
        %dma_wait3A_60 = tpu.memref_squeeze %dma_wait3A_59 : memref<1x128xi32, #tpu.memory_space<vmem>> -> memref<128xi32, #tpu.memory_space<vmem>>
        %dma_wait3A_61 = arith.constant 0 : i32
        %dma_wait3A_62 = tpu.memref_slice %arg7[%dma_wait3A_61] : memref<10240xf32, #tpu.memory_space<vmem_shared>> -> memref<10240xf32, #tpu.memory_space<vmem_shared>>
        tpu.wait_indirect_dma semaphore(%run_scoped3A_48 : memref<!tpu.dma_semaphore, #tpu.memory_space<semaphore_mem>>) src(%dma_wait3A_57 : memref<128xf32, #tpu.memory_space<vmem>>) dst(%dma_wait3A_62 : memref<10240xf32, #tpu.memory_space<vmem_shared>>)
        tpu.yield
      }) : () -> ()
      %run_scoped3A_40 = arith.constant 4 : i32
      %run_scoped3A_41 = arith.constant 4 : i32
      "tpu.region"() ({
        %run_scoped3A_48 = tpu.sem_alloc : memref<!tpu.dma_semaphore, #tpu.memory_space<semaphore_mem>>
        %dma_start3A = arith.constant 0 : i32
        %dma_start3A_49 = tpu.memref_slice %arg10[%run_scoped3A_40, %dma_start3A] : memref<8x128xf32, #tpu.memory_space<vmem>> -> memref<1x128xf32, #tpu.memory_space<vmem>>
        %dma_start3A_50 = tpu.memref_squeeze %dma_start3A_49 : memref<1x128xf32, #tpu.memory_space<vmem>> -> memref<128xf32, #tpu.memory_space<vmem>>
        %dma_start3A_51 = arith.constant 0 : i32
        %dma_start3A_52 = tpu.memref_slice %arg8[%run_scoped3A_41, %dma_start3A_51] : memref<8x128xi32, #tpu.memory_space<vmem>> -> memref<1x128xi32, #tpu.memory_space<vmem>>
        %dma_start3A_53 = tpu.memref_squeeze %dma_start3A_52 : memref<1x128xi32, #tpu.memory_space<vmem>> -> memref<128xi32, #tpu.memory_space<vmem>>
        %dma_start3A_54 = arith.constant 0 : i32
        %dma_start3A_55 = tpu.memref_slice %arg7[%dma_start3A_54] : memref<10240xf32, #tpu.memory_space<vmem_shared>> -> memref<10240xf32, #tpu.memory_space<vmem_shared>>
        tpu.enqueue_indirect_dma source(%dma_start3A_50 : memref<128xf32, #tpu.memory_space<vmem>>) target(%dma_start3A_55 : memref<10240xf32, #tpu.memory_space<vmem_shared>>) offsets(%dma_start3A_53 : memref<128xi32, #tpu.memory_space<vmem>>) semaphore(%run_scoped3A_48 : memref<!tpu.dma_semaphore, #tpu.memory_space<semaphore_mem>>) {add = true}
        %dma_wait3A = arith.constant 0 : i32
        %dma_wait3A_56 = tpu.memref_slice %arg10[%run_scoped3A_40, %dma_wait3A] : memref<8x128xf32, #tpu.memory_space<vmem>> -> memref<1x128xf32, #tpu.memory_space<vmem>>
        %dma_wait3A_57 = tpu.memref_squeeze %dma_wait3A_56 : memref<1x128xf32, #tpu.memory_space<vmem>> -> memref<128xf32, #tpu.memory_space<vmem>>
        %dma_wait3A_58 = arith.constant 0 : i32
        %dma_wait3A_59 = tpu.memref_slice %arg8[%run_scoped3A_41, %dma_wait3A_58] : memref<8x128xi32, #tpu.memory_space<vmem>> -> memref<1x128xi32, #tpu.memory_space<vmem>>
        %dma_wait3A_60 = tpu.memref_squeeze %dma_wait3A_59 : memref<1x128xi32, #tpu.memory_space<vmem>> -> memref<128xi32, #tpu.memory_space<vmem>>
        %dma_wait3A_61 = arith.constant 0 : i32
        %dma_wait3A_62 = tpu.memref_slice %arg7[%dma_wait3A_61] : memref<10240xf32, #tpu.memory_space<vmem_shared>> -> memref<10240xf32, #tpu.memory_space<vmem_shared>>
        tpu.wait_indirect_dma semaphore(%run_scoped3A_48 : memref<!tpu.dma_semaphore, #tpu.memory_space<semaphore_mem>>) src(%dma_wait3A_57 : memref<128xf32, #tpu.memory_space<vmem>>) dst(%dma_wait3A_62 : memref<10240xf32, #tpu.memory_space<vmem_shared>>)
        tpu.yield
      }) : () -> ()
      %run_scoped3A_42 = arith.constant 5 : i32
      %run_scoped3A_43 = arith.constant 5 : i32
      "tpu.region"() ({
        %run_scoped3A_48 = tpu.sem_alloc : memref<!tpu.dma_semaphore, #tpu.memory_space<semaphore_mem>>
        %dma_start3A = arith.constant 0 : i32
        %dma_start3A_49 = tpu.memref_slice %arg10[%run_scoped3A_42, %dma_start3A] : memref<8x128xf32, #tpu.memory_space<vmem>> -> memref<1x128xf32, #tpu.memory_space<vmem>>
        %dma_start3A_50 = tpu.memref_squeeze %dma_start3A_49 : memref<1x128xf32, #tpu.memory_space<vmem>> -> memref<128xf32, #tpu.memory_space<vmem>>
        %dma_start3A_51 = arith.constant 0 : i32
        %dma_start3A_52 = tpu.memref_slice %arg8[%run_scoped3A_43, %dma_start3A_51] : memref<8x128xi32, #tpu.memory_space<vmem>> -> memref<1x128xi32, #tpu.memory_space<vmem>>
        %dma_start3A_53 = tpu.memref_squeeze %dma_start3A_52 : memref<1x128xi32, #tpu.memory_space<vmem>> -> memref<128xi32, #tpu.memory_space<vmem>>
        %dma_start3A_54 = arith.constant 0 : i32
        %dma_start3A_55 = tpu.memref_slice %arg7[%dma_start3A_54] : memref<10240xf32, #tpu.memory_space<vmem_shared>> -> memref<10240xf32, #tpu.memory_space<vmem_shared>>
        tpu.enqueue_indirect_dma source(%dma_start3A_50 : memref<128xf32, #tpu.memory_space<vmem>>) target(%dma_start3A_55 : memref<10240xf32, #tpu.memory_space<vmem_shared>>) offsets(%dma_start3A_53 : memref<128xi32, #tpu.memory_space<vmem>>) semaphore(%run_scoped3A_48 : memref<!tpu.dma_semaphore, #tpu.memory_space<semaphore_mem>>) {add = true}
        %dma_wait3A = arith.constant 0 : i32
        %dma_wait3A_56 = tpu.memref_slice %arg10[%run_scoped3A_42, %dma_wait3A] : memref<8x128xf32, #tpu.memory_space<vmem>> -> memref<1x128xf32, #tpu.memory_space<vmem>>
        %dma_wait3A_57 = tpu.memref_squeeze %dma_wait3A_56 : memref<1x128xf32, #tpu.memory_space<vmem>> -> memref<128xf32, #tpu.memory_space<vmem>>
        %dma_wait3A_58 = arith.constant 0 : i32
        %dma_wait3A_59 = tpu.memref_slice %arg8[%run_scoped3A_43, %dma_wait3A_58] : memref<8x128xi32, #tpu.memory_space<vmem>> -> memref<1x128xi32, #tpu.memory_space<vmem>>
        %dma_wait3A_60 = tpu.memref_squeeze %dma_wait3A_59 : memref<1x128xi32, #tpu.memory_space<vmem>> -> memref<128xi32, #tpu.memory_space<vmem>>
        %dma_wait3A_61 = arith.constant 0 : i32
        %dma_wait3A_62 = tpu.memref_slice %arg7[%dma_wait3A_61] : memref<10240xf32, #tpu.memory_space<vmem_shared>> -> memref<10240xf32, #tpu.memory_space<vmem_shared>>
        tpu.wait_indirect_dma semaphore(%run_scoped3A_48 : memref<!tpu.dma_semaphore, #tpu.memory_space<semaphore_mem>>) src(%dma_wait3A_57 : memref<128xf32, #tpu.memory_space<vmem>>) dst(%dma_wait3A_62 : memref<10240xf32, #tpu.memory_space<vmem_shared>>)
        tpu.yield
      }) : () -> ()
      %run_scoped3A_44 = arith.constant 6 : i32
      %run_scoped3A_45 = arith.constant 6 : i32
      "tpu.region"() ({
        %run_scoped3A_48 = tpu.sem_alloc : memref<!tpu.dma_semaphore, #tpu.memory_space<semaphore_mem>>
        %dma_start3A = arith.constant 0 : i32
        %dma_start3A_49 = tpu.memref_slice %arg10[%run_scoped3A_44, %dma_start3A] : memref<8x128xf32, #tpu.memory_space<vmem>> -> memref<1x128xf32, #tpu.memory_space<vmem>>
        %dma_start3A_50 = tpu.memref_squeeze %dma_start3A_49 : memref<1x128xf32, #tpu.memory_space<vmem>> -> memref<128xf32, #tpu.memory_space<vmem>>
        %dma_start3A_51 = arith.constant 0 : i32
        %dma_start3A_52 = tpu.memref_slice %arg8[%run_scoped3A_45, %dma_start3A_51] : memref<8x128xi32, #tpu.memory_space<vmem>> -> memref<1x128xi32, #tpu.memory_space<vmem>>
        %dma_start3A_53 = tpu.memref_squeeze %dma_start3A_52 : memref<1x128xi32, #tpu.memory_space<vmem>> -> memref<128xi32, #tpu.memory_space<vmem>>
        %dma_start3A_54 = arith.constant 0 : i32
        %dma_start3A_55 = tpu.memref_slice %arg7[%dma_start3A_54] : memref<10240xf32, #tpu.memory_space<vmem_shared>> -> memref<10240xf32, #tpu.memory_space<vmem_shared>>
        tpu.enqueue_indirect_dma source(%dma_start3A_50 : memref<128xf32, #tpu.memory_space<vmem>>) target(%dma_start3A_55 : memref<10240xf32, #tpu.memory_space<vmem_shared>>) offsets(%dma_start3A_53 : memref<128xi32, #tpu.memory_space<vmem>>) semaphore(%run_scoped3A_48 : memref<!tpu.dma_semaphore, #tpu.memory_space<semaphore_mem>>) {add = true}
        %dma_wait3A = arith.constant 0 : i32
        %dma_wait3A_56 = tpu.memref_slice %arg10[%run_scoped3A_44, %dma_wait3A] : memref<8x128xf32, #tpu.memory_space<vmem>> -> memref<1x128xf32, #tpu.memory_space<vmem>>
        %dma_wait3A_57 = tpu.memref_squeeze %dma_wait3A_56 : memref<1x128xf32, #tpu.memory_space<vmem>> -> memref<128xf32, #tpu.memory_space<vmem>>
        %dma_wait3A_58 = arith.constant 0 : i32
        %dma_wait3A_59 = tpu.memref_slice %arg8[%run_scoped3A_45, %dma_wait3A_58] : memref<8x128xi32, #tpu.memory_space<vmem>> -> memref<1x128xi32, #tpu.memory_space<vmem>>
        %dma_wait3A_60 = tpu.memref_squeeze %dma_wait3A_59 : memref<1x128xi32, #tpu.memory_space<vmem>> -> memref<128xi32, #tpu.memory_space<vmem>>
        %dma_wait3A_61 = arith.constant 0 : i32
        %dma_wait3A_62 = tpu.memref_slice %arg7[%dma_wait3A_61] : memref<10240xf32, #tpu.memory_space<vmem_shared>> -> memref<10240xf32, #tpu.memory_space<vmem_shared>>
        tpu.wait_indirect_dma semaphore(%run_scoped3A_48 : memref<!tpu.dma_semaphore, #tpu.memory_space<semaphore_mem>>) src(%dma_wait3A_57 : memref<128xf32, #tpu.memory_space<vmem>>) dst(%dma_wait3A_62 : memref<10240xf32, #tpu.memory_space<vmem_shared>>)
        tpu.yield
      }) : () -> ()
      %run_scoped3A_46 = arith.constant 7 : i32
      %run_scoped3A_47 = arith.constant 7 : i32
      "tpu.region"() ({
        %run_scoped3A_48 = tpu.sem_alloc : memref<!tpu.dma_semaphore, #tpu.memory_space<semaphore_mem>>
        %dma_start3A = arith.constant 0 : i32
        %dma_start3A_49 = tpu.memref_slice %arg10[%run_scoped3A_46, %dma_start3A] : memref<8x128xf32, #tpu.memory_space<vmem>> -> memref<1x128xf32, #tpu.memory_space<vmem>>
        %dma_start3A_50 = tpu.memref_squeeze %dma_start3A_49 : memref<1x128xf32, #tpu.memory_space<vmem>> -> memref<128xf32, #tpu.memory_space<vmem>>
        %dma_start3A_51 = arith.constant 0 : i32
        %dma_start3A_52 = tpu.memref_slice %arg8[%run_scoped3A_47, %dma_start3A_51] : memref<8x128xi32, #tpu.memory_space<vmem>> -> memref<1x128xi32, #tpu.memory_space<vmem>>
        %dma_start3A_53 = tpu.memref_squeeze %dma_start3A_52 : memref<1x128xi32, #tpu.memory_space<vmem>> -> memref<128xi32, #tpu.memory_space<vmem>>
        %dma_start3A_54 = arith.constant 0 : i32
        %dma_start3A_55 = tpu.memref_slice %arg7[%dma_start3A_54] : memref<10240xf32, #tpu.memory_space<vmem_shared>> -> memref<10240xf32, #tpu.memory_space<vmem_shared>>
        tpu.enqueue_indirect_dma source(%dma_start3A_50 : memref<128xf32, #tpu.memory_space<vmem>>) target(%dma_start3A_55 : memref<10240xf32, #tpu.memory_space<vmem_shared>>) offsets(%dma_start3A_53 : memref<128xi32, #tpu.memory_space<vmem>>) semaphore(%run_scoped3A_48 : memref<!tpu.dma_semaphore, #tpu.memory_space<semaphore_mem>>) {add = true}
        %dma_wait3A = arith.constant 0 : i32
        %dma_wait3A_56 = tpu.memref_slice %arg10[%run_scoped3A_46, %dma_wait3A] : memref<8x128xf32, #tpu.memory_space<vmem>> -> memref<1x128xf32, #tpu.memory_space<vmem>>
        %dma_wait3A_57 = tpu.memref_squeeze %dma_wait3A_56 : memref<1x128xf32, #tpu.memory_space<vmem>> -> memref<128xf32, #tpu.memory_space<vmem>>
        %dma_wait3A_58 = arith.constant 0 : i32
        %dma_wait3A_59 = tpu.memref_slice %arg8[%run_scoped3A_47, %dma_wait3A_58] : memref<8x128xi32, #tpu.memory_space<vmem>> -> memref<1x128xi32, #tpu.memory_space<vmem>>
        %dma_wait3A_60 = tpu.memref_squeeze %dma_wait3A_59 : memref<1x128xi32, #tpu.memory_space<vmem>> -> memref<128xi32, #tpu.memory_space<vmem>>
        %dma_wait3A_61 = arith.constant 0 : i32
        %dma_wait3A_62 = tpu.memref_slice %arg7[%dma_wait3A_61] : memref<10240xf32, #tpu.memory_space<vmem_shared>> -> memref<10240xf32, #tpu.memory_space<vmem_shared>>
        tpu.wait_indirect_dma semaphore(%run_scoped3A_48 : memref<!tpu.dma_semaphore, #tpu.memory_space<semaphore_mem>>) src(%dma_wait3A_57 : memref<128xf32, #tpu.memory_space<vmem>>) dst(%dma_wait3A_62 : memref<10240xf32, #tpu.memory_space<vmem_shared>>)
        tpu.yield
      }) : () -> ()
      "tpu.region"() ({
        %run_scoped3A_48 = tpu.sem_alloc : memref<!tpu.dma_semaphore, #tpu.memory_space<semaphore_mem>>
        %dma_start3A = arith.constant 0 : i32
        %dma_start3A_49 = tpu.memref_slice %arg4[%add3A_27, %dma_start3A] : memref<2560x128xi32, #tpu.memory_space<hbm>> -> memref<8x128xi32, #tpu.memory_space<hbm>>
        %dma_start3A_50 = arith.constant 0 : i32
        %dma_start3A_51 = tpu.memref_slice %arg4[%add3A_27, %dma_start3A_50] : memref<2560x128xi32, #tpu.memory_space<hbm>> -> memref<8x128xi32, #tpu.memory_space<hbm>>
        tpu.enqueue_dma source(%arg11 : memref<8x128xi32, #tpu.memory_space<vmem>>) target(%dma_start3A_51 : memref<8x128xi32, #tpu.memory_space<hbm>>) target_semaphore(%run_scoped3A_48 : memref<!tpu.dma_semaphore, #tpu.memory_space<semaphore_mem>>)
        %dma_wait3A = arith.constant 0 : i32
        %dma_wait3A_52 = tpu.memref_slice %arg4[%add3A_27, %dma_wait3A] : memref<2560x128xi32, #tpu.memory_space<hbm>> -> memref<8x128xi32, #tpu.memory_space<hbm>>
        %dma_wait3A_53 = arith.constant 0 : i32
        %dma_wait3A_54 = tpu.memref_slice %arg4[%add3A_27, %dma_wait3A_53] : memref<2560x128xi32, #tpu.memory_space<hbm>> -> memref<8x128xi32, #tpu.memory_space<hbm>>
        tpu.wait_dma2 semaphore(%run_scoped3A_48 : memref<!tpu.dma_semaphore, #tpu.memory_space<semaphore_mem>>) src(%arg11 : memref<8x128xi32, #tpu.memory_space<vmem>>) dst(%dma_wait3A_54 : memref<8x128xi32, #tpu.memory_space<hbm>>)
        tpu.yield
      }) : () -> ()
    }
    %scan3A_11 = arith.constant 10 : i32
    %barrier3A_12 = arith.constant 0 : index
    tpu.barrier barrier_id(%barrier3A_12)
    %mul3A_13 = arith.constant 640 : i32
    %mul3A_14 = arith.muli %arg1, %mul3A_13 : i32
    %eq3A = arith.constant 0 : i32
    %eq3A_15 = arith.cmpi eq, %arg0, %eq3A : i32
    %convert_element_type3A = arith.extui %eq3A_15 : i1 to i32
    %cond3A = arith.constant 0 : i32
    %cond3A_16 = arith.cmpi ne, %convert_element_type3A, %cond3A : i32
    scf.if %cond3A_16 {
      "tpu.region"() ({
        %run_scoped3A = tpu.sem_alloc : memref<!tpu.dma_semaphore, #tpu.memory_space<semaphore_mem>>
        %dma_start3A = tpu.memref_slice %arg5[%mul3A_14] : memref<10240xf32, #tpu.memory_space<hbm>> -> memref<640xf32, #tpu.memory_space<hbm>>
        %dma_start3A_22 = tpu.memref_slice %arg7[%mul3A_14] : memref<10240xf32, #tpu.memory_space<vmem_shared>> -> memref<640xf32, #tpu.memory_space<vmem_shared>>
        tpu.enqueue_dma source(%dma_start3A_22 : memref<640xf32, #tpu.memory_space<vmem_shared>>) target(%dma_start3A : memref<640xf32, #tpu.memory_space<hbm>>) target_semaphore(%run_scoped3A : memref<!tpu.dma_semaphore, #tpu.memory_space<semaphore_mem>>)
        %dma_wait3A = tpu.memref_slice %arg5[%mul3A_14] : memref<10240xf32, #tpu.memory_space<hbm>> -> memref<640xf32, #tpu.memory_space<hbm>>
        %dma_wait3A_23 = tpu.memref_slice %arg7[%mul3A_14] : memref<10240xf32, #tpu.memory_space<vmem_shared>> -> memref<640xf32, #tpu.memory_space<vmem_shared>>
        tpu.wait_dma2 semaphore(%run_scoped3A : memref<!tpu.dma_semaphore, #tpu.memory_space<semaphore_mem>>) src(%dma_wait3A_23 : memref<640xf32, #tpu.memory_space<vmem_shared>>) dst(%dma_wait3A : memref<640xf32, #tpu.memory_space<hbm>>)
        tpu.yield
      }) : () -> ()
    } else {
    }
    %eq3A_17 = arith.constant 1 : i32
    %eq3A_18 = arith.cmpi eq, %arg0, %eq3A_17 : i32
    %convert_element_type3A_19 = arith.extui %eq3A_18 : i1 to i32
    %cond3A_20 = arith.constant 0 : i32
    %cond3A_21 = arith.cmpi ne, %convert_element_type3A_19, %cond3A_20 : i32
    scf.if %cond3A_21 {
      "tpu.region"() ({
        %run_scoped3A = tpu.sem_alloc : memref<!tpu.dma_semaphore, #tpu.memory_space<semaphore_mem>>
        %dma_start3A = tpu.memref_slice %arg6[%mul3A_14] : memref<10240xf32, #tpu.memory_space<hbm>> -> memref<640xf32, #tpu.memory_space<hbm>>
        %dma_start3A_22 = tpu.memref_slice %arg7[%mul3A_14] : memref<10240xf32, #tpu.memory_space<vmem_shared>> -> memref<640xf32, #tpu.memory_space<vmem_shared>>
        tpu.enqueue_dma source(%dma_start3A_22 : memref<640xf32, #tpu.memory_space<vmem_shared>>) target(%dma_start3A : memref<640xf32, #tpu.memory_space<hbm>>) target_semaphore(%run_scoped3A : memref<!tpu.dma_semaphore, #tpu.memory_space<semaphore_mem>>)
        %dma_wait3A = tpu.memref_slice %arg6[%mul3A_14] : memref<10240xf32, #tpu.memory_space<hbm>> -> memref<640xf32, #tpu.memory_space<hbm>>
        %dma_wait3A_23 = tpu.memref_slice %arg7[%mul3A_14] : memref<10240xf32, #tpu.memory_space<vmem_shared>> -> memref<640xf32, #tpu.memory_space<vmem_shared>>
        tpu.wait_dma2 semaphore(%run_scoped3A : memref<!tpu.dma_semaphore, #tpu.memory_space<semaphore_mem>>) src(%dma_wait3A_23 : memref<640xf32, #tpu.memory_space<vmem_shared>>) dst(%dma_wait3A : memref<640xf32, #tpu.memory_space<hbm>>)
        tpu.yield
      }) : () -> ()
    } else {
    }
    return
  }
}

#map = affine_map<(d0, d1) -> (0, 0)>
module attributes {stable_mosaic.version = 14 : i64} {
  func.func @_seg_sum(%arg0: i32, %arg1: i32, %arg2: memref<10240x128xf32, #tpu.memory_space<hbm>>, %arg3: memref<2560x128xi32, #tpu.memory_space<hbm>>, %arg4: memref<2560x128xi32, #tpu.memory_space<hbm>>, %arg5: memref<10240x128xf32, #tpu.memory_space<hbm>>, %arg6: memref<10240x128xf32, #tpu.memory_space<hbm>>, %arg7: memref<10240x128xf32, #tpu.memory_space<vmem_shared>>, %arg8: memref<40x128xi32, #tpu.memory_space<vmem>>, %arg9: memref<40x128xi32, #tpu.memory_space<vmem>>, %arg10: memref<128x128xf32, #tpu.memory_space<vmem>>, %arg11: memref<128x128xf32, #tpu.memory_space<vmem>>, %arg12: memref<!tpu.dma_semaphore, #tpu.memory_space<semaphore_mem>>, %arg13: memref<!tpu.dma_semaphore, #tpu.memory_space<semaphore_mem>>) attributes {dimension_semantics = [#tpu.dimension_semantics<core_parallel>, #tpu.dimension_semantics<subcore_parallel>], iteration_bounds = array<i64: 2, 16>, scalar_prefetch = 0 : i64, scratch_operands = 7 : i64, tpu.core_type = #tpu.core_type<sc_vector_subcore>, window_params = [{transform_indices = #map}, {transform_indices = #map}, {transform_indices = #map}, {transform_indices = #map}, {transform_indices = #map}]} {
    %mul3A = arith.constant 16 : i32
    %mul3A_0 = arith.muli %arg0, %mul3A : i32
    %add3A = arith.addi %mul3A_0, %arg1 : i32
    %scan3A = arith.constant 0 : i32
    %scan3A_1 = arith.constant 128 : i32
    %scan3A_2 = arith.addi %scan3A, %scan3A_1 : i32
    %scan3A_3 = arith.constant 1 : i32
    scf.for %scan3A_159 = %scan3A to %scan3A_2 step %scan3A_3  : i32 {
      %broadcast_in_dim3A = arith.constant 0.000000e+00 : f32
      %broadcast_in_dim3A_160 = vector.broadcast %broadcast_in_dim3A : f32 to vector<16xf32>
      %swap3A = arith.index_cast %scan3A_159 : i32 to index
      %swap3A_161 = arith.constant 0 : index
      %swap3A_162 = tpu.vector_load %arg10[%swap3A, %swap3A_161] {strides = array<i32>} : memref<128x128xf32, #tpu.memory_space<vmem>>, vector<1x16xf32>,
      %swap3A_163 = vector.shape_cast %swap3A_162 : vector<1x16xf32> to vector<16xf32>
      %swap3A_164 = vector.shape_cast %broadcast_in_dim3A_160 : vector<16xf32> to vector<1x16xf32>
      tpu.vector_store %arg10[%swap3A, %swap3A_161], %swap3A_164 {strides = array<i32>} : memref<128x128xf32, #tpu.memory_space<vmem>>, vector<1x16xf32>,
      %broadcast_in_dim3A_165 = arith.constant 0.000000e+00 : f32
      %broadcast_in_dim3A_166 = vector.broadcast %broadcast_in_dim3A_165 : f32 to vector<16xf32>
      %swap3A_167 = arith.index_cast %scan3A_159 : i32 to index
      %swap3A_168 = arith.constant 16 : index
      %swap3A_169 = tpu.vector_load %arg10[%swap3A_167, %swap3A_168] {strides = array<i32>} : memref<128x128xf32, #tpu.memory_space<vmem>>, vector<1x16xf32>,
      %swap3A_170 = vector.shape_cast %swap3A_169 : vector<1x16xf32> to vector<16xf32>
      %swap3A_171 = vector.shape_cast %broadcast_in_dim3A_166 : vector<16xf32> to vector<1x16xf32>
      tpu.vector_store %arg10[%swap3A_167, %swap3A_168], %swap3A_171 {strides = array<i32>} : memref<128x128xf32, #tpu.memory_space<vmem>>, vector<1x16xf32>,
      %broadcast_in_dim3A_172 = arith.constant 0.000000e+00 : f32
      %broadcast_in_dim3A_173 = vector.broadcast %broadcast_in_dim3A_172 : f32 to vector<16xf32>
      %swap3A_174 = arith.index_cast %scan3A_159 : i32 to index
      %swap3A_175 = arith.constant 32 : index
      %swap3A_176 = tpu.vector_load %arg10[%swap3A_174, %swap3A_175] {strides = array<i32>} : memref<128x128xf32, #tpu.memory_space<vmem>>, vector<1x16xf32>,
      %swap3A_177 = vector.shape_cast %swap3A_176 : vector<1x16xf32> to vector<16xf32>
      %swap3A_178 = vector.shape_cast %broadcast_in_dim3A_173 : vector<16xf32> to vector<1x16xf32>
      tpu.vector_store %arg10[%swap3A_174, %swap3A_175], %swap3A_178 {strides = array<i32>} : memref<128x128xf32, #tpu.memory_space<vmem>>, vector<1x16xf32>,
      %broadcast_in_dim3A_179 = arith.constant 0.000000e+00 : f32
      %broadcast_in_dim3A_180 = vector.broadcast %broadcast_in_dim3A_179 : f32 to vector<16xf32>
      %swap3A_181 = arith.index_cast %scan3A_159 : i32 to index
      %swap3A_182 = arith.constant 48 : index
      %swap3A_183 = tpu.vector_load %arg10[%swap3A_181, %swap3A_182] {strides = array<i32>} : memref<128x128xf32, #tpu.memory_space<vmem>>, vector<1x16xf32>,
      %swap3A_184 = vector.shape_cast %swap3A_183 : vector<1x16xf32> to vector<16xf32>
      %swap3A_185 = vector.shape_cast %broadcast_in_dim3A_180 : vector<16xf32> to vector<1x16xf32>
      tpu.vector_store %arg10[%swap3A_181, %swap3A_182], %swap3A_185 {strides = array<i32>} : memref<128x128xf32, #tpu.memory_space<vmem>>, vector<1x16xf32>,
      %broadcast_in_dim3A_186 = arith.constant 0.000000e+00 : f32
      %broadcast_in_dim3A_187 = vector.broadcast %broadcast_in_dim3A_186 : f32 to vector<16xf32>
      %swap3A_188 = arith.index_cast %scan3A_159 : i32 to index
      %swap3A_189 = arith.constant 64 : index
      %swap3A_190 = tpu.vector_load %arg10[%swap3A_188, %swap3A_189] {strides = array<i32>} : memref<128x128xf32, #tpu.memory_space<vmem>>, vector<1x16xf32>,
      %swap3A_191 = vector.shape_cast %swap3A_190 : vector<1x16xf32> to vector<16xf32>
      %swap3A_192 = vector.shape_cast %broadcast_in_dim3A_187 : vector<16xf32> to vector<1x16xf32>
      tpu.vector_store %arg10[%swap3A_188, %swap3A_189], %swap3A_192 {strides = array<i32>} : memref<128x128xf32, #tpu.memory_space<vmem>>, vector<1x16xf32>,
      %broadcast_in_dim3A_193 = arith.constant 0.000000e+00 : f32
      %broadcast_in_dim3A_194 = vector.broadcast %broadcast_in_dim3A_193 : f32 to vector<16xf32>
      %swap3A_195 = arith.index_cast %scan3A_159 : i32 to index
      %swap3A_196 = arith.constant 80 : index
      %swap3A_197 = tpu.vector_load %arg10[%swap3A_195, %swap3A_196] {strides = array<i32>} : memref<128x128xf32, #tpu.memory_space<vmem>>, vector<1x16xf32>,
      %swap3A_198 = vector.shape_cast %swap3A_197 : vector<1x16xf32> to vector<16xf32>
      %swap3A_199 = vector.shape_cast %broadcast_in_dim3A_194 : vector<16xf32> to vector<1x16xf32>
      tpu.vector_store %arg10[%swap3A_195, %swap3A_196], %swap3A_199 {strides = array<i32>} : memref<128x128xf32, #tpu.memory_space<vmem>>, vector<1x16xf32>,
      %broadcast_in_dim3A_200 = arith.constant 0.000000e+00 : f32
      %broadcast_in_dim3A_201 = vector.broadcast %broadcast_in_dim3A_200 : f32 to vector<16xf32>
      %swap3A_202 = arith.index_cast %scan3A_159 : i32 to index
      %swap3A_203 = arith.constant 96 : index
      %swap3A_204 = tpu.vector_load %arg10[%swap3A_202, %swap3A_203] {strides = array<i32>} : memref<128x128xf32, #tpu.memory_space<vmem>>, vector<1x16xf32>,
      %swap3A_205 = vector.shape_cast %swap3A_204 : vector<1x16xf32> to vector<16xf32>
      %swap3A_206 = vector.shape_cast %broadcast_in_dim3A_201 : vector<16xf32> to vector<1x16xf32>
      tpu.vector_store %arg10[%swap3A_202, %swap3A_203], %swap3A_206 {strides = array<i32>} : memref<128x128xf32, #tpu.memory_space<vmem>>, vector<1x16xf32>,
      %broadcast_in_dim3A_207 = arith.constant 0.000000e+00 : f32
      %broadcast_in_dim3A_208 = vector.broadcast %broadcast_in_dim3A_207 : f32 to vector<16xf32>
      %swap3A_209 = arith.index_cast %scan3A_159 : i32 to index
      %swap3A_210 = arith.constant 112 : index
      %swap3A_211 = tpu.vector_load %arg10[%swap3A_209, %swap3A_210] {strides = array<i32>} : memref<128x128xf32, #tpu.memory_space<vmem>>, vector<1x16xf32>,
      %swap3A_212 = vector.shape_cast %swap3A_211 : vector<1x16xf32> to vector<16xf32>
      %swap3A_213 = vector.shape_cast %broadcast_in_dim3A_208 : vector<16xf32> to vector<1x16xf32>
      tpu.vector_store %arg10[%swap3A_209, %swap3A_210], %swap3A_213 {strides = array<i32>} : memref<128x128xf32, #tpu.memory_space<vmem>>, vector<1x16xf32>,
    }
    %scan3A_4 = arith.constant 128 : i32
    %mul3A_5 = arith.constant 640 : i32
    %mul3A_6 = arith.muli %arg1, %mul3A_5 : i32
    %add3A_7 = arith.constant 0 : i32
    %add3A_8 = arith.addi %mul3A_6, %add3A_7 : i32
    "tpu.region"() ({
      %run_scoped3A = tpu.sem_alloc : memref<!tpu.dma_semaphore, #tpu.memory_space<semaphore_mem>>
      %dma_start3A_159 = arith.constant 0 : i32
      %dma_start3A_160 = tpu.memref_slice %arg7[%add3A_8, %dma_start3A_159] : memref<10240x128xf32, #tpu.memory_space<vmem_shared>> -> memref<128x128xf32, #tpu.memory_space<vmem_shared>>
      %dma_start3A_161 = arith.constant 0 : i32
      %dma_start3A_162 = tpu.memref_slice %arg7[%add3A_8, %dma_start3A_161] : memref<10240x128xf32, #tpu.memory_space<vmem_shared>> -> memref<128x128xf32, #tpu.memory_space<vmem_shared>>
      tpu.enqueue_dma source(%arg10 : memref<128x128xf32, #tpu.memory_space<vmem>>) target(%dma_start3A_162 : memref<128x128xf32, #tpu.memory_space<vmem_shared>>) target_semaphore(%run_scoped3A : memref<!tpu.dma_semaphore, #tpu.memory_space<semaphore_mem>>)
      %dma_wait3A_163 = arith.constant 0 : i32
      %dma_wait3A_164 = tpu.memref_slice %arg7[%add3A_8, %dma_wait3A_163] : memref<10240x128xf32, #tpu.memory_space<vmem_shared>> -> memref<128x128xf32, #tpu.memory_space<vmem_shared>>
      %dma_wait3A_165 = arith.constant 0 : i32
      %dma_wait3A_166 = tpu.memref_slice %arg7[%add3A_8, %dma_wait3A_165] : memref<10240x128xf32, #tpu.memory_space<vmem_shared>> -> memref<128x128xf32, #tpu.memory_space<vmem_shared>>
      tpu.wait_dma2 semaphore(%run_scoped3A : memref<!tpu.dma_semaphore, #tpu.memory_space<semaphore_mem>>) src(%arg10 : memref<128x128xf32, #tpu.memory_space<vmem>>) dst(%dma_wait3A_166 : memref<128x128xf32, #tpu.memory_space<vmem_shared>>)
      tpu.yield
    }) : () -> ()
    %mul3A_9 = arith.constant 640 : i32
    %mul3A_10 = arith.muli %arg1, %mul3A_9 : i32
    %add3A_11 = arith.constant 128 : i32
    %add3A_12 = arith.addi %mul3A_10, %add3A_11 : i32
    "tpu.region"() ({
      %run_scoped3A = tpu.sem_alloc : memref<!tpu.dma_semaphore, #tpu.memory_space<semaphore_mem>>
      %dma_start3A_159 = arith.constant 0 : i32
      %dma_start3A_160 = tpu.memref_slice %arg7[%add3A_12, %dma_start3A_159] : memref<10240x128xf32, #tpu.memory_space<vmem_shared>> -> memref<128x128xf32, #tpu.memory_space<vmem_shared>>
      %dma_start3A_161 = arith.constant 0 : i32
      %dma_start3A_162 = tpu.memref_slice %arg7[%add3A_12, %dma_start3A_161] : memref<10240x128xf32, #tpu.memory_space<vmem_shared>> -> memref<128x128xf32, #tpu.memory_space<vmem_shared>>
      tpu.enqueue_dma source(%arg10 : memref<128x128xf32, #tpu.memory_space<vmem>>) target(%dma_start3A_162 : memref<128x128xf32, #tpu.memory_space<vmem_shared>>) target_semaphore(%run_scoped3A : memref<!tpu.dma_semaphore, #tpu.memory_space<semaphore_mem>>)
      %dma_wait3A_163 = arith.constant 0 : i32
      %dma_wait3A_164 = tpu.memref_slice %arg7[%add3A_12, %dma_wait3A_163] : memref<10240x128xf32, #tpu.memory_space<vmem_shared>> -> memref<128x128xf32, #tpu.memory_space<vmem_shared>>
      %dma_wait3A_165 = arith.constant 0 : i32
      %dma_wait3A_166 = tpu.memref_slice %arg7[%add3A_12, %dma_wait3A_165] : memref<10240x128xf32, #tpu.memory_space<vmem_shared>> -> memref<128x128xf32, #tpu.memory_space<vmem_shared>>
      tpu.wait_dma2 semaphore(%run_scoped3A : memref<!tpu.dma_semaphore, #tpu.memory_space<semaphore_mem>>) src(%arg10 : memref<128x128xf32, #tpu.memory_space<vmem>>) dst(%dma_wait3A_166 : memref<128x128xf32, #tpu.memory_space<vmem_shared>>)
      tpu.yield
    }) : () -> ()
    %mul3A_13 = arith.constant 640 : i32
    %mul3A_14 = arith.muli %arg1, %mul3A_13 : i32
    %add3A_15 = arith.constant 256 : i32
    %add3A_16 = arith.addi %mul3A_14, %add3A_15 : i32
    "tpu.region"() ({
      %run_scoped3A = tpu.sem_alloc : memref<!tpu.dma_semaphore, #tpu.memory_space<semaphore_mem>>
      %dma_start3A_159 = arith.constant 0 : i32
      %dma_start3A_160 = tpu.memref_slice %arg7[%add3A_16, %dma_start3A_159] : memref<10240x128xf32, #tpu.memory_space<vmem_shared>> -> memref<128x128xf32, #tpu.memory_space<vmem_shared>>
      %dma_start3A_161 = arith.constant 0 : i32
      %dma_start3A_162 = tpu.memref_slice %arg7[%add3A_16, %dma_start3A_161] : memref<10240x128xf32, #tpu.memory_space<vmem_shared>> -> memref<128x128xf32, #tpu.memory_space<vmem_shared>>
      tpu.enqueue_dma source(%arg10 : memref<128x128xf32, #tpu.memory_space<vmem>>) target(%dma_start3A_162 : memref<128x128xf32, #tpu.memory_space<vmem_shared>>) target_semaphore(%run_scoped3A : memref<!tpu.dma_semaphore, #tpu.memory_space<semaphore_mem>>)
      %dma_wait3A_163 = arith.constant 0 : i32
      %dma_wait3A_164 = tpu.memref_slice %arg7[%add3A_16, %dma_wait3A_163] : memref<10240x128xf32, #tpu.memory_space<vmem_shared>> -> memref<128x128xf32, #tpu.memory_space<vmem_shared>>
      %dma_wait3A_165 = arith.constant 0 : i32
      %dma_wait3A_166 = tpu.memref_slice %arg7[%add3A_16, %dma_wait3A_165] : memref<10240x128xf32, #tpu.memory_space<vmem_shared>> -> memref<128x128xf32, #tpu.memory_space<vmem_shared>>
      tpu.wait_dma2 semaphore(%run_scoped3A : memref<!tpu.dma_semaphore, #tpu.memory_space<semaphore_mem>>) src(%arg10 : memref<128x128xf32, #tpu.memory_space<vmem>>) dst(%dma_wait3A_166 : memref<128x128xf32, #tpu.memory_space<vmem_shared>>)
      tpu.yield
    }) : () -> ()
    %mul3A_17 = arith.constant 640 : i32
    %mul3A_18 = arith.muli %arg1, %mul3A_17 : i32
    %add3A_19 = arith.constant 384 : i32
    %add3A_20 = arith.addi %mul3A_18, %add3A_19 : i32
    "tpu.region"() ({
      %run_scoped3A = tpu.sem_alloc : memref<!tpu.dma_semaphore, #tpu.memory_space<semaphore_mem>>
      %dma_start3A_159 = arith.constant 0 : i32
      %dma_start3A_160 = tpu.memref_slice %arg7[%add3A_20, %dma_start3A_159] : memref<10240x128xf32, #tpu.memory_space<vmem_shared>> -> memref<128x128xf32, #tpu.memory_space<vmem_shared>>
      %dma_start3A_161 = arith.constant 0 : i32
      %dma_start3A_162 = tpu.memref_slice %arg7[%add3A_20, %dma_start3A_161] : memref<10240x128xf32, #tpu.memory_space<vmem_shared>> -> memref<128x128xf32, #tpu.memory_space<vmem_shared>>
      tpu.enqueue_dma source(%arg10 : memref<128x128xf32, #tpu.memory_space<vmem>>) target(%dma_start3A_162 : memref<128x128xf32, #tpu.memory_space<vmem_shared>>) target_semaphore(%run_scoped3A : memref<!tpu.dma_semaphore, #tpu.memory_space<semaphore_mem>>)
      %dma_wait3A_163 = arith.constant 0 : i32
      %dma_wait3A_164 = tpu.memref_slice %arg7[%add3A_20, %dma_wait3A_163] : memref<10240x128xf32, #tpu.memory_space<vmem_shared>> -> memref<128x128xf32, #tpu.memory_space<vmem_shared>>
      %dma_wait3A_165 = arith.constant 0 : i32
      %dma_wait3A_166 = tpu.memref_slice %arg7[%add3A_20, %dma_wait3A_165] : memref<10240x128xf32, #tpu.memory_space<vmem_shared>> -> memref<128x128xf32, #tpu.memory_space<vmem_shared>>
      tpu.wait_dma2 semaphore(%run_scoped3A : memref<!tpu.dma_semaphore, #tpu.memory_space<semaphore_mem>>) src(%arg10 : memref<128x128xf32, #tpu.memory_space<vmem>>) dst(%dma_wait3A_166 : memref<128x128xf32, #tpu.memory_space<vmem_shared>>)
      tpu.yield
    }) : () -> ()
    %mul3A_21 = arith.constant 640 : i32
    %mul3A_22 = arith.muli %arg1, %mul3A_21 : i32
    %add3A_23 = arith.constant 512 : i32
    %add3A_24 = arith.addi %mul3A_22, %add3A_23 : i32
    "tpu.region"() ({
      %run_scoped3A = tpu.sem_alloc : memref<!tpu.dma_semaphore, #tpu.memory_space<semaphore_mem>>
      %dma_start3A_159 = arith.constant 0 : i32
      %dma_start3A_160 = tpu.memref_slice %arg7[%add3A_24, %dma_start3A_159] : memref<10240x128xf32, #tpu.memory_space<vmem_shared>> -> memref<128x128xf32, #tpu.memory_space<vmem_shared>>
      %dma_start3A_161 = arith.constant 0 : i32
      %dma_start3A_162 = tpu.memref_slice %arg7[%add3A_24, %dma_start3A_161] : memref<10240x128xf32, #tpu.memory_space<vmem_shared>> -> memref<128x128xf32, #tpu.memory_space<vmem_shared>>
      tpu.enqueue_dma source(%arg10 : memref<128x128xf32, #tpu.memory_space<vmem>>) target(%dma_start3A_162 : memref<128x128xf32, #tpu.memory_space<vmem_shared>>) target_semaphore(%run_scoped3A : memref<!tpu.dma_semaphore, #tpu.memory_space<semaphore_mem>>)
      %dma_wait3A_163 = arith.constant 0 : i32
      %dma_wait3A_164 = tpu.memref_slice %arg7[%add3A_24, %dma_wait3A_163] : memref<10240x128xf32, #tpu.memory_space<vmem_shared>> -> memref<128x128xf32, #tpu.memory_space<vmem_shared>>
      %dma_wait3A_165 = arith.constant 0 : i32
      %dma_wait3A_166 = tpu.memref_slice %arg7[%add3A_24, %dma_wait3A_165] : memref<10240x128xf32, #tpu.memory_space<vmem_shared>> -> memref<128x128xf32, #tpu.memory_space<vmem_shared>>
      tpu.wait_dma2 semaphore(%run_scoped3A : memref<!tpu.dma_semaphore, #tpu.memory_space<semaphore_mem>>) src(%arg10 : memref<128x128xf32, #tpu.memory_space<vmem>>) dst(%dma_wait3A_166 : memref<128x128xf32, #tpu.memory_space<vmem_shared>>)
      tpu.yield
    }) : () -> ()
    %barrier3A = arith.constant 0 : index
    tpu.barrier barrier_id(%barrier3A)
    %mul3A_25 = arith.constant 80 : i32
    %mul3A_26 = arith.muli %add3A, %mul3A_25 : i32
    %add3A_27 = arith.constant 0 : i32
    %add3A_28 = arith.addi %mul3A_26, %add3A_27 : i32
    "tpu.region"() ({
      %run_scoped3A = tpu.sem_alloc : memref<!tpu.dma_semaphore, #tpu.memory_space<semaphore_mem>>
      %dma_start3A_159 = arith.constant 0 : i32
      %dma_start3A_160 = tpu.memref_slice %arg3[%add3A_28, %dma_start3A_159] : memref<2560x128xi32, #tpu.memory_space<hbm>> -> memref<40x128xi32, #tpu.memory_space<hbm>>
      %dma_start3A_161 = arith.constant 0 : i32
      %dma_start3A_162 = tpu.memref_slice %arg3[%add3A_28, %dma_start3A_161] : memref<2560x128xi32, #tpu.memory_space<hbm>> -> memref<40x128xi32, #tpu.memory_space<hbm>>
      tpu.enqueue_dma source(%dma_start3A_162 : memref<40x128xi32, #tpu.memory_space<hbm>>) target(%arg8 : memref<40x128xi32, #tpu.memory_space<vmem>>) target_semaphore(%run_scoped3A : memref<!tpu.dma_semaphore, #tpu.memory_space<semaphore_mem>>)
      %dma_wait3A_163 = arith.constant 0 : i32
      %dma_wait3A_164 = tpu.memref_slice %arg3[%add3A_28, %dma_wait3A_163] : memref<2560x128xi32, #tpu.memory_space<hbm>> -> memref<40x128xi32, #tpu.memory_space<hbm>>
      %dma_wait3A_165 = arith.constant 0 : i32
      %dma_wait3A_166 = tpu.memref_slice %arg3[%add3A_28, %dma_wait3A_165] : memref<2560x128xi32, #tpu.memory_space<hbm>> -> memref<40x128xi32, #tpu.memory_space<hbm>>
      tpu.wait_dma2 semaphore(%run_scoped3A : memref<!tpu.dma_semaphore, #tpu.memory_space<semaphore_mem>>) src(%dma_wait3A_166 : memref<40x128xi32, #tpu.memory_space<hbm>>) dst(%arg8 : memref<40x128xi32, #tpu.memory_space<vmem>>)
      tpu.yield
    }) : () -> ()
    "tpu.region"() ({
      %run_scoped3A = tpu.sem_alloc : memref<!tpu.dma_semaphore, #tpu.memory_space<semaphore_mem>>
      %dma_start3A_159 = arith.constant 0 : i32
      %dma_start3A_160 = tpu.memref_slice %arg4[%add3A_28, %dma_start3A_159] : memref<2560x128xi32, #tpu.memory_space<hbm>> -> memref<40x128xi32, #tpu.memory_space<hbm>>
      %dma_start3A_161 = arith.constant 0 : i32
      %dma_start3A_162 = tpu.memref_slice %arg4[%add3A_28, %dma_start3A_161] : memref<2560x128xi32, #tpu.memory_space<hbm>> -> memref<40x128xi32, #tpu.memory_space<hbm>>
      tpu.enqueue_dma source(%dma_start3A_162 : memref<40x128xi32, #tpu.memory_space<hbm>>) target(%arg9 : memref<40x128xi32, #tpu.memory_space<vmem>>) target_semaphore(%run_scoped3A : memref<!tpu.dma_semaphore, #tpu.memory_space<semaphore_mem>>)
      %dma_wait3A_163 = arith.constant 0 : i32
      %dma_wait3A_164 = tpu.memref_slice %arg4[%add3A_28, %dma_wait3A_163] : memref<2560x128xi32, #tpu.memory_space<hbm>> -> memref<40x128xi32, #tpu.memory_space<hbm>>
      %dma_wait3A_165 = arith.constant 0 : i32
      %dma_wait3A_166 = tpu.memref_slice %arg4[%add3A_28, %dma_wait3A_165] : memref<2560x128xi32, #tpu.memory_space<hbm>> -> memref<40x128xi32, #tpu.memory_space<hbm>>
      tpu.wait_dma2 semaphore(%run_scoped3A : memref<!tpu.dma_semaphore, #tpu.memory_space<semaphore_mem>>) src(%dma_wait3A_166 : memref<40x128xi32, #tpu.memory_space<hbm>>) dst(%arg9 : memref<40x128xi32, #tpu.memory_space<vmem>>)
      tpu.yield
    }) : () -> ()
    %dma_start3A = arith.constant 0 : i32
    %dma_start3A_29 = arith.constant 0 : i32
    %dma_start3A_30 = tpu.memref_slice %arg8[%dma_start3A, %dma_start3A_29] : memref<40x128xi32, #tpu.memory_space<vmem>> -> memref<1x128xi32, #tpu.memory_space<vmem>>
    %dma_start3A_31 = tpu.memref_squeeze %dma_start3A_30 : memref<1x128xi32, #tpu.memory_space<vmem>> -> memref<128xi32, #tpu.memory_space<vmem>>
    %dma_start3A_32 = arith.constant 0 : i32
    %dma_start3A_33 = arith.constant 0 : i32
    %dma_start3A_34 = tpu.memref_slice %arg2[%dma_start3A_32, %dma_start3A_33] : memref<10240x128xf32, #tpu.memory_space<hbm>> -> memref<10240x128xf32, #tpu.memory_space<hbm>>
    tpu.enqueue_indirect_dma source(%dma_start3A_34 : memref<10240x128xf32, #tpu.memory_space<hbm>>) target(%arg10 : memref<128x128xf32, #tpu.memory_space<vmem>>) offsets(%dma_start3A_31 : memref<128xi32, #tpu.memory_space<vmem>>) semaphore(%arg12 : memref<!tpu.dma_semaphore, #tpu.memory_space<semaphore_mem>>)
    %dma_start3A_35 = arith.constant 1 : i32
    %dma_start3A_36 = arith.constant 0 : i32
    %dma_start3A_37 = tpu.memref_slice %arg8[%dma_start3A_35, %dma_start3A_36] : memref<40x128xi32, #tpu.memory_space<vmem>> -> memref<1x128xi32, #tpu.memory_space<vmem>>
    %dma_start3A_38 = tpu.memref_squeeze %dma_start3A_37 : memref<1x128xi32, #tpu.memory_space<vmem>> -> memref<128xi32, #tpu.memory_space<vmem>>
    %dma_start3A_39 = arith.constant 0 : i32
    %dma_start3A_40 = arith.constant 0 : i32
    %dma_start3A_41 = tpu.memref_slice %arg2[%dma_start3A_39, %dma_start3A_40] : memref<10240x128xf32, #tpu.memory_space<hbm>> -> memref<10240x128xf32, #tpu.memory_space<hbm>>
    tpu.enqueue_indirect_dma source(%dma_start3A_41 : memref<10240x128xf32, #tpu.memory_space<hbm>>) target(%arg11 : memref<128x128xf32, #tpu.memory_space<vmem>>) offsets(%dma_start3A_38 : memref<128xi32, #tpu.memory_space<vmem>>) semaphore(%arg12 : memref<!tpu.dma_semaphore, #tpu.memory_space<semaphore_mem>>)
    %dma_wait3A = arith.constant 0 : i32
    %dma_wait3A_42 = arith.constant 0 : i32
    %dma_wait3A_43 = tpu.memref_slice %arg8[%dma_wait3A, %dma_wait3A_42] : memref<40x128xi32, #tpu.memory_space<vmem>> -> memref<1x128xi32, #tpu.memory_space<vmem>>
    %dma_wait3A_44 = tpu.memref_squeeze %dma_wait3A_43 : memref<1x128xi32, #tpu.memory_space<vmem>> -> memref<128xi32, #tpu.memory_space<vmem>>
    %dma_wait3A_45 = arith.constant 0 : i32
    %dma_wait3A_46 = arith.constant 0 : i32
    %dma_wait3A_47 = tpu.memref_slice %arg2[%dma_wait3A_45, %dma_wait3A_46] : memref<10240x128xf32, #tpu.memory_space<hbm>> -> memref<10240x128xf32, #tpu.memory_space<hbm>>
    tpu.wait_indirect_dma semaphore(%arg12 : memref<!tpu.dma_semaphore, #tpu.memory_space<semaphore_mem>>) src(%dma_wait3A_47 : memref<10240x128xf32, #tpu.memory_space<hbm>>) dst(%arg10 : memref<128x128xf32, #tpu.memory_space<vmem>>)
    %dma_start3A_48 = arith.constant 0 : i32
    %dma_start3A_49 = arith.constant 0 : i32
    %dma_start3A_50 = tpu.memref_slice %arg9[%dma_start3A_48, %dma_start3A_49] : memref<40x128xi32, #tpu.memory_space<vmem>> -> memref<1x128xi32, #tpu.memory_space<vmem>>
    %dma_start3A_51 = tpu.memref_squeeze %dma_start3A_50 : memref<1x128xi32, #tpu.memory_space<vmem>> -> memref<128xi32, #tpu.memory_space<vmem>>
    %dma_start3A_52 = arith.constant 0 : i32
    %dma_start3A_53 = arith.constant 0 : i32
    %dma_start3A_54 = tpu.memref_slice %arg7[%dma_start3A_52, %dma_start3A_53] : memref<10240x128xf32, #tpu.memory_space<vmem_shared>> -> memref<10240x128xf32, #tpu.memory_space<vmem_shared>>
    tpu.enqueue_indirect_dma source(%arg10 : memref<128x128xf32, #tpu.memory_space<vmem>>) target(%dma_start3A_54 : memref<10240x128xf32, #tpu.memory_space<vmem_shared>>) offsets(%dma_start3A_51 : memref<128xi32, #tpu.memory_space<vmem>>) semaphore(%arg13 : memref<!tpu.dma_semaphore, #tpu.memory_space<semaphore_mem>>) {add = true}
    %dma_wait3A_55 = arith.constant 1 : i32
    %dma_wait3A_56 = arith.constant 0 : i32
    %dma_wait3A_57 = tpu.memref_slice %arg8[%dma_wait3A_55, %dma_wait3A_56] : memref<40x128xi32, #tpu.memory_space<vmem>> -> memref<1x128xi32, #tpu.memory_space<vmem>>
    %dma_wait3A_58 = tpu.memref_squeeze %dma_wait3A_57 : memref<1x128xi32, #tpu.memory_space<vmem>> -> memref<128xi32, #tpu.memory_space<vmem>>
    %dma_wait3A_59 = arith.constant 0 : i32
    %dma_wait3A_60 = arith.constant 0 : i32
    %dma_wait3A_61 = tpu.memref_slice %arg2[%dma_wait3A_59, %dma_wait3A_60] : memref<10240x128xf32, #tpu.memory_space<hbm>> -> memref<10240x128xf32, #tpu.memory_space<hbm>>
    tpu.wait_indirect_dma semaphore(%arg12 : memref<!tpu.dma_semaphore, #tpu.memory_space<semaphore_mem>>) src(%dma_wait3A_61 : memref<10240x128xf32, #tpu.memory_space<hbm>>) dst(%arg11 : memref<128x128xf32, #tpu.memory_space<vmem>>)
    %dma_start3A_62 = arith.constant 1 : i32
    %dma_start3A_63 = arith.constant 0 : i32
    %dma_start3A_64 = tpu.memref_slice %arg9[%dma_start3A_62, %dma_start3A_63] : memref<40x128xi32, #tpu.memory_space<vmem>> -> memref<1x128xi32, #tpu.memory_space<vmem>>
    %dma_start3A_65 = tpu.memref_squeeze %dma_start3A_64 : memref<1x128xi32, #tpu.memory_space<vmem>> -> memref<128xi32, #tpu.memory_space<vmem>>
    %dma_start3A_66 = arith.constant 0 : i32
    %dma_start3A_67 = arith.constant 0 : i32
    %dma_start3A_68 = tpu.memref_slice %arg7[%dma_start3A_66, %dma_start3A_67] : memref<10240x128xf32, #tpu.memory_space<vmem_shared>> -> memref<10240x128xf32, #tpu.memory_space<vmem_shared>>
    tpu.enqueue_indirect_dma source(%arg11 : memref<128x128xf32, #tpu.memory_space<vmem>>) target(%dma_start3A_68 : memref<10240x128xf32, #tpu.memory_space<vmem_shared>>) offsets(%dma_start3A_65 : memref<128xi32, #tpu.memory_space<vmem>>) semaphore(%arg13 : memref<!tpu.dma_semaphore, #tpu.memory_space<semaphore_mem>>) {add = true}
    %scan3A_69 = arith.constant 1 : i32
    %scan3A_70 = arith.constant 19 : i32
    %scan3A_71 = arith.addi %scan3A_69, %scan3A_70 : i32
    %scan3A_72 = arith.constant 1 : i32
    scf.for %scan3A_159 = %scan3A_69 to %scan3A_71 step %scan3A_72  : i32 {
      %dma_wait3A_160 = arith.constant 0 : i32
      %dma_wait3A_161 = arith.constant 0 : i32
      %dma_wait3A_162 = tpu.memref_slice %arg2[%dma_wait3A_160, %dma_wait3A_161] : memref<10240x128xf32, #tpu.memory_space<hbm>> -> memref<128x128xf32, #tpu.memory_space<hbm>>
      %dma_wait3A_163 = arith.constant 0 : i32
      %dma_wait3A_164 = arith.constant 0 : i32
      %dma_wait3A_165 = tpu.memref_slice %arg2[%dma_wait3A_163, %dma_wait3A_164] : memref<10240x128xf32, #tpu.memory_space<hbm>> -> memref<128x128xf32, #tpu.memory_space<hbm>>
      tpu.wait_dma2 semaphore(%arg13 : memref<!tpu.dma_semaphore, #tpu.memory_space<semaphore_mem>>) src(%dma_wait3A_165 : memref<128x128xf32, #tpu.memory_space<hbm>>) dst(%arg10 : memref<128x128xf32, #tpu.memory_space<vmem>>)
      %mul3A_166 = arith.constant 2 : i32
      %mul3A_167 = arith.muli %scan3A_159, %mul3A_166 : i32
      %add3A_168 = arith.constant 0 : i32
      %add3A_169 = arith.addi %mul3A_167, %add3A_168 : i32
      %dma_start3A_170 = arith.constant 0 : i32
      %dma_start3A_171 = tpu.memref_slice %arg8[%add3A_169, %dma_start3A_170] : memref<40x128xi32, #tpu.memory_space<vmem>> -> memref<1x128xi32, #tpu.memory_space<vmem>>
      %dma_start3A_172 = tpu.memref_squeeze %dma_start3A_171 : memref<1x128xi32, #tpu.memory_space<vmem>> -> memref<128xi32, #tpu.memory_space<vmem>>
      %dma_start3A_173 = arith.constant 0 : i32
      %dma_start3A_174 = arith.constant 0 : i32
      %dma_start3A_175 = tpu.memref_slice %arg2[%dma_start3A_173, %dma_start3A_174] : memref<10240x128xf32, #tpu.memory_space<hbm>> -> memref<10240x128xf32, #tpu.memory_space<hbm>>
      tpu.enqueue_indirect_dma source(%dma_start3A_175 : memref<10240x128xf32, #tpu.memory_space<hbm>>) target(%arg10 : memref<128x128xf32, #tpu.memory_space<vmem>>) offsets(%dma_start3A_172 : memref<128xi32, #tpu.memory_space<vmem>>) semaphore(%arg12 : memref<!tpu.dma_semaphore, #tpu.memory_space<semaphore_mem>>)
      %dma_wait3A_176 = arith.constant 0 : i32
      %dma_wait3A_177 = arith.constant 0 : i32
      %dma_wait3A_178 = tpu.memref_slice %arg2[%dma_wait3A_176, %dma_wait3A_177] : memref<10240x128xf32, #tpu.memory_space<hbm>> -> memref<128x128xf32, #tpu.memory_space<hbm>>
      %dma_wait3A_179 = arith.constant 0 : i32
      %dma_wait3A_180 = arith.constant 0 : i32
      %dma_wait3A_181 = tpu.memref_slice %arg2[%dma_wait3A_179, %dma_wait3A_180] : memref<10240x128xf32, #tpu.memory_space<hbm>> -> memref<128x128xf32, #tpu.memory_space<hbm>>
      tpu.wait_dma2 semaphore(%arg13 : memref<!tpu.dma_semaphore, #tpu.memory_space<semaphore_mem>>) src(%dma_wait3A_181 : memref<128x128xf32, #tpu.memory_space<hbm>>) dst(%arg10 : memref<128x128xf32, #tpu.memory_space<vmem>>)
      %mul3A_182 = arith.constant 2 : i32
      %mul3A_183 = arith.muli %scan3A_159, %mul3A_182 : i32
      %add3A_184 = arith.constant 1 : i32
      %add3A_185 = arith.addi %mul3A_183, %add3A_184 : i32
      %dma_start3A_186 = arith.constant 0 : i32
      %dma_start3A_187 = tpu.memref_slice %arg8[%add3A_185, %dma_start3A_186] : memref<40x128xi32, #tpu.memory_space<vmem>> -> memref<1x128xi32, #tpu.memory_space<vmem>>
      %dma_start3A_188 = tpu.memref_squeeze %dma_start3A_187 : memref<1x128xi32, #tpu.memory_space<vmem>> -> memref<128xi32, #tpu.memory_space<vmem>>
      %dma_start3A_189 = arith.constant 0 : i32
      %dma_start3A_190 = arith.constant 0 : i32
      %dma_start3A_191 = tpu.memref_slice %arg2[%dma_start3A_189, %dma_start3A_190] : memref<10240x128xf32, #tpu.memory_space<hbm>> -> memref<10240x128xf32, #tpu.memory_space<hbm>>
      tpu.enqueue_indirect_dma source(%dma_start3A_191 : memref<10240x128xf32, #tpu.memory_space<hbm>>) target(%arg11 : memref<128x128xf32, #tpu.memory_space<vmem>>) offsets(%dma_start3A_188 : memref<128xi32, #tpu.memory_space<vmem>>) semaphore(%arg12 : memref<!tpu.dma_semaphore, #tpu.memory_space<semaphore_mem>>)
      %dma_wait3A_192 = arith.constant 0 : i32
      %dma_wait3A_193 = tpu.memref_slice %arg8[%add3A_169, %dma_wait3A_192] : memref<40x128xi32, #tpu.memory_space<vmem>> -> memref<1x128xi32, #tpu.memory_space<vmem>>
      %dma_wait3A_194 = tpu.memref_squeeze %dma_wait3A_193 : memref<1x128xi32, #tpu.memory_space<vmem>> -> memref<128xi32, #tpu.memory_space<vmem>>
      %dma_wait3A_195 = arith.constant 0 : i32
      %dma_wait3A_196 = arith.constant 0 : i32
      %dma_wait3A_197 = tpu.memref_slice %arg2[%dma_wait3A_195, %dma_wait3A_196] : memref<10240x128xf32, #tpu.memory_space<hbm>> -> memref<10240x128xf32, #tpu.memory_space<hbm>>
      tpu.wait_indirect_dma semaphore(%arg12 : memref<!tpu.dma_semaphore, #tpu.memory_space<semaphore_mem>>) src(%dma_wait3A_197 : memref<10240x128xf32, #tpu.memory_space<hbm>>) dst(%arg10 : memref<128x128xf32, #tpu.memory_space<vmem>>)
      %mul3A_198 = arith.constant 2 : i32
      %mul3A_199 = arith.muli %scan3A_159, %mul3A_198 : i32
      %add3A_200 = arith.constant 0 : i32
      %add3A_201 = arith.addi %mul3A_199, %add3A_200 : i32
      %dma_start3A_202 = arith.constant 0 : i32
      %dma_start3A_203 = tpu.memref_slice %arg9[%add3A_201, %dma_start3A_202] : memref<40x128xi32, #tpu.memory_space<vmem>> -> memref<1x128xi32, #tpu.memory_space<vmem>>
      %dma_start3A_204 = tpu.memref_squeeze %dma_start3A_203 : memref<1x128xi32, #tpu.memory_space<vmem>> -> memref<128xi32, #tpu.memory_space<vmem>>
      %dma_start3A_205 = arith.constant 0 : i32
      %dma_start3A_206 = arith.constant 0 : i32
      %dma_start3A_207 = tpu.memref_slice %arg7[%dma_start3A_205, %dma_start3A_206] : memref<10240x128xf32, #tpu.memory_space<vmem_shared>> -> memref<10240x128xf32, #tpu.memory_space<vmem_shared>>
      tpu.enqueue_indirect_dma source(%arg10 : memref<128x128xf32, #tpu.memory_space<vmem>>) target(%dma_start3A_207 : memref<10240x128xf32, #tpu.memory_space<vmem_shared>>) offsets(%dma_start3A_204 : memref<128xi32, #tpu.memory_space<vmem>>) semaphore(%arg13 : memref<!tpu.dma_semaphore, #tpu.memory_space<semaphore_mem>>) {add = true}
      %dma_wait3A_208 = arith.constant 0 : i32
      %dma_wait3A_209 = tpu.memref_slice %arg8[%add3A_185, %dma_wait3A_208] : memref<40x128xi32, #tpu.memory_space<vmem>> -> memref<1x128xi32, #tpu.memory_space<vmem>>
      %dma_wait3A_210 = tpu.memref_squeeze %dma_wait3A_209 : memref<1x128xi32, #tpu.memory_space<vmem>> -> memref<128xi32, #tpu.memory_space<vmem>>
      %dma_wait3A_211 = arith.constant 0 : i32
      %dma_wait3A_212 = arith.constant 0 : i32
      %dma_wait3A_213 = tpu.memref_slice %arg2[%dma_wait3A_211, %dma_wait3A_212] : memref<10240x128xf32, #tpu.memory_space<hbm>> -> memref<10240x128xf32, #tpu.memory_space<hbm>>
      tpu.wait_indirect_dma semaphore(%arg12 : memref<!tpu.dma_semaphore, #tpu.memory_space<semaphore_mem>>) src(%dma_wait3A_213 : memref<10240x128xf32, #tpu.memory_space<hbm>>) dst(%arg11 : memref<128x128xf32, #tpu.memory_space<vmem>>)
      %mul3A_214 = arith.constant 2 : i32
      %mul3A_215 = arith.muli %scan3A_159, %mul3A_214 : i32
      %add3A_216 = arith.constant 1 : i32
      %add3A_217 = arith.addi %mul3A_215, %add3A_216 : i32
      %dma_start3A_218 = arith.constant 0 : i32
      %dma_start3A_219 = tpu.memref_slice %arg9[%add3A_217, %dma_start3A_218] : memref<40x128xi32, #tpu.memory_space<vmem>> -> memref<1x128xi32, #tpu.memory_space<vmem>>
      %dma_start3A_220 = tpu.memref_squeeze %dma_start3A_219 : memref<1x128xi32, #tpu.memory_space<vmem>> -> memref<128xi32, #tpu.memory_space<vmem>>
      %dma_start3A_221 = arith.constant 0 : i32
      %dma_start3A_222 = arith.constant 0 : i32
      %dma_start3A_223 = tpu.memref_slice %arg7[%dma_start3A_221, %dma_start3A_222] : memref<10240x128xf32, #tpu.memory_space<vmem_shared>> -> memref<10240x128xf32, #tpu.memory_space<vmem_shared>>
      tpu.enqueue_indirect_dma source(%arg11 : memref<128x128xf32, #tpu.memory_space<vmem>>) target(%dma_start3A_223 : memref<10240x128xf32, #tpu.memory_space<vmem_shared>>) offsets(%dma_start3A_220 : memref<128xi32, #tpu.memory_space<vmem>>) semaphore(%arg13 : memref<!tpu.dma_semaphore, #tpu.memory_space<semaphore_mem>>) {add = true}
    }
    %scan3A_73 = arith.constant 19 : i32
    %dma_wait3A_74 = arith.constant 0 : i32
    %dma_wait3A_75 = arith.constant 0 : i32
    %dma_wait3A_76 = tpu.memref_slice %arg2[%dma_wait3A_74, %dma_wait3A_75] : memref<10240x128xf32, #tpu.memory_space<hbm>> -> memref<128x128xf32, #tpu.memory_space<hbm>>
    %dma_wait3A_77 = arith.constant 0 : i32
    %dma_wait3A_78 = arith.constant 0 : i32
    %dma_wait3A_79 = tpu.memref_slice %arg2[%dma_wait3A_77, %dma_wait3A_78] : memref<10240x128xf32, #tpu.memory_space<hbm>> -> memref<128x128xf32, #tpu.memory_space<hbm>>
    tpu.wait_dma2 semaphore(%arg13 : memref<!tpu.dma_semaphore, #tpu.memory_space<semaphore_mem>>) src(%dma_wait3A_79 : memref<128x128xf32, #tpu.memory_space<hbm>>) dst(%arg10 : memref<128x128xf32, #tpu.memory_space<vmem>>)
    %dma_wait3A_80 = arith.constant 0 : i32
    %dma_wait3A_81 = arith.constant 0 : i32
    %dma_wait3A_82 = tpu.memref_slice %arg2[%dma_wait3A_80, %dma_wait3A_81] : memref<10240x128xf32, #tpu.memory_space<hbm>> -> memref<128x128xf32, #tpu.memory_space<hbm>>
    %dma_wait3A_83 = arith.constant 0 : i32
    %dma_wait3A_84 = arith.constant 0 : i32
    %dma_wait3A_85 = tpu.memref_slice %arg2[%dma_wait3A_83, %dma_wait3A_84] : memref<10240x128xf32, #tpu.memory_space<hbm>> -> memref<128x128xf32, #tpu.memory_space<hbm>>
    tpu.wait_dma2 semaphore(%arg13 : memref<!tpu.dma_semaphore, #tpu.memory_space<semaphore_mem>>) src(%dma_wait3A_85 : memref<128x128xf32, #tpu.memory_space<hbm>>) dst(%arg10 : memref<128x128xf32, #tpu.memory_space<vmem>>)
    %mul3A_86 = arith.constant 80 : i32
    %mul3A_87 = arith.muli %add3A, %mul3A_86 : i32
    %add3A_88 = arith.constant 40 : i32
    %add3A_89 = arith.addi %mul3A_87, %add3A_88 : i32
    "tpu.region"() ({
      %run_scoped3A = tpu.sem_alloc : memref<!tpu.dma_semaphore, #tpu.memory_space<semaphore_mem>>
      %dma_start3A_159 = arith.constant 0 : i32
      %dma_start3A_160 = tpu.memref_slice %arg3[%add3A_89, %dma_start3A_159] : memref<2560x128xi32, #tpu.memory_space<hbm>> -> memref<40x128xi32, #tpu.memory_space<hbm>>
      %dma_start3A_161 = arith.constant 0 : i32
      %dma_start3A_162 = tpu.memref_slice %arg3[%add3A_89, %dma_start3A_161] : memref<2560x128xi32, #tpu.memory_space<hbm>> -> memref<40x128xi32, #tpu.memory_space<hbm>>
      tpu.enqueue_dma source(%dma_start3A_162 : memref<40x128xi32, #tpu.memory_space<hbm>>) target(%arg8 : memref<40x128xi32, #tpu.memory_space<vmem>>) target_semaphore(%run_scoped3A : memref<!tpu.dma_semaphore, #tpu.memory_space<semaphore_mem>>)
      %dma_wait3A_163 = arith.constant 0 : i32
      %dma_wait3A_164 = tpu.memref_slice %arg3[%add3A_89, %dma_wait3A_163] : memref<2560x128xi32, #tpu.memory_space<hbm>> -> memref<40x128xi32, #tpu.memory_space<hbm>>
      %dma_wait3A_165 = arith.constant 0 : i32
      %dma_wait3A_166 = tpu.memref_slice %arg3[%add3A_89, %dma_wait3A_165] : memref<2560x128xi32, #tpu.memory_space<hbm>> -> memref<40x128xi32, #tpu.memory_space<hbm>>
      tpu.wait_dma2 semaphore(%run_scoped3A : memref<!tpu.dma_semaphore, #tpu.memory_space<semaphore_mem>>) src(%dma_wait3A_166 : memref<40x128xi32, #tpu.memory_space<hbm>>) dst(%arg8 : memref<40x128xi32, #tpu.memory_space<vmem>>)
      tpu.yield
    }) : () -> ()
    "tpu.region"() ({
      %run_scoped3A = tpu.sem_alloc : memref<!tpu.dma_semaphore, #tpu.memory_space<semaphore_mem>>
      %dma_start3A_159 = arith.constant 0 : i32
      %dma_start3A_160 = tpu.memref_slice %arg4[%add3A_89, %dma_start3A_159] : memref<2560x128xi32, #tpu.memory_space<hbm>> -> memref<40x128xi32, #tpu.memory_space<hbm>>
      %dma_start3A_161 = arith.constant 0 : i32
      %dma_start3A_162 = tpu.memref_slice %arg4[%add3A_89, %dma_start3A_161] : memref<2560x128xi32, #tpu.memory_space<hbm>> -> memref<40x128xi32, #tpu.memory_space<hbm>>
      tpu.enqueue_dma source(%dma_start3A_162 : memref<40x128xi32, #tpu.memory_space<hbm>>) target(%arg9 : memref<40x128xi32, #tpu.memory_space<vmem>>) target_semaphore(%run_scoped3A : memref<!tpu.dma_semaphore, #tpu.memory_space<semaphore_mem>>)
      %dma_wait3A_163 = arith.constant 0 : i32
      %dma_wait3A_164 = tpu.memref_slice %arg4[%add3A_89, %dma_wait3A_163] : memref<2560x128xi32, #tpu.memory_space<hbm>> -> memref<40x128xi32, #tpu.memory_space<hbm>>
      %dma_wait3A_165 = arith.constant 0 : i32
      %dma_wait3A_166 = tpu.memref_slice %arg4[%add3A_89, %dma_wait3A_165] : memref<2560x128xi32, #tpu.memory_space<hbm>> -> memref<40x128xi32, #tpu.memory_space<hbm>>
      tpu.wait_dma2 semaphore(%run_scoped3A : memref<!tpu.dma_semaphore, #tpu.memory_space<semaphore_mem>>) src(%dma_wait3A_166 : memref<40x128xi32, #tpu.memory_space<hbm>>) dst(%arg9 : memref<40x128xi32, #tpu.memory_space<vmem>>)
      tpu.yield
    }) : () -> ()
    %dma_start3A_90 = arith.constant 0 : i32
    %dma_start3A_91 = arith.constant 0 : i32
    %dma_start3A_92 = tpu.memref_slice %arg8[%dma_start3A_90, %dma_start3A_91] : memref<40x128xi32, #tpu.memory_space<vmem>> -> memref<1x128xi32, #tpu.memory_space<vmem>>
    %dma_start3A_93 = tpu.memref_squeeze %dma_start3A_92 : memref<1x128xi32, #tpu.memory_space<vmem>> -> memref<128xi32, #tpu.memory_space<vmem>>
    %dma_start3A_94 = arith.constant 0 : i32
    %dma_start3A_95 = arith.constant 0 : i32
    %dma_start3A_96 = tpu.memref_slice %arg2[%dma_start3A_94, %dma_start3A_95] : memref<10240x128xf32, #tpu.memory_space<hbm>> -> memref<10240x128xf32, #tpu.memory_space<hbm>>
    tpu.enqueue_indirect_dma source(%dma_start3A_96 : memref<10240x128xf32, #tpu.memory_space<hbm>>) target(%arg10 : memref<128x128xf32, #tpu.memory_space<vmem>>) offsets(%dma_start3A_93 : memref<128xi32, #tpu.memory_space<vmem>>) semaphore(%arg12 : memref<!tpu.dma_semaphore, #tpu.memory_space<semaphore_mem>>)
    %dma_start3A_97 = arith.constant 1 : i32
    %dma_start3A_98 = arith.constant 0 : i32
    %dma_start3A_99 = tpu.memref_slice %arg8[%dma_start3A_97, %dma_start3A_98] : memref<40x128xi32, #tpu.memory_space<vmem>> -> memref<1x128xi32, #tpu.memory_space<vmem>>
    %dma_start3A_100 = tpu.memref_squeeze %dma_start3A_99 : memref<1x128xi32, #tpu.memory_space<vmem>> -> memref<128xi32, #tpu.memory_space<vmem>>
    %dma_start3A_101 = arith.constant 0 : i32
    %dma_start3A_102 = arith.constant 0 : i32
    %dma_start3A_103 = tpu.memref_slice %arg2[%dma_start3A_101, %dma_start3A_102] : memref<10240x128xf32, #tpu.memory_space<hbm>> -> memref<10240x128xf32, #tpu.memory_space<hbm>>
    tpu.enqueue_indirect_dma source(%dma_start3A_103 : memref<10240x128xf32, #tpu.memory_space<hbm>>) target(%arg11 : memref<128x128xf32, #tpu.memory_space<vmem>>) offsets(%dma_start3A_100 : memref<128xi32, #tpu.memory_space<vmem>>) semaphore(%arg12 : memref<!tpu.dma_semaphore, #tpu.memory_space<semaphore_mem>>)
    %dma_wait3A_104 = arith.constant 0 : i32
    %dma_wait3A_105 = arith.constant 0 : i32
    %dma_wait3A_106 = tpu.memref_slice %arg8[%dma_wait3A_104, %dma_wait3A_105] : memref<40x128xi32, #tpu.memory_space<vmem>> -> memref<1x128xi32, #tpu.memory_space<vmem>>
    %dma_wait3A_107 = tpu.memref_squeeze %dma_wait3A_106 : memref<1x128xi32, #tpu.memory_space<vmem>> -> memref<128xi32, #tpu.memory_space<vmem>>
    %dma_wait3A_108 = arith.constant 0 : i32
    %dma_wait3A_109 = arith.constant 0 : i32
    %dma_wait3A_110 = tpu.memref_slice %arg2[%dma_wait3A_108, %dma_wait3A_109] : memref<10240x128xf32, #tpu.memory_space<hbm>> -> memref<10240x128xf32, #tpu.memory_space<hbm>>
    tpu.wait_indirect_dma semaphore(%arg12 : memref<!tpu.dma_semaphore, #tpu.memory_space<semaphore_mem>>) src(%dma_wait3A_110 : memref<10240x128xf32, #tpu.memory_space<hbm>>) dst(%arg10 : memref<128x128xf32, #tpu.memory_space<vmem>>)
    %dma_start3A_111 = arith.constant 0 : i32
    %dma_start3A_112 = arith.constant 0 : i32
    %dma_start3A_113 = tpu.memref_slice %arg9[%dma_start3A_111, %dma_start3A_112] : memref<40x128xi32, #tpu.memory_space<vmem>> -> memref<1x128xi32, #tpu.memory_space<vmem>>
    %dma_start3A_114 = tpu.memref_squeeze %dma_start3A_113 : memref<1x128xi32, #tpu.memory_space<vmem>> -> memref<128xi32, #tpu.memory_space<vmem>>
    %dma_start3A_115 = arith.constant 0 : i32
    %dma_start3A_116 = arith.constant 0 : i32
    %dma_start3A_117 = tpu.memref_slice %arg7[%dma_start3A_115, %dma_start3A_116] : memref<10240x128xf32, #tpu.memory_space<vmem_shared>> -> memref<10240x128xf32, #tpu.memory_space<vmem_shared>>
    tpu.enqueue_indirect_dma source(%arg10 : memref<128x128xf32, #tpu.memory_space<vmem>>) target(%dma_start3A_117 : memref<10240x128xf32, #tpu.memory_space<vmem_shared>>) offsets(%dma_start3A_114 : memref<128xi32, #tpu.memory_space<vmem>>) semaphore(%arg13 : memref<!tpu.dma_semaphore, #tpu.memory_space<semaphore_mem>>) {add = true}
    %dma_wait3A_118 = arith.constant 1 : i32
    %dma_wait3A_119 = arith.constant 0 : i32
    %dma_wait3A_120 = tpu.memref_slice %arg8[%dma_wait3A_118, %dma_wait3A_119] : memref<40x128xi32, #tpu.memory_space<vmem>> -> memref<1x128xi32, #tpu.memory_space<vmem>>
    %dma_wait3A_121 = tpu.memref_squeeze %dma_wait3A_120 : memref<1x128xi32, #tpu.memory_space<vmem>> -> memref<128xi32, #tpu.memory_space<vmem>>
    %dma_wait3A_122 = arith.constant 0 : i32
    %dma_wait3A_123 = arith.constant 0 : i32
    %dma_wait3A_124 = tpu.memref_slice %arg2[%dma_wait3A_122, %dma_wait3A_123] : memref<10240x128xf32, #tpu.memory_space<hbm>> -> memref<10240x128xf32, #tpu.memory_space<hbm>>
    tpu.wait_indirect_dma semaphore(%arg12 : memref<!tpu.dma_semaphore, #tpu.memory_space<semaphore_mem>>) src(%dma_wait3A_124 : memref<10240x128xf32, #tpu.memory_space<hbm>>) dst(%arg11 : memref<128x128xf32, #tpu.memory_space<vmem>>)
    %dma_start3A_125 = arith.constant 1 : i32
    %dma_start3A_126 = arith.constant 0 : i32
    %dma_start3A_127 = tpu.memref_slice %arg9[%dma_start3A_125, %dma_start3A_126] : memref<40x128xi32, #tpu.memory_space<vmem>> -> memref<1x128xi32, #tpu.memory_space<vmem>>
    %dma_start3A_128 = tpu.memref_squeeze %dma_start3A_127 : memref<1x128xi32, #tpu.memory_space<vmem>> -> memref<128xi32, #tpu.memory_space<vmem>>
    %dma_start3A_129 = arith.constant 0 : i32
    %dma_start3A_130 = arith.constant 0 : i32
    %dma_start3A_131 = tpu.memref_slice %arg7[%dma_start3A_129, %dma_start3A_130] : memref<10240x128xf32, #tpu.memory_space<vmem_shared>> -> memref<10240x128xf32, #tpu.memory_space<vmem_shared>>
    tpu.enqueue_indirect_dma source(%arg11 : memref<128x128xf32, #tpu.memory_space<vmem>>) target(%dma_start3A_131 : memref<10240x128xf32, #tpu.memory_space<vmem_shared>>) offsets(%dma_start3A_128 : memref<128xi32, #tpu.memory_space<vmem>>) semaphore(%arg13 : memref<!tpu.dma_semaphore, #tpu.memory_space<semaphore_mem>>) {add = true}
    %scan3A_132 = arith.constant 1 : i32
    %scan3A_133 = arith.constant 19 : i32
    %scan3A_134 = arith.addi %scan3A_132, %scan3A_133 : i32
    %scan3A_135 = arith.constant 1 : i32
    scf.for %scan3A_159 = %scan3A_132 to %scan3A_134 step %scan3A_135  : i32 {
      %dma_wait3A_160 = arith.constant 0 : i32
      %dma_wait3A_161 = arith.constant 0 : i32
      %dma_wait3A_162 = tpu.memref_slice %arg2[%dma_wait3A_160, %dma_wait3A_161] : memref<10240x128xf32, #tpu.memory_space<hbm>> -> memref<128x128xf32, #tpu.memory_space<hbm>>
      %dma_wait3A_163 = arith.constant 0 : i32
      %dma_wait3A_164 = arith.constant 0 : i32
      %dma_wait3A_165 = tpu.memref_slice %arg2[%dma_wait3A_163, %dma_wait3A_164] : memref<10240x128xf32, #tpu.memory_space<hbm>> -> memref<128x128xf32, #tpu.memory_space<hbm>>
      tpu.wait_dma2 semaphore(%arg13 : memref<!tpu.dma_semaphore, #tpu.memory_space<semaphore_mem>>) src(%dma_wait3A_165 : memref<128x128xf32, #tpu.memory_space<hbm>>) dst(%arg10 : memref<128x128xf32, #tpu.memory_space<vmem>>)
      %mul3A_166 = arith.constant 2 : i32
      %mul3A_167 = arith.muli %scan3A_159, %mul3A_166 : i32
      %add3A_168 = arith.constant 0 : i32
      %add3A_169 = arith.addi %mul3A_167, %add3A_168 : i32
      %dma_start3A_170 = arith.constant 0 : i32
      %dma_start3A_171 = tpu.memref_slice %arg8[%add3A_169, %dma_start3A_170] : memref<40x128xi32, #tpu.memory_space<vmem>> -> memref<1x128xi32, #tpu.memory_space<vmem>>
      %dma_start3A_172 = tpu.memref_squeeze %dma_start3A_171 : memref<1x128xi32, #tpu.memory_space<vmem>> -> memref<128xi32, #tpu.memory_space<vmem>>
      %dma_start3A_173 = arith.constant 0 : i32
      %dma_start3A_174 = arith.constant 0 : i32
      %dma_start3A_175 = tpu.memref_slice %arg2[%dma_start3A_173, %dma_start3A_174] : memref<10240x128xf32, #tpu.memory_space<hbm>> -> memref<10240x128xf32, #tpu.memory_space<hbm>>
      tpu.enqueue_indirect_dma source(%dma_start3A_175 : memref<10240x128xf32, #tpu.memory_space<hbm>>) target(%arg10 : memref<128x128xf32, #tpu.memory_space<vmem>>) offsets(%dma_start3A_172 : memref<128xi32, #tpu.memory_space<vmem>>) semaphore(%arg12 : memref<!tpu.dma_semaphore, #tpu.memory_space<semaphore_mem>>)
      %dma_wait3A_176 = arith.constant 0 : i32
      %dma_wait3A_177 = arith.constant 0 : i32
      %dma_wait3A_178 = tpu.memref_slice %arg2[%dma_wait3A_176, %dma_wait3A_177] : memref<10240x128xf32, #tpu.memory_space<hbm>> -> memref<128x128xf32, #tpu.memory_space<hbm>>
      %dma_wait3A_179 = arith.constant 0 : i32
      %dma_wait3A_180 = arith.constant 0 : i32
      %dma_wait3A_181 = tpu.memref_slice %arg2[%dma_wait3A_179, %dma_wait3A_180] : memref<10240x128xf32, #tpu.memory_space<hbm>> -> memref<128x128xf32, #tpu.memory_space<hbm>>
      tpu.wait_dma2 semaphore(%arg13 : memref<!tpu.dma_semaphore, #tpu.memory_space<semaphore_mem>>) src(%dma_wait3A_181 : memref<128x128xf32, #tpu.memory_space<hbm>>) dst(%arg10 : memref<128x128xf32, #tpu.memory_space<vmem>>)
      %mul3A_182 = arith.constant 2 : i32
      %mul3A_183 = arith.muli %scan3A_159, %mul3A_182 : i32
      %add3A_184 = arith.constant 1 : i32
      %add3A_185 = arith.addi %mul3A_183, %add3A_184 : i32
      %dma_start3A_186 = arith.constant 0 : i32
      %dma_start3A_187 = tpu.memref_slice %arg8[%add3A_185, %dma_start3A_186] : memref<40x128xi32, #tpu.memory_space<vmem>> -> memref<1x128xi32, #tpu.memory_space<vmem>>
      %dma_start3A_188 = tpu.memref_squeeze %dma_start3A_187 : memref<1x128xi32, #tpu.memory_space<vmem>> -> memref<128xi32, #tpu.memory_space<vmem>>
      %dma_start3A_189 = arith.constant 0 : i32
      %dma_start3A_190 = arith.constant 0 : i32
      %dma_start3A_191 = tpu.memref_slice %arg2[%dma_start3A_189, %dma_start3A_190] : memref<10240x128xf32, #tpu.memory_space<hbm>> -> memref<10240x128xf32, #tpu.memory_space<hbm>>
      tpu.enqueue_indirect_dma source(%dma_start3A_191 : memref<10240x128xf32, #tpu.memory_space<hbm>>) target(%arg11 : memref<128x128xf32, #tpu.memory_space<vmem>>) offsets(%dma_start3A_188 : memref<128xi32, #tpu.memory_space<vmem>>) semaphore(%arg12 : memref<!tpu.dma_semaphore, #tpu.memory_space<semaphore_mem>>)
      %dma_wait3A_192 = arith.constant 0 : i32
      %dma_wait3A_193 = tpu.memref_slice %arg8[%add3A_169, %dma_wait3A_192] : memref<40x128xi32, #tpu.memory_space<vmem>> -> memref<1x128xi32, #tpu.memory_space<vmem>>
      %dma_wait3A_194 = tpu.memref_squeeze %dma_wait3A_193 : memref<1x128xi32, #tpu.memory_space<vmem>> -> memref<128xi32, #tpu.memory_space<vmem>>
      %dma_wait3A_195 = arith.constant 0 : i32
      %dma_wait3A_196 = arith.constant 0 : i32
      %dma_wait3A_197 = tpu.memref_slice %arg2[%dma_wait3A_195, %dma_wait3A_196] : memref<10240x128xf32, #tpu.memory_space<hbm>> -> memref<10240x128xf32, #tpu.memory_space<hbm>>
      tpu.wait_indirect_dma semaphore(%arg12 : memref<!tpu.dma_semaphore, #tpu.memory_space<semaphore_mem>>) src(%dma_wait3A_197 : memref<10240x128xf32, #tpu.memory_space<hbm>>) dst(%arg10 : memref<128x128xf32, #tpu.memory_space<vmem>>)
      %mul3A_198 = arith.constant 2 : i32
      %mul3A_199 = arith.muli %scan3A_159, %mul3A_198 : i32
      %add3A_200 = arith.constant 0 : i32
      %add3A_201 = arith.addi %mul3A_199, %add3A_200 : i32
      %dma_start3A_202 = arith.constant 0 : i32
      %dma_start3A_203 = tpu.memref_slice %arg9[%add3A_201, %dma_start3A_202] : memref<40x128xi32, #tpu.memory_space<vmem>> -> memref<1x128xi32, #tpu.memory_space<vmem>>
      %dma_start3A_204 = tpu.memref_squeeze %dma_start3A_203 : memref<1x128xi32, #tpu.memory_space<vmem>> -> memref<128xi32, #tpu.memory_space<vmem>>
      %dma_start3A_205 = arith.constant 0 : i32
      %dma_start3A_206 = arith.constant 0 : i32
      %dma_start3A_207 = tpu.memref_slice %arg7[%dma_start3A_205, %dma_start3A_206] : memref<10240x128xf32, #tpu.memory_space<vmem_shared>> -> memref<10240x128xf32, #tpu.memory_space<vmem_shared>>
      tpu.enqueue_indirect_dma source(%arg10 : memref<128x128xf32, #tpu.memory_space<vmem>>) target(%dma_start3A_207 : memref<10240x128xf32, #tpu.memory_space<vmem_shared>>) offsets(%dma_start3A_204 : memref<128xi32, #tpu.memory_space<vmem>>) semaphore(%arg13 : memref<!tpu.dma_semaphore, #tpu.memory_space<semaphore_mem>>) {add = true}
      %dma_wait3A_208 = arith.constant 0 : i32
      %dma_wait3A_209 = tpu.memref_slice %arg8[%add3A_185, %dma_wait3A_208] : memref<40x128xi32, #tpu.memory_space<vmem>> -> memref<1x128xi32, #tpu.memory_space<vmem>>
      %dma_wait3A_210 = tpu.memref_squeeze %dma_wait3A_209 : memref<1x128xi32, #tpu.memory_space<vmem>> -> memref<128xi32, #tpu.memory_space<vmem>>
      %dma_wait3A_211 = arith.constant 0 : i32
      %dma_wait3A_212 = arith.constant 0 : i32
      %dma_wait3A_213 = tpu.memref_slice %arg2[%dma_wait3A_211, %dma_wait3A_212] : memref<10240x128xf32, #tpu.memory_space<hbm>> -> memref<10240x128xf32, #tpu.memory_space<hbm>>
      tpu.wait_indirect_dma semaphore(%arg12 : memref<!tpu.dma_semaphore, #tpu.memory_space<semaphore_mem>>) src(%dma_wait3A_213 : memref<10240x128xf32, #tpu.memory_space<hbm>>) dst(%arg11 : memref<128x128xf32, #tpu.memory_space<vmem>>)
      %mul3A_214 = arith.constant 2 : i32
      %mul3A_215 = arith.muli %scan3A_159, %mul3A_214 : i32
      %add3A_216 = arith.constant 1 : i32
      %add3A_217 = arith.addi %mul3A_215, %add3A_216 : i32
      %dma_start3A_218 = arith.constant 0 : i32
      %dma_start3A_219 = tpu.memref_slice %arg9[%add3A_217, %dma_start3A_218] : memref<40x128xi32, #tpu.memory_space<vmem>> -> memref<1x128xi32, #tpu.memory_space<vmem>>
      %dma_start3A_220 = tpu.memref_squeeze %dma_start3A_219 : memref<1x128xi32, #tpu.memory_space<vmem>> -> memref<128xi32, #tpu.memory_space<vmem>>
      %dma_start3A_221 = arith.constant 0 : i32
      %dma_start3A_222 = arith.constant 0 : i32
      %dma_start3A_223 = tpu.memref_slice %arg7[%dma_start3A_221, %dma_start3A_222] : memref<10240x128xf32, #tpu.memory_space<vmem_shared>> -> memref<10240x128xf32, #tpu.memory_space<vmem_shared>>
      tpu.enqueue_indirect_dma source(%arg11 : memref<128x128xf32, #tpu.memory_space<vmem>>) target(%dma_start3A_223 : memref<10240x128xf32, #tpu.memory_space<vmem_shared>>) offsets(%dma_start3A_220 : memref<128xi32, #tpu.memory_space<vmem>>) semaphore(%arg13 : memref<!tpu.dma_semaphore, #tpu.memory_space<semaphore_mem>>) {add = true}
    }
    %scan3A_136 = arith.constant 19 : i32
    %dma_wait3A_137 = arith.constant 0 : i32
    %dma_wait3A_138 = arith.constant 0 : i32
    %dma_wait3A_139 = tpu.memref_slice %arg2[%dma_wait3A_137, %dma_wait3A_138] : memref<10240x128xf32, #tpu.memory_space<hbm>> -> memref<128x128xf32, #tpu.memory_space<hbm>>
    %dma_wait3A_140 = arith.constant 0 : i32
    %dma_wait3A_141 = arith.constant 0 : i32
    %dma_wait3A_142 = tpu.memref_slice %arg2[%dma_wait3A_140, %dma_wait3A_141] : memref<10240x128xf32, #tpu.memory_space<hbm>> -> memref<128x128xf32, #tpu.memory_space<hbm>>
    tpu.wait_dma2 semaphore(%arg13 : memref<!tpu.dma_semaphore, #tpu.memory_space<semaphore_mem>>) src(%dma_wait3A_142 : memref<128x128xf32, #tpu.memory_space<hbm>>) dst(%arg10 : memref<128x128xf32, #tpu.memory_space<vmem>>)
    %dma_wait3A_143 = arith.constant 0 : i32
    %dma_wait3A_144 = arith.constant 0 : i32
    %dma_wait3A_145 = tpu.memref_slice %arg2[%dma_wait3A_143, %dma_wait3A_144] : memref<10240x128xf32, #tpu.memory_space<hbm>> -> memref<128x128xf32, #tpu.memory_space<hbm>>
    %dma_wait3A_146 = arith.constant 0 : i32
    %dma_wait3A_147 = arith.constant 0 : i32
    %dma_wait3A_148 = tpu.memref_slice %arg2[%dma_wait3A_146, %dma_wait3A_147] : memref<10240x128xf32, #tpu.memory_space<hbm>> -> memref<128x128xf32, #tpu.memory_space<hbm>>
    tpu.wait_dma2 semaphore(%arg13 : memref<!tpu.dma_semaphore, #tpu.memory_space<semaphore_mem>>) src(%dma_wait3A_148 : memref<128x128xf32, #tpu.memory_space<hbm>>) dst(%arg10 : memref<128x128xf32, #tpu.memory_space<vmem>>)
    %barrier3A_149 = arith.constant 0 : index
    tpu.barrier barrier_id(%barrier3A_149)
    %mul3A_150 = arith.constant 640 : i32
    %mul3A_151 = arith.muli %arg1, %mul3A_150 : i32
    %eq3A = arith.constant 0 : i32
    %eq3A_152 = arith.cmpi eq, %arg0, %eq3A : i32
    %convert_element_type3A = arith.extui %eq3A_152 : i1 to i32
    %cond3A = arith.constant 0 : i32
    %cond3A_153 = arith.cmpi ne, %convert_element_type3A, %cond3A : i32
    scf.if %cond3A_153 {
      "tpu.region"() ({
        %run_scoped3A = tpu.sem_alloc : memref<!tpu.dma_semaphore, #tpu.memory_space<semaphore_mem>>
        %dma_start3A_159 = arith.constant 0 : i32
        %dma_start3A_160 = tpu.memref_slice %arg5[%mul3A_151, %dma_start3A_159] : memref<10240x128xf32, #tpu.memory_space<hbm>> -> memref<640x128xf32, #tpu.memory_space<hbm>>
        %dma_start3A_161 = arith.constant 0 : i32
        %dma_start3A_162 = tpu.memref_slice %arg7[%mul3A_151, %dma_start3A_161] : memref<10240x128xf32, #tpu.memory_space<vmem_shared>> -> memref<640x128xf32, #tpu.memory_space<vmem_shared>>
        tpu.enqueue_dma source(%dma_start3A_162 : memref<640x128xf32, #tpu.memory_space<vmem_shared>>) target(%dma_start3A_160 : memref<640x128xf32, #tpu.memory_space<hbm>>) target_semaphore(%run_scoped3A : memref<!tpu.dma_semaphore, #tpu.memory_space<semaphore_mem>>)
        %dma_wait3A_163 = arith.constant 0 : i32
        %dma_wait3A_164 = tpu.memref_slice %arg5[%mul3A_151, %dma_wait3A_163] : memref<10240x128xf32, #tpu.memory_space<hbm>> -> memref<640x128xf32, #tpu.memory_space<hbm>>
        %dma_wait3A_165 = arith.constant 0 : i32
        %dma_wait3A_166 = tpu.memref_slice %arg7[%mul3A_151, %dma_wait3A_165] : memref<10240x128xf32, #tpu.memory_space<vmem_shared>> -> memref<640x128xf32, #tpu.memory_space<vmem_shared>>
        tpu.wait_dma2 semaphore(%run_scoped3A : memref<!tpu.dma_semaphore, #tpu.memory_space<semaphore_mem>>) src(%dma_wait3A_166 : memref<640x128xf32, #tpu.memory_space<vmem_shared>>) dst(%dma_wait3A_164 : memref<640x128xf32, #tpu.memory_space<hbm>>)
        tpu.yield
      }) : () -> ()
    } else {
    }
    %eq3A_154 = arith.constant 1 : i32
    %eq3A_155 = arith.cmpi eq, %arg0, %eq3A_154 : i32
    %convert_element_type3A_156 = arith.extui %eq3A_155 : i1 to i32
    %cond3A_157 = arith.constant 0 : i32
    %cond3A_158 = arith.cmpi ne, %convert_element_type3A_156, %cond3A_157 : i32
    scf.if %cond3A_158 {
      "tpu.region"() ({
        %run_scoped3A = tpu.sem_alloc : memref<!tpu.dma_semaphore, #tpu.memory_space<semaphore_mem>>
        %dma_start3A_159 = arith.constant 0 : i32
        %dma_start3A_160 = tpu.memref_slice %arg6[%mul3A_151, %dma_start3A_159] : memref<10240x128xf32, #tpu.memory_space<hbm>> -> memref<640x128xf32, #tpu.memory_space<hbm>>
        %dma_start3A_161 = arith.constant 0 : i32
        %dma_start3A_162 = tpu.memref_slice %arg7[%mul3A_151, %dma_start3A_161] : memref<10240x128xf32, #tpu.memory_space<vmem_shared>> -> memref<640x128xf32, #tpu.memory_space<vmem_shared>>
        tpu.enqueue_dma source(%dma_start3A_162 : memref<640x128xf32, #tpu.memory_space<vmem_shared>>) target(%dma_start3A_160 : memref<640x128xf32, #tpu.memory_space<hbm>>) target_semaphore(%run_scoped3A : memref<!tpu.dma_semaphore, #tpu.memory_space<semaphore_mem>>)
        %dma_wait3A_163 = arith.constant 0 : i32
        %dma_wait3A_164 = tpu.memref_slice %arg6[%mul3A_151, %dma_wait3A_163] : memref<10240x128xf32, #tpu.memory_space<hbm>> -> memref<640x128xf32, #tpu.memory_space<hbm>>
        %dma_wait3A_165 = arith.constant 0 : i32
        %dma_wait3A_166 = tpu.memref_slice %arg7[%mul3A_151, %dma_wait3A_165] : memref<10240x128xf32, #tpu.memory_space<vmem_shared>> -> memref<640x128xf32, #tpu.memory_space<vmem_shared>>
        tpu.wait_dma2 semaphore(%run_scoped3A : memref<!tpu.dma_semaphore, #tpu.memory_space<semaphore_mem>>) src(%dma_wait3A_166 : memref<640x128xf32, #tpu.memory_space<vmem_shared>>) dst(%dma_wait3A_164 : memref<640x128xf32, #tpu.memory_space<hbm>>)
        tpu.yield
      }) : () -> ()
    } else {
    }
    return
  }
}

module attributes {stable_mosaic.version = 14 : i64} {
  func.func @_tc_h_body(%arg0: i32, %arg1: memref<1024x128xf32, #tpu.memory_space<vmem>>, %arg2: memref<128x128xf32, #tpu.memory_space<vmem>>, %arg3: memref<1x128xf32, #tpu.memory_space<vmem>>, %arg4: memref<1024x128xf32, #tpu.memory_space<vmem>>) attributes {dimension_semantics = [#tpu.dimension_semantics<arbitrary>], iteration_bounds = array<i64: 10>, scalar_prefetch = 0 : i64, scratch_operands = 0 : i64, tpu.core_type = #tpu.core_type<tc>, window_params = [{transform_indices = @transform_0, window_bounds = array<i64: 1024, 128>}, {pipeline_mode = #tpu.pipeline_mode<synchronous>, transform_indices = @transform_1, window_bounds = array<i64: 128, 128>}, {pipeline_mode = #tpu.pipeline_mode<synchronous>, transform_indices = @transform_2, window_bounds = array<i64: 1, 128>}, {transform_indices = @transform_3, window_bounds = array<i64: 1024, 128>}]} {
    %get3A = arith.constant 0 : index
    %get3A_0 = arith.constant 0 : index
    %get3A_1 = vector.load %arg1[%get3A, %get3A_0] : memref<1024x128xf32, #tpu.memory_space<vmem>>, vector<1024x128xf32>
    %get3A_2 = arith.constant 0 : index
    %get3A_3 = arith.constant 0 : index
    %get3A_4 = vector.load %arg2[%get3A_2, %get3A_3] : memref<128x128xf32, #tpu.memory_space<vmem>>, vector<128x128xf32>
    %dot_general3A = arith.constant dense<0.000000e+00> : vector<1024x128xf32>
    %dot_general3A_5 = tpu.matmul %get3A_1, %get3A_4, %dot_general3A {dimension_numbers = #tpu.dot_dimension_numbers<[1], [0], [0], [1], [0, 0, 1, 1], [], []>, transpose_lhs_hint = false} : vector<1024x128xf32>, vector<128x128xf32>, vector<1024x128xf32> -> vector<1024x128xf32>
    %get3A_6 = arith.constant 0 : index
    %get3A_7 = arith.constant 0 : index
    %get3A_8 = vector.load %arg3[%get3A_6, %get3A_7] : memref<1x128xf32, #tpu.memory_space<vmem>>, vector<1x128xf32>
    %add3A = vector.broadcast %get3A_8 : vector<1x128xf32> to vector<1024x128xf32>
    %add3A_9 = arith.addf %dot_general3A_5, %add3A : vector<1024x128xf32>
    %neg3A = arith.constant 0.000000e+00 : f32
    %neg3A_10 = vector.broadcast %neg3A : f32 to vector<1024x128xf32>
    %neg3A_11 = arith.subf %neg3A_10, %add3A_9 : vector<1024x128xf32>
    %exp3A = math.exp %neg3A_11 : vector<1024x128xf32>
    %add3A_12 = arith.constant 1.000000e+00 : f32
    %add3A_13 = vector.broadcast %add3A_12 : f32 to vector<1024x128xf32>
    %add3A_14 = arith.addf %add3A_13, %exp3A : vector<1024x128xf32>
    %div3A = arith.constant 1.000000e+00 : f32
    %div3A_15 = vector.broadcast %div3A : f32 to vector<1024x128xf32>
    %div3A_16 = arith.divf %div3A_15, %add3A_14 : vector<1024x128xf32>
    %mul3A = arith.mulf %add3A_9, %div3A_16 : vector<1024x128xf32>
    %swap3A = arith.constant 0 : index
    %swap3A_17 = arith.constant 0 : index
    %swap3A_18 = vector.load %arg4[%swap3A, %swap3A_17] : memref<1024x128xf32, #tpu.memory_space<vmem>>, vector<1024x128xf32>
    tpu.vector_store %arg4[%swap3A, %swap3A_17], %mul3A {strides = array<i32>} : memref<1024x128xf32, #tpu.memory_space<vmem>>, vector<1024x128xf32>,
    return
  }
  func.func @transform_0(%arg0: i32) -> (i32, i32) {
    %c0_i32 = arith.constant 0 : i32
    %c0_i32_0 = arith.constant 0 : i32
    return %arg0, %c0_i32 : i32, i32
  }
  func.func @transform_1(%arg0: i32) -> (i32, i32) {
    %c0_i32 = arith.constant 0 : i32
    %c0_i32_0 = arith.constant 0 : i32
    %c0_i32_1 = arith.constant 0 : i32
    return %c0_i32, %c0_i32_0 : i32, i32
  }
  func.func @transform_2(%arg0: i32) -> (i32, i32) {
    %c0_i32 = arith.constant 0 : i32
    %c0_i32_0 = arith.constant 0 : i32
    %c0_i32_1 = arith.constant 0 : i32
    return %c0_i32, %c0_i32_0 : i32, i32
  }
  func.func @transform_3(%arg0: i32) -> (i32, i32) {
    %c0_i32 = arith.constant 0 : i32
    %c0_i32_0 = arith.constant 0 : i32
    return %arg0, %c0_i32 : i32, i32
  }
}

module attributes {stable_mosaic.version = 14 : i64} {
  func.func @_tc_in_body(%arg0: i32, %arg1: memref<1024x128xf32, #tpu.memory_space<vmem>>, %arg2: memref<1024x1xf32, #tpu.memory_space<vmem>>, %arg3: memref<1024x1xf32, #tpu.memory_space<vmem>>, %arg4: memref<128x128xf32, #tpu.memory_space<vmem>>, %arg5: memref<128x128xf32, #tpu.memory_space<vmem>>, %arg6: memref<1024x128xf32, #tpu.memory_space<vmem>>, %arg7: memref<1024x128xf32, #tpu.memory_space<vmem>>) attributes {dimension_semantics = [#tpu.dimension_semantics<arbitrary>], iteration_bounds = array<i64: 10>, scalar_prefetch = 0 : i64, scratch_operands = 0 : i64, tpu.core_type = #tpu.core_type<tc>, window_params = [{transform_indices = @transform_0, window_bounds = array<i64: 1024, 128>}, {transform_indices = @transform_1, window_bounds = array<i64: 1024, 1>}, {transform_indices = @transform_2, window_bounds = array<i64: 1024, 1>}, {pipeline_mode = #tpu.pipeline_mode<synchronous>, transform_indices = @transform_3, window_bounds = array<i64: 128, 128>}, {pipeline_mode = #tpu.pipeline_mode<synchronous>, transform_indices = @transform_4, window_bounds = array<i64: 128, 128>}, {transform_indices = @transform_5, window_bounds = array<i64: 1024, 128>}, {transform_indices = @transform_6, window_bounds = array<i64: 1024, 128>}]} {
    %get3A = arith.constant 0 : index
    %get3A_0 = arith.constant 0 : index
    %get3A_1 = vector.load %arg2[%get3A, %get3A_0] : memref<1024x1xf32, #tpu.memory_space<vmem>>, vector<1024x1xf32>
    %get3A_2 = arith.constant 0 : index
    %get3A_3 = arith.constant 0 : index
    %get3A_4 = vector.load %arg3[%get3A_2, %get3A_3] : memref<1024x1xf32, #tpu.memory_space<vmem>>, vector<1024x1xf32>
    %add3A = arith.addf %get3A_1, %get3A_4 : vector<1024x1xf32>
    %gt3A = arith.constant 0.000000e+00 : f32
    %gt3A_5 = vector.broadcast %gt3A : f32 to vector<1024x1xf32>
    %gt3A_6 = arith.cmpf ogt, %add3A, %gt3A_5 : vector<1024x1xf32>
    %gt3A_7 = arith.constant 0.000000e+00 : f32
    %gt3A_8 = vector.broadcast %gt3A_7 : f32 to vector<1024x1xf32>
    %gt3A_9 = arith.cmpf ogt, %add3A, %gt3A_8 : vector<1024x1xf32>
    %jit3A = arith.constant 1.000000e+00 : f32
    %broadcast_in_dim3A = vector.broadcast %jit3A : f32 to vector<1024x1xf32>
    %select_n3A = arith.select %gt3A_9, %add3A, %broadcast_in_dim3A : vector<1024x1xi1>, vector<1024x1xf32>
    %rsqrt3A = math.rsqrt %select_n3A : vector<1024x1xf32>
    %jit3A_10 = arith.constant 0.000000e+00 : f32
    %broadcast_in_dim3A_11 = vector.broadcast %jit3A_10 : f32 to vector<1024x1xf32>
    %select_n3A_12 = arith.select %gt3A_6, %rsqrt3A, %broadcast_in_dim3A_11 : vector<1024x1xi1>, vector<1024x1xf32>
    %get3A_13 = arith.constant 0 : index
    %get3A_14 = arith.constant 0 : index
    %get3A_15 = vector.load %arg1[%get3A_13, %get3A_14] : memref<1024x128xf32, #tpu.memory_space<vmem>>, vector<1024x128xf32>
    %mul3A = vector.broadcast %select_n3A_12 : vector<1024x1xf32> to vector<1024x128xf32>
    %mul3A_16 = arith.mulf %mul3A, %get3A_15 : vector<1024x128xf32>
    %get3A_17 = arith.constant 0 : index
    %get3A_18 = arith.constant 0 : index
    %get3A_19 = vector.load %arg4[%get3A_17, %get3A_18] : memref<128x128xf32, #tpu.memory_space<vmem>>, vector<128x128xf32>
    %dot_general3A = arith.constant dense<0.000000e+00> : vector<1024x128xf32>
    %dot_general3A_20 = tpu.matmul %mul3A_16, %get3A_19, %dot_general3A {dimension_numbers = #tpu.dot_dimension_numbers<[1], [0], [0], [1], [0, 0, 1, 1], [], []>, transpose_lhs_hint = false} : vector<1024x128xf32>, vector<128x128xf32>, vector<1024x128xf32> -> vector<1024x128xf32>
    %swap3A = arith.constant 0 : index
    %swap3A_21 = arith.constant 0 : index
    %swap3A_22 = vector.load %arg6[%swap3A, %swap3A_21] : memref<1024x128xf32, #tpu.memory_space<vmem>>, vector<1024x128xf32>
    tpu.vector_store %arg6[%swap3A, %swap3A_21], %dot_general3A_20 {strides = array<i32>} : memref<1024x128xf32, #tpu.memory_space<vmem>>, vector<1024x128xf32>,
    %get3A_23 = arith.constant 0 : index
    %get3A_24 = arith.constant 0 : index
    %get3A_25 = vector.load %arg5[%get3A_23, %get3A_24] : memref<128x128xf32, #tpu.memory_space<vmem>>, vector<128x128xf32>
    %dot_general3A_26 = arith.constant dense<0.000000e+00> : vector<1024x128xf32>
    %dot_general3A_27 = tpu.matmul %get3A_15, %get3A_25, %dot_general3A_26 {dimension_numbers = #tpu.dot_dimension_numbers<[1], [0], [0], [1], [0, 0, 1, 1], [], []>, transpose_lhs_hint = false} : vector<1024x128xf32>, vector<128x128xf32>, vector<1024x128xf32> -> vector<1024x128xf32>
    %swap3A_28 = arith.constant 0 : index
    %swap3A_29 = arith.constant 0 : index
    %swap3A_30 = vector.load %arg7[%swap3A_28, %swap3A_29] : memref<1024x128xf32, #tpu.memory_space<vmem>>, vector<1024x128xf32>
    tpu.vector_store %arg7[%swap3A_28, %swap3A_29], %dot_general3A_27 {strides = array<i32>} : memref<1024x128xf32, #tpu.memory_space<vmem>>, vector<1024x128xf32>,
    return
  }
  func.func @transform_0(%arg0: i32) -> (i32, i32) {
    %c0_i32 = arith.constant 0 : i32
    %c0_i32_0 = arith.constant 0 : i32
    return %arg0, %c0_i32 : i32, i32
  }
  func.func @transform_1(%arg0: i32) -> (i32, i32) {
    %c0_i32 = arith.constant 0 : i32
    %c0_i32_0 = arith.constant 0 : i32
    return %arg0, %c0_i32 : i32, i32
  }
  func.func @transform_2(%arg0: i32) -> (i32, i32) {
    %c0_i32 = arith.constant 0 : i32
    %c0_i32_0 = arith.constant 0 : i32
    return %arg0, %c0_i32 : i32, i32
  }
  func.func @transform_3(%arg0: i32) -> (i32, i32) {
    %c0_i32 = arith.constant 0 : i32
    %c0_i32_0 = arith.constant 0 : i32
    %c0_i32_1 = arith.constant 0 : i32
    return %c0_i32, %c0_i32_0 : i32, i32
  }
  func.func @transform_4(%arg0: i32) -> (i32, i32) {
    %c0_i32 = arith.constant 0 : i32
    %c0_i32_0 = arith.constant 0 : i32
    %c0_i32_1 = arith.constant 0 : i32
    return %c0_i32, %c0_i32_0 : i32, i32
  }
  func.func @transform_5(%arg0: i32) -> (i32, i32) {
    %c0_i32 = arith.constant 0 : i32
    %c0_i32_0 = arith.constant 0 : i32
    return %arg0, %c0_i32 : i32, i32
  }
  func.func @transform_6(%arg0: i32) -> (i32, i32) {
    %c0_i32 = arith.constant 0 : i32
    %c0_i32_0 = arith.constant 0 : i32
    return %arg0, %c0_i32 : i32, i32
  }
}

module attributes {stable_mosaic.version = 14 : i64} {
  func.func @_tc_mid_body(%arg0: i32, %arg1: memref<1024x128xf32, #tpu.memory_space<vmem>>, %arg2: memref<1024x128xf32, #tpu.memory_space<vmem>>, %arg3: memref<1024x128xf32, #tpu.memory_space<vmem>>, %arg4: memref<1024x1xf32, #tpu.memory_space<vmem>>, %arg5: memref<1024x1xf32, #tpu.memory_space<vmem>>, %arg6: memref<1x128xf32, #tpu.memory_space<vmem>>, %arg7: memref<128x128xf32, #tpu.memory_space<vmem>>, %arg8: memref<128x128xf32, #tpu.memory_space<vmem>>, %arg9: memref<1024x128xf32, #tpu.memory_space<vmem>>, %arg10: memref<1024x128xf32, #tpu.memory_space<vmem>>) attributes {dimension_semantics = [#tpu.dimension_semantics<arbitrary>], iteration_bounds = array<i64: 10>, scalar_prefetch = 0 : i64, scratch_operands = 0 : i64, tpu.core_type = #tpu.core_type<tc>, window_params = [{transform_indices = @transform_0, window_bounds = array<i64: 1024, 128>}, {transform_indices = @transform_1, window_bounds = array<i64: 1024, 128>}, {transform_indices = @transform_2, window_bounds = array<i64: 1024, 128>}, {transform_indices = @transform_3, window_bounds = array<i64: 1024, 1>}, {transform_indices = @transform_4, window_bounds = array<i64: 1024, 1>}, {pipeline_mode = #tpu.pipeline_mode<synchronous>, transform_indices = @transform_5, window_bounds = array<i64: 1, 128>}, {pipeline_mode = #tpu.pipeline_mode<synchronous>, transform_indices = @transform_6, window_bounds = array<i64: 128, 128>}, {pipeline_mode = #tpu.pipeline_mode<synchronous>, transform_indices = @transform_7, window_bounds = array<i64: 128, 128>}, {transform_indices = @transform_8, window_bounds = array<i64: 1024, 128>}, {transform_indices = @transform_9, window_bounds = array<i64: 1024, 128>}]} {
    %get3A = arith.constant 0 : index
    %get3A_0 = arith.constant 0 : index
    %get3A_1 = vector.load %arg4[%get3A, %get3A_0] : memref<1024x1xf32, #tpu.memory_space<vmem>>, vector<1024x1xf32>
    %get3A_2 = arith.constant 0 : index
    %get3A_3 = arith.constant 0 : index
    %get3A_4 = vector.load %arg5[%get3A_2, %get3A_3] : memref<1024x1xf32, #tpu.memory_space<vmem>>, vector<1024x1xf32>
    %add3A = arith.addf %get3A_1, %get3A_4 : vector<1024x1xf32>
    %gt3A = arith.constant 0.000000e+00 : f32
    %gt3A_5 = vector.broadcast %gt3A : f32 to vector<1024x1xf32>
    %gt3A_6 = arith.cmpf ogt, %add3A, %gt3A_5 : vector<1024x1xf32>
    %gt3A_7 = arith.constant 0.000000e+00 : f32
    %gt3A_8 = vector.broadcast %gt3A_7 : f32 to vector<1024x1xf32>
    %gt3A_9 = arith.cmpf ogt, %add3A, %gt3A_8 : vector<1024x1xf32>
    %jit3A = arith.constant 1.000000e+00 : f32
    %broadcast_in_dim3A = vector.broadcast %jit3A : f32 to vector<1024x1xf32>
    %select_n3A = arith.select %gt3A_9, %add3A, %broadcast_in_dim3A : vector<1024x1xi1>, vector<1024x1xf32>
    %rsqrt3A = math.rsqrt %select_n3A : vector<1024x1xf32>
    %jit3A_10 = arith.constant 0.000000e+00 : f32
    %broadcast_in_dim3A_11 = vector.broadcast %jit3A_10 : f32 to vector<1024x1xf32>
    %select_n3A_12 = arith.select %gt3A_6, %rsqrt3A, %broadcast_in_dim3A_11 : vector<1024x1xi1>, vector<1024x1xf32>
    %get3A_13 = arith.constant 0 : index
    %get3A_14 = arith.constant 0 : index
    %get3A_15 = vector.load %arg1[%get3A_13, %get3A_14] : memref<1024x128xf32, #tpu.memory_space<vmem>>, vector<1024x128xf32>
    %get3A_16 = arith.constant 0 : index
    %get3A_17 = arith.constant 0 : index
    %get3A_18 = vector.load %arg2[%get3A_16, %get3A_17] : memref<1024x128xf32, #tpu.memory_space<vmem>>, vector<1024x128xf32>
    %get3A_19 = arith.constant 0 : index
    %get3A_20 = arith.constant 0 : index
    %get3A_21 = vector.load %arg3[%get3A_19, %get3A_20] : memref<1024x128xf32, #tpu.memory_space<vmem>>, vector<1024x128xf32>
    %add3A_22 = arith.addf %get3A_18, %get3A_21 : vector<1024x128xf32>
    %mul3A = vector.broadcast %select_n3A_12 : vector<1024x1xf32> to vector<1024x128xf32>
    %mul3A_23 = arith.mulf %mul3A, %add3A_22 : vector<1024x128xf32>
    %sub3A = arith.subf %get3A_15, %mul3A_23 : vector<1024x128xf32>
    %get3A_24 = arith.constant 0 : index
    %get3A_25 = arith.constant 0 : index
    %get3A_26 = vector.load %arg6[%get3A_24, %get3A_25] : memref<1x128xf32, #tpu.memory_space<vmem>>, vector<1x128xf32>
    %add3A_27 = vector.broadcast %get3A_26 : vector<1x128xf32> to vector<1024x128xf32>
    %add3A_28 = arith.addf %sub3A, %add3A_27 : vector<1024x128xf32>
    %neg3A = arith.constant 0.000000e+00 : f32
    %neg3A_29 = vector.broadcast %neg3A : f32 to vector<1024x128xf32>
    %neg3A_30 = arith.subf %neg3A_29, %add3A_28 : vector<1024x128xf32>
    %exp3A = math.exp %neg3A_30 : vector<1024x128xf32>
    %add3A_31 = arith.constant 1.000000e+00 : f32
    %add3A_32 = vector.broadcast %add3A_31 : f32 to vector<1024x128xf32>
    %add3A_33 = arith.addf %add3A_32, %exp3A : vector<1024x128xf32>
    %div3A = arith.constant 1.000000e+00 : f32
    %div3A_34 = vector.broadcast %div3A : f32 to vector<1024x128xf32>
    %div3A_35 = arith.divf %div3A_34, %add3A_33 : vector<1024x128xf32>
    %mul3A_36 = arith.mulf %add3A_28, %div3A_35 : vector<1024x128xf32>
    %mul3A_37 = vector.broadcast %select_n3A_12 : vector<1024x1xf32> to vector<1024x128xf32>
    %mul3A_38 = arith.mulf %mul3A_37, %mul3A_36 : vector<1024x128xf32>
    %get3A_39 = arith.constant 0 : index
    %get3A_40 = arith.constant 0 : index
    %get3A_41 = vector.load %arg7[%get3A_39, %get3A_40] : memref<128x128xf32, #tpu.memory_space<vmem>>, vector<128x128xf32>
    %dot_general3A = arith.constant dense<0.000000e+00> : vector<1024x128xf32>
    %dot_general3A_42 = tpu.matmul %mul3A_38, %get3A_41, %dot_general3A {dimension_numbers = #tpu.dot_dimension_numbers<[1], [0], [0], [1], [0, 0, 1, 1], [], []>, transpose_lhs_hint = false} : vector<1024x128xf32>, vector<128x128xf32>, vector<1024x128xf32> -> vector<1024x128xf32>
    %swap3A = arith.constant 0 : index
    %swap3A_43 = arith.constant 0 : index
    %swap3A_44 = vector.load %arg9[%swap3A, %swap3A_43] : memref<1024x128xf32, #tpu.memory_space<vmem>>, vector<1024x128xf32>
    tpu.vector_store %arg9[%swap3A, %swap3A_43], %dot_general3A_42 {strides = array<i32>} : memref<1024x128xf32, #tpu.memory_space<vmem>>, vector<1024x128xf32>,
    %get3A_45 = arith.constant 0 : index
    %get3A_46 = arith.constant 0 : index
    %get3A_47 = vector.load %arg8[%get3A_45, %get3A_46] : memref<128x128xf32, #tpu.memory_space<vmem>>, vector<128x128xf32>
    %dot_general3A_48 = arith.constant dense<0.000000e+00> : vector<1024x128xf32>
    %dot_general3A_49 = tpu.matmul %mul3A_36, %get3A_47, %dot_general3A_48 {dimension_numbers = #tpu.dot_dimension_numbers<[1], [0], [0], [1], [0, 0, 1, 1], [], []>, transpose_lhs_hint = false} : vector<1024x128xf32>, vector<128x128xf32>, vector<1024x128xf32> -> vector<1024x128xf32>
    %swap3A_50 = arith.constant 0 : index
    %swap3A_51 = arith.constant 0 : index
    %swap3A_52 = vector.load %arg10[%swap3A_50, %swap3A_51] : memref<1024x128xf32, #tpu.memory_space<vmem>>, vector<1024x128xf32>
    tpu.vector_store %arg10[%swap3A_50, %swap3A_51], %dot_general3A_49 {strides = array<i32>} : memref<1024x128xf32, #tpu.memory_space<vmem>>, vector<1024x128xf32>,
    return
  }
  func.func @transform_0(%arg0: i32) -> (i32, i32) {
    %c0_i32 = arith.constant 0 : i32
    %c0_i32_0 = arith.constant 0 : i32
    return %arg0, %c0_i32 : i32, i32
  }
  func.func @transform_1(%arg0: i32) -> (i32, i32) {
    %c0_i32 = arith.constant 0 : i32
    %c0_i32_0 = arith.constant 0 : i32
    return %arg0, %c0_i32 : i32, i32
  }
  func.func @transform_2(%arg0: i32) -> (i32, i32) {
    %c0_i32 = arith.constant 0 : i32
    %c0_i32_0 = arith.constant 0 : i32
    return %arg0, %c0_i32 : i32, i32
  }
  func.func @transform_3(%arg0: i32) -> (i32, i32) {
    %c0_i32 = arith.constant 0 : i32
    %c0_i32_0 = arith.constant 0 : i32
    return %arg0, %c0_i32 : i32, i32
  }
  func.func @transform_4(%arg0: i32) -> (i32, i32) {
    %c0_i32 = arith.constant 0 : i32
    %c0_i32_0 = arith.constant 0 : i32
    return %arg0, %c0_i32 : i32, i32
  }
  func.func @transform_5(%arg0: i32) -> (i32, i32) {
    %c0_i32 = arith.constant 0 : i32
    %c0_i32_0 = arith.constant 0 : i32
    %c0_i32_1 = arith.constant 0 : i32
    return %c0_i32, %c0_i32_0 : i32, i32
  }
  func.func @transform_6(%arg0: i32) -> (i32, i32) {
    %c0_i32 = arith.constant 0 : i32
    %c0_i32_0 = arith.constant 0 : i32
    %c0_i32_1 = arith.constant 0 : i32
    return %c0_i32, %c0_i32_0 : i32, i32
  }
  func.func @transform_7(%arg0: i32) -> (i32, i32) {
    %c0_i32 = arith.constant 0 : i32
    %c0_i32_0 = arith.constant 0 : i32
    %c0_i32_1 = arith.constant 0 : i32
    return %c0_i32, %c0_i32_0 : i32, i32
  }
  func.func @transform_8(%arg0: i32) -> (i32, i32) {
    %c0_i32 = arith.constant 0 : i32
    %c0_i32_0 = arith.constant 0 : i32
    return %arg0, %c0_i32 : i32, i32
  }
  func.func @transform_9(%arg0: i32) -> (i32, i32) {
    %c0_i32 = arith.constant 0 : i32
    %c0_i32_0 = arith.constant 0 : i32
    return %arg0, %c0_i32 : i32, i32
  }
}

module attributes {stable_mosaic.version = 14 : i64} {
  func.func @_tc_out_body(%arg0: i32, %arg1: memref<1024x128xf32, #tpu.memory_space<vmem>>, %arg2: memref<1024x128xf32, #tpu.memory_space<vmem>>, %arg3: memref<1024x128xf32, #tpu.memory_space<vmem>>, %arg4: memref<1024x1xf32, #tpu.memory_space<vmem>>, %arg5: memref<1024x1xf32, #tpu.memory_space<vmem>>, %arg6: memref<1x128xf32, #tpu.memory_space<vmem>>, %arg7: memref<128x128xf32, #tpu.memory_space<vmem>>, %arg8: memref<1x128xf32, #tpu.memory_space<vmem>>, %arg9: memref<1024x128xf32, #tpu.memory_space<vmem>>) attributes {dimension_semantics = [#tpu.dimension_semantics<arbitrary>], iteration_bounds = array<i64: 10>, scalar_prefetch = 0 : i64, scratch_operands = 0 : i64, tpu.core_type = #tpu.core_type<tc>, window_params = [{transform_indices = @transform_0, window_bounds = array<i64: 1024, 128>}, {transform_indices = @transform_1, window_bounds = array<i64: 1024, 128>}, {transform_indices = @transform_2, window_bounds = array<i64: 1024, 128>}, {transform_indices = @transform_3, window_bounds = array<i64: 1024, 1>}, {transform_indices = @transform_4, window_bounds = array<i64: 1024, 1>}, {pipeline_mode = #tpu.pipeline_mode<synchronous>, transform_indices = @transform_5, window_bounds = array<i64: 1, 128>}, {pipeline_mode = #tpu.pipeline_mode<synchronous>, transform_indices = @transform_6, window_bounds = array<i64: 128, 128>}, {pipeline_mode = #tpu.pipeline_mode<synchronous>, transform_indices = @transform_7, window_bounds = array<i64: 1, 128>}, {transform_indices = @transform_8, window_bounds = array<i64: 1024, 128>}]} {
    %get3A = arith.constant 0 : index
    %get3A_0 = arith.constant 0 : index
    %get3A_1 = vector.load %arg4[%get3A, %get3A_0] : memref<1024x1xf32, #tpu.memory_space<vmem>>, vector<1024x1xf32>
    %get3A_2 = arith.constant 0 : index
    %get3A_3 = arith.constant 0 : index
    %get3A_4 = vector.load %arg5[%get3A_2, %get3A_3] : memref<1024x1xf32, #tpu.memory_space<vmem>>, vector<1024x1xf32>
    %add3A = arith.addf %get3A_1, %get3A_4 : vector<1024x1xf32>
    %gt3A = arith.constant 0.000000e+00 : f32
    %gt3A_5 = vector.broadcast %gt3A : f32 to vector<1024x1xf32>
    %gt3A_6 = arith.cmpf ogt, %add3A, %gt3A_5 : vector<1024x1xf32>
    %gt3A_7 = arith.constant 0.000000e+00 : f32
    %gt3A_8 = vector.broadcast %gt3A_7 : f32 to vector<1024x1xf32>
    %gt3A_9 = arith.cmpf ogt, %add3A, %gt3A_8 : vector<1024x1xf32>
    %jit3A = arith.constant 1.000000e+00 : f32
    %broadcast_in_dim3A = vector.broadcast %jit3A : f32 to vector<1024x1xf32>
    %select_n3A = arith.select %gt3A_9, %add3A, %broadcast_in_dim3A : vector<1024x1xi1>, vector<1024x1xf32>
    %rsqrt3A = math.rsqrt %select_n3A : vector<1024x1xf32>
    %jit3A_10 = arith.constant 0.000000e+00 : f32
    %broadcast_in_dim3A_11 = vector.broadcast %jit3A_10 : f32 to vector<1024x1xf32>
    %select_n3A_12 = arith.select %gt3A_6, %rsqrt3A, %broadcast_in_dim3A_11 : vector<1024x1xi1>, vector<1024x1xf32>
    %get3A_13 = arith.constant 0 : index
    %get3A_14 = arith.constant 0 : index
    %get3A_15 = vector.load %arg1[%get3A_13, %get3A_14] : memref<1024x128xf32, #tpu.memory_space<vmem>>, vector<1024x128xf32>
    %get3A_16 = arith.constant 0 : index
    %get3A_17 = arith.constant 0 : index
    %get3A_18 = vector.load %arg2[%get3A_16, %get3A_17] : memref<1024x128xf32, #tpu.memory_space<vmem>>, vector<1024x128xf32>
    %get3A_19 = arith.constant 0 : index
    %get3A_20 = arith.constant 0 : index
    %get3A_21 = vector.load %arg3[%get3A_19, %get3A_20] : memref<1024x128xf32, #tpu.memory_space<vmem>>, vector<1024x128xf32>
    %add3A_22 = arith.addf %get3A_18, %get3A_21 : vector<1024x128xf32>
    %mul3A = vector.broadcast %select_n3A_12 : vector<1024x1xf32> to vector<1024x128xf32>
    %mul3A_23 = arith.mulf %mul3A, %add3A_22 : vector<1024x128xf32>
    %sub3A = arith.subf %get3A_15, %mul3A_23 : vector<1024x128xf32>
    %get3A_24 = arith.constant 0 : index
    %get3A_25 = arith.constant 0 : index
    %get3A_26 = vector.load %arg6[%get3A_24, %get3A_25] : memref<1x128xf32, #tpu.memory_space<vmem>>, vector<1x128xf32>
    %add3A_27 = vector.broadcast %get3A_26 : vector<1x128xf32> to vector<1024x128xf32>
    %add3A_28 = arith.addf %sub3A, %add3A_27 : vector<1024x128xf32>
    %neg3A = arith.constant 0.000000e+00 : f32
    %neg3A_29 = vector.broadcast %neg3A : f32 to vector<1024x128xf32>
    %neg3A_30 = arith.subf %neg3A_29, %add3A_28 : vector<1024x128xf32>
    %exp3A = math.exp %neg3A_30 : vector<1024x128xf32>
    %add3A_31 = arith.constant 1.000000e+00 : f32
    %add3A_32 = vector.broadcast %add3A_31 : f32 to vector<1024x128xf32>
    %add3A_33 = arith.addf %add3A_32, %exp3A : vector<1024x128xf32>
    %div3A = arith.constant 1.000000e+00 : f32
    %div3A_34 = vector.broadcast %div3A : f32 to vector<1024x128xf32>
    %div3A_35 = arith.divf %div3A_34, %add3A_33 : vector<1024x128xf32>
    %mul3A_36 = arith.mulf %add3A_28, %div3A_35 : vector<1024x128xf32>
    %get3A_37 = arith.constant 0 : index
    %get3A_38 = arith.constant 0 : index
    %get3A_39 = vector.load %arg7[%get3A_37, %get3A_38] : memref<128x128xf32, #tpu.memory_space<vmem>>, vector<128x128xf32>
    %dot_general3A = arith.constant dense<0.000000e+00> : vector<1024x128xf32>
    %dot_general3A_40 = tpu.matmul %mul3A_36, %get3A_39, %dot_general3A {dimension_numbers = #tpu.dot_dimension_numbers<[1], [0], [0], [1], [0, 0, 1, 1], [], []>, transpose_lhs_hint = false} : vector<1024x128xf32>, vector<128x128xf32>, vector<1024x128xf32> -> vector<1024x128xf32>
    %get3A_41 = arith.constant 0 : index
    %get3A_42 = arith.constant 0 : index
    %get3A_43 = vector.load %arg8[%get3A_41, %get3A_42] : memref<1x128xf32, #tpu.memory_space<vmem>>, vector<1x128xf32>
    %add3A_44 = vector.broadcast %get3A_43 : vector<1x128xf32> to vector<1024x128xf32>
    %add3A_45 = arith.addf %dot_general3A_40, %add3A_44 : vector<1024x128xf32>
    %swap3A = arith.constant 0 : index
    %swap3A_46 = arith.constant 0 : index
    %swap3A_47 = vector.load %arg9[%swap3A, %swap3A_46] : memref<1024x128xf32, #tpu.memory_space<vmem>>, vector<1024x128xf32>
    tpu.vector_store %arg9[%swap3A, %swap3A_46], %add3A_45 {strides = array<i32>} : memref<1024x128xf32, #tpu.memory_space<vmem>>, vector<1024x128xf32>,
    return
  }
  func.func @transform_0(%arg0: i32) -> (i32, i32) {
    %c0_i32 = arith.constant 0 : i32
    %c0_i32_0 = arith.constant 0 : i32
    return %arg0, %c0_i32 : i32, i32
  }
  func.func @transform_1(%arg0: i32) -> (i32, i32) {
    %c0_i32 = arith.constant 0 : i32
    %c0_i32_0 = arith.constant 0 : i32
    return %arg0, %c0_i32 : i32, i32
  }
  func.func @transform_2(%arg0: i32) -> (i32, i32) {
    %c0_i32 = arith.constant 0 : i32
    %c0_i32_0 = arith.constant 0 : i32
    return %arg0, %c0_i32 : i32, i32
  }
  func.func @transform_3(%arg0: i32) -> (i32, i32) {
    %c0_i32 = arith.constant 0 : i32
    %c0_i32_0 = arith.constant 0 : i32
    return %arg0, %c0_i32 : i32, i32
  }
  func.func @transform_4(%arg0: i32) -> (i32, i32) {
    %c0_i32 = arith.constant 0 : i32
    %c0_i32_0 = arith.constant 0 : i32
    return %arg0, %c0_i32 : i32, i32
  }
  func.func @transform_5(%arg0: i32) -> (i32, i32) {
    %c0_i32 = arith.constant 0 : i32
    %c0_i32_0 = arith.constant 0 : i32
    %c0_i32_1 = arith.constant 0 : i32
    return %c0_i32, %c0_i32_0 : i32, i32
  }
  func.func @transform_6(%arg0: i32) -> (i32, i32) {
    %c0_i32 = arith.constant 0 : i32
    %c0_i32_0 = arith.constant 0 : i32
    %c0_i32_1 = arith.constant 0 : i32
    return %c0_i32, %c0_i32_0 : i32, i32
  }
  func.func @transform_7(%arg0: i32) -> (i32, i32) {
    %c0_i32 = arith.constant 0 : i32
    %c0_i32_0 = arith.constant 0 : i32
    %c0_i32_1 = arith.constant 0 : i32
    return %c0_i32, %c0_i32_0 : i32, i32
  }
  func.func @transform_8(%arg0: i32) -> (i32, i32) {
    %c0_i32 = arith.constant 0 : i32
    %c0_i32_0 = arith.constant 0 : i32
    return %arg0, %c0_i32 : i32, i32
  }
}

</mosaic_0001>

<sc_bundles>
// kernel: kernel.12.cloned.1.call-start
scs
__scs_entry_jumppad:
0x0: {  	(pc) =	sbr.rel $0x88, $3  }
0x1: {  	(tag) =	ssettag $0x0;
	lr =	simm.s32 $0x1  }
0x2: {  	[smem:$0x3F95] =	sst lr;
	_ =	strace $0xD0000000  }
0x3: {  	_ = 	snop  }
0x4: {  	_ = 	snop  }
0x5: {  	_ = 	snop  }
0x6: {  	_ = 	snop  }
0x7: {  	_ = 	snop  }
__scs_overlays_trampoline_lowered:
0x8: {  	[smem:$0x3FA4] =	sst s0  }
0x9: {  	[smem:$0x3FA5] =	sst s1  }
0xa: {  	[smem:$0x3FA6] =	sst s2  }
0xb: {  	[smem:$0x3FA7] =	sst s3  }
0xc: {  	[smem:$0x3FA8] =	sst s4  }
0xd: {  	[smem:$0x3FA9] =	sst s5  }
0xe: {  	[smem:$0x3FAA] =	sst s6  }
0xf: {  	[smem:$0x3FAB] =	sst s7  }
0x10: {  	[smem:$0x3FAC] =	sst s8  }
0x11: {  	[smem:$0x3FAD] =	sst s9;
	s0 =	simm.s32 @!p0 $0x0  }
0x12: {  	s1 =	sld [smem:$0x3F93];
	s0 =	simm.s32 @p0 $0x1  }
0x13: {  	[smem:$0x3FAE] =	sst s0;
	s0 =	simm.s32 @!p1 $0x0  }
0x14: {  	s2 =	sld [smem:$0x3F92];
	s0 =	simm.s32 @p1 $0x1  }
0x15: {  	[smem:$0x3FAF] =	sst s0;
	s0 =	simm.s32 @!p2 $0x0  }
0x16: {  	s3 =	sld [smem:$0x3FDB];
	s0 =	simm.s32 @p2 $0x1  }
0x17: {  	s4 =	simm.s32 $0x1BF5;
	[smem:$0x3FB1] =	sst s0  }
0x18: {  	s0 =	sld [smem:$0x3F94];
	_ =	swait.ge [sflag:s4], $0x0  }
0x19: {  	s7 =	sld [smem:$0x3F95]  }
0x1a: {  	s8 =	sadd.s32 $0xFFFFE003, lr  }
0x1b: {  	s9 =	sadd.s32 $0xFFFFFEF7, lr;
	s5 =	simm.s32 $0xFFFFFFFF;
	p2 =	slt.u32 s8, $0xFFFFF086  }
0x1c: {  	p1 =	slt.u32 s9, $0xF7A;
	s5 =	simm.s32 @!p2 $0x0  }
0x1d: {  	s5 =	simm.s32 @p1 $0x1;
	p0 =	seq.s32 s7, s2  }
0x1e: {  	s7 =	smul.u32 @!p0 $0xF7A, s2;
	p2 =	seq.s32 @!p0 s5, $0x0  }
0x1f: {  	s9 =	smul.u32 $0xF7A, s1;
	s8 =	simm.s32 @!p0 $0x1BF5;
	p2 =	por !p2, p0  }
0x20: {  	[sflag:s8] =	ssyncset.s32 @!p0 $0xFFFFF086;
	s6 =	sadd.s32 @!p0 s3, s7;
	s7 =	simm.s32 @!p0 $0x108  }
0x21: {  	s3 =	sadd.s32 s3, s9;
	s6 =	sadd.s32 @!p0 $0x88, s6;
	s7 =	simm.s32 @p2 $0x1082  }
0x22: {  	[simem:s7], [sflag:s8] =	dma.local @!p0 [hbm:s6], $0xF7A  }
0x23: {  	s9 =	sor.u32 $0xD0000000, s2;
	s6 =	simm.s32 $0x108;
	_ =	swait.ge @!p0 [sflag:s8], $0x0  }
0x24: {  	s3 =	sadd.s32 $0x88, s3;
	s6 =	simm.s32 @!p1 $0x1082;
	[sflag:s4] =	ssyncset.s32 $0xFFFFF086  }
0x25: {  	[simem:s6], [sflag:s4] =	dma.local [hbm:s3], $0xF7A  }
0x26: {  	[smem:$0x3F95] =	sst s1;
	(tag) =	ssettag s2;
	_ =	strace s9  }
0x27: {  	s1 =	sld [smem:$0x3FA5]  }
0x28: {  	s2 =	sld [smem:$0x3FA6]  }
0x29: {  	s4 =	sld [smem:$0x3FA8]  }
0x2a: {  	p0 =	seq.s32 s5, $0x0;
	s5 =	sld [smem:$0x3FA9]  }
0x2b: {  	s6 =	sld [smem:$0x3FAA]  }
0x2c: {  	s7 =	sld [smem:$0x3FAB]  }
0x2d: {  	s3 =	simm.s32 $0x108;
	s8 =	sld [smem:$0x3FAC]  }
0x2e: {  	s3 =	simm.s32 @!p0 $0x1082;
	s9 =	sld [smem:$0x3FAD]  }
0x2f: {  	lr =	sadd.s32 s0, s3;
	s0 =	sld [smem:$0x3FA4]  }
0x30: {  	s3 =	sld [smem:$0x3FA7]  }
0x31: {  	[smem:$0x3FB0] =	sst s10  }
0x32: {  	s10 =	sld [smem:$0x3FAE];
	_ =	sdelay $0x3  }
0x33: {  	p0 =	seq.s32 s10, $0x1;
	s10 =	sld [smem:$0x3FB0];
	_ =	sdelay $0x3  }
0x34: {  	[smem:$0x3FB0] =	sst s10  }
0x35: {  	s10 =	sld [smem:$0x3FAF];
	_ =	sdelay $0x3  }
0x36: {  	p1 =	seq.s32 s10, $0x1;
	s10 =	sld [smem:$0x3FB0];
	_ =	sdelay $0x3  }
0x37: {  	[smem:$0x3FB0] =	sst s10  }
0x38: {  	s10 =	sld [smem:$0x3FB1]  }
0x39: {  	_ = 	snop;
	(pc) =	sbr.ind lr, $3  }
0x3a: {  	_ = 	snop  }
0x3b: {  	_ = 	snop  }
0x3c: {  	p2 =	seq.s32 s10, $0x1;
	s10 =	sld [smem:$0x3FB0]  }
0x3d: {  	_ =	shalt  }
0x3e: {  	_ =	shalt  }
0x3f: {  	_ =	shalt  }
0x40: {  	_ =	shalt  }
0x41: {  	_ =	shalt  }
0x42: {  	_ =	shalt  }
0x43: {  	_ =	shalt  }
0x44: {  	_ =	shalt  }
0x45: {  	_ =	shalt  }
0x46: {  	_ =	shalt  }
0x47: {  	_ =	shalt  }
0x48: {  	_ =	shalt  }
0x49: {  	_ =	shalt  }
0x4a: {  	_ =	shalt  }
0x4b: {  	_ =	shalt  }
0x4c: {  	_ =	shalt  }
0x4d: {  	_ =	shalt  }
0x4e: {  	_ =	shalt  }
0x4f: {  	_ =	shalt  }
0x50: {  	_ =	shalt  }
0x51: {  	_ =	shalt  }
0x52: {  	_ =	shalt  }
0x53: {  	_ =	shalt  }
0x54: {  	_ =	shalt  }
0x55: {  	_ =	shalt  }
0x56: {  	_ =	shalt  }
0x57: {  	_ =	shalt  }
0x58: {  	_ =	shalt  }
0x59: {  	_ =	shalt  }
0x5a: {  	_ =	shalt  }
0x5b: {  	_ =	shalt  }
0x5c: {  	_ =	shalt  }
0x5d: {  	_ =	shalt  }
0x5e: {  	_ =	shalt  }
0x5f: {  	_ =	shalt  }
0x60: {  	_ =	shalt  }
0x61: {  	_ =	shalt  }
0x62: {  	_ =	shalt  }
0x63: {  	_ =	shalt  }
0x64: {  	_ =	shalt  }
0x65: {  	_ =	shalt  }
0x66: {  	_ =	shalt  }
0x67: {  	_ =	shalt  }
0x68: {  	_ =	shalt  }
0x69: {  	_ =	shalt  }
0x6a: {  	_ =	shalt  }
0x6b: {  	_ =	shalt  }
0x6c: {  	_ =	shalt  }
0x6d: {  	_ =	shalt  }
0x6e: {  	_ =	shalt  }
0x6f: {  	_ =	shalt  }
0x70: {  	_ =	shalt  }
0x71: {  	_ =	shalt  }
0x72: {  	_ =	shalt  }
0x73: {  	_ =	shalt  }
0x74: {  	_ =	shalt  }
0x75: {  	_ =	shalt  }
0x76: {  	_ =	shalt  }
0x77: {  	_ =	shalt  }
0x78: {  	_ =	shalt  }
0x79: {  	_ =	shalt  }
0x7a: {  	_ =	shalt  }
0x7b: {  	_ =	shalt  }
0x7c: {  	_ =	shalt  }
0x7d: {  	_ =	shalt  }
0x7e: {  	_ =	shalt  }
0x7f: {  	_ =	shalt  }
0x80: {  	_ =	shalt  }
0x81: {  	_ =	shalt  }
0x82: {  	_ =	shalt  }
0x83: {  	_ =	shalt  }
0x84: {  	_ =	shalt  }
0x85: {  	_ =	shalt  }
0x86: {  	_ =	shalt  }
0x87: {  	_ =	shalt  }
.Lfunc_end0:
.L_simem_size_0:
called_computation.1_lowered:
.L_overlay_start_0:
0x88: {  	s2 =	sld [smem:$0x3FD9]  }
0x89: {  	s3 =	sld [smem:$0x3FFE];
	_ =	sdelay $0x1  }
0x8a: {  	s1 =	srdreg.scid  }
0x8b: {  	s0 =	sand.u32 $0x1, s1  }
0x8c: {  	s17 =	sshll.u32 s0, $0xA;
	s2 =	sadd.s32 s3, s2  }
0x8d: {  	s2 =	sadd.s32 s2, s17  }
0x8e: {  	[smem:$0x3FBC] =	sst s2  }
0x8f: {  	_ = 	snop  }
0x90: {  	s2 =	sld [smem:$0x3FD0];
	(tm) =	ssettm $0x1  }
0x91: {  	s18 =	sld [smem:$0x3FFB];
	_ =	sdelay $0x3  }
0x92: {  	_ =	strace s18  }
0x93: {  	s3 =	sld [smem:$0x3FFC];
	_ =	sdelay $0x3  }
0x94: {  	_ =	strace s3  }
0x95: {  	s3 =	sld [smem:$0x3FFD];
	_ =	sdelay $0x3  }
0x96: {  	_ =	strace s3  }
0x97: {  	_ =	strace $0x8FFFFFFF  }
0x98: {  	s19 =	sld [smem:$0x3FDB];
	_ =	sdelay $0x1  }
0x99: {  	s4 =	simm.s32 $_scs_section_size  }
0x9a: {  	s5 =	simm.s32 $_size__tile_overlayer_lowered;
	s6 =	simm.s32 $_tile_overlayer_lowered  }
0x9b: {  	s22 =	simm.s32 $0x1BFF;
	s21 =	sshll.u32 s6, $0x1;
	s3 =	sadd.s32 s4, s19  }
0x9c: {  	s7 =	simm.s32 $0x0;
	s20 =	sshll.u32 s5, $0x1;
	s5 =	sadd.s32 s21, s3  }
0x9d: {  	[timem:s7], [sflag:s22] =	dma.local [hbm:s5], s20  }
0x9e: {  	_ =	swait.ge [sflag:s22], s20  }
0x9f: {  	s4 =	ssub.s32 $0x0, s20;
	[sflag:s22] =	ssyncset.done $0x0  }
0xa0: {  	[sflag:s22] =	ssyncadd.s32 s4;
	_ =	sdelay $0x1  }
0xa1: {  	s23 =	simm.s32 $0x1B8B  }
0xa2: {  	_ =	swait.ge [sflag:s23], $0x1  }
0xa3: {  	[sflag:s23] =	ssyncset.done $0x0  }
0xa4: {  	s25 =	simm.s32 $0x1B8E;
	s24 =	sld [smem:$0x3FFE];
	[sflag:s23] =	ssyncadd.s32 $0xFFFFFFFF  }
0xa5: {  	s26 =	simm.s32 $execute0_lowered;
	[smem:$0x3FD2] =	sst s25  }
0xa6: {  	s5 =	sshll.u32 s26, $0x1;
	_ =	strace $0x80000049;
	[dreg:$0x1] =	wrdreg $0xFFFFFFFF  }
0xa7: {  	s28 =	simm.s32 $_size_execute0_lowered;
	s3 =	sadd.s32 s3, s5;
	[dreg:$0x0] =	wrdreg $0x0  }
0xa8: {  	s5 =	sshll.u32 s28, $0x1;
	[dreg:$0x2] =	wrdreg s3  }
0xa9: {  	[dreg:$0x3] =	wrdreg s5  }
0xaa: {  	[dreg:$0x4] =	wrdreg $0xC0  }
0xab: {  	_ =	task [dreg:s7], $0x5FFFF  }
0xac: {  	[dreg:$0x1] =	wrdreg $0xFFFFFFFF  }
0xad: {  	[dreg:$0x0] =	wrdreg $0x60  }
0xae: {  	[dreg:$0x2] =	wrdreg s24  }
0xaf: {  	[dreg:$0x3] =	wrdreg s2  }
0xb0: {  	[dreg:$0x4] =	wrdreg $0x0  }
0xb1: {  	[dreg:$0x5] =	wrdreg $0x9  }
0xb2: {  	_ =	task.clear_ibuf [dreg:s7], $0x6FFFF;
	_ =	strace $0x90000049  }
0xb3: {  	s29 =	simm.s32 $0x9;
	_ =	strace $0x8000004B  }
0xb4: {  	_ =	swait.ge [sflag:s29], $0x1  }
0xb5: {  	[sflag:s29] =	ssyncadd.s32 $0xFFFFFFFF  }
0xb6: {  	_ =	strace $0x9000004B  }
0xb7: {  	_ =	sfence  }
0xb8: {  	s30 =	sld [smem:$0x0];
	_ =	sdelay $0x2  }
0xb9: {  	s31 =	sshll.u32 s1, $0xD;
	s1 =	sshrl.u32 s1, $0x2  }
0xba: {  	s3 =	sand.u32 $0x4000, s31;
	s1 =	sadd.s32 s1, s30  }
0xbb: {  	s0 =	sor.u32 s3, s0;
	s1 =	sshll.u32 s1, $0x11  }
0xbc: {  	s0 =	sor.u32 s1, s0  }
0xbd: {  	s0 =	sadd.s32 $0x8F2B, s0  }
0xbe: {  	[sflag:s0] =	ssyncadd.remote.s32 $0x1  }
0xbf: {  	_ =	sfence.sel $0xFFFF  }
0xc0: {  	[dreg:$0x0] =	wrdreg $0xFFFFFFFF;
	(pc) =	sbr.abs _section_cstart, $3  }
0xc1: {  	[dreg:$0x1] =	wrdreg $0xFFFFFFFF  }
0xc2: {  	_ =	task.clear_ibuf [dreg:s7], $0x2FFFF;
	_ =	strace $0x9FFFFFFF  }
0xc3: {  	(tm) =	ssettm $0x7FFFFFFF  }
tec
execute0_lowered:
.L_overlay_start_1:
0x0: {  	(tag) =	ssettag $0x1  }
0x1: {  	s15 =	rddreg [dreg:$0x0]  }
0x2: {  	s13 =	rddreg [dreg:$0x1]  }
0x3: {  	s1 =	rddreg [dreg:$0x2]  }
0x4: {  	s0 =	rddreg [dreg:$0x3];
	s3 =	simm.s32 $0x0  }
0x5: {  	s4 =	srdreg.scid;
	s2 =	stileid.u32;
	s18 =	simm.s32 $0xB8C00  }
0x6: {  	s20 =	simm.s32 $0x80;
	s21 =	simm.s32 $0x14080;
	s22 =	simm.s32 $0x1A800  }
0x7: {  	s23 =	simm.s32 $0x1;
	s24 =	simm.s32 $0x15480;
	s25 =	simm.s32 $0x2  }
0x8: {  	s26 =	simm.s32 $0x0;
	[smem:$0x7FF] =	sst s3;
	s12 =	sand.u32 $0x1, s4  }
0x9: {  	s5 =	smul.u32 $0x50000, s2;
	s4 =	sadd.s32 $0x68C00, s15;
	s14 =	sadd.s32 $0xEC00, s15  }
0xa: {  	s19 =	smul.u32 $0x2800, s2;
	_ =	strace $0x8000004A;
	s6 =	sshll.u32 s12, $0x4  }
0xb: {  	s7 =	ssub.s32 $0x2, s12;
	p0 =	seq.s32 s12, $0x1;
	s8 =	sor.u32 s2, s6  }
0xc: {  	s5 =	sshrl.u32 s5, $0x2;
	s31 =	sshrl.u32 s7, $0x1;
	s18 =	simm.s32 @!p0 $0x90C00  }
0xd: {  	s5 =	sadd.s32 s5, s1;
	s11 =	smul.u32 $0x500, s8;
	s16 =	ssub.s32 s7, s31  }
0xe: {  	s17 =	smul.u32 $0x2800, s8;
	s15 =	sadd.s32 s18, s15;
	s18 =	simm.s32 $0x14000  }
0xf: {  	s6 =	sadd.s32 $0x4000, s5;
	s7 =	sadd.s32 $0x8000, s5;
	s8 =	sadd.s32 $0xC000, s5  }
0x10: {  	s9 =	sadd.s32 $0x10000, s5;
	s15 =	sadd.s32 s15, s19;
	s17 =	sshrl.u32 s17, $0x3  }
0x11: {  	s19 =	simm.s32 $0x15400;
	s10 =	sadd.s32 s14, s11;
	s17 =	sadd.s32 $0x280, s17  }
0x12: {  	s11 =	sadd.s32 s13, s11;
	s12 =	sadd.s32 s14, s17;
	s13 =	sadd.s32 s13, s17  }
0x13: {  	v0 =	vimm.f32 $0.0e+00;
	s14 =	smax.u32 s16, $0x1;
	s16 =	simm.s32 $0x16800;
	s17 =	simm.s32 $0x3  }
.LBB2_1:
0x14: {  	s28 =	simm.s32 $0x0;
	s29 =	simm.s32 $0x200  }
.LBB2_2:
0x15: {  	p0 =	sne.s32 s29, $0xFE00;
	[tilespmem:s28+$0x16870] =	vst v0  }
0x16: {  	[tilespmem:s28+$0x16800] =	vst v0  }
0x17: {  	[tilespmem:s28+$0x16810] =	vst v0  }
.Ltmp0:
0x18: {  	[tilespmem:s28+$0x16820] =	vst v0;
	(pc) =	sbr.rel @p0 .LBB2_2-.Ltmp0, $4  }
0x19: {  	[tilespmem:s28+$0x16830] =	vst v0  }
0x1a: {  	[tilespmem:s28+$0x16840] =	vst v0  }
0x1b: {  	[tilespmem:s28+$0x16850] =	vst v0  }
0x1c: {  	[tilespmem:s28+$0x16860] =	vst v0;
	s28 =	sshra.s32 s29, $0x2;
	s29 =	sadd.s32 $0x200, s29  }
0x1d: {  	[tilespmem:s28+$0x16870] =	vst v0  }
0x1e: {  	[tilespmem:s28+$0x16800] =	vst v0  }
0x1f: {  	[tilespmem:s28+$0x16810] =	vst v0  }
0x20: {  	[tilespmem:s28+$0x16820] =	vst v0  }
0x21: {  	[tilespmem:s28+$0x16830] =	vst v0  }
0x22: {  	[tilespmem:s28+$0x16840] =	vst v0  }
0x23: {  	[tilespmem:s28+$0x16850] =	vst v0  }
0x24: {  	[tilespmem:s28+$0x16860] =	vst v0  }
0x25: {  	[spmem:s5] =	stream.linear.scatter [tilespmem:s16], [sflag:$0x3], $0x4000, $0x38;
	[tilespmem:$0x1E800] =	vst v63  }
0x26: {  	_ =	swait.ge [sflag:s17], $0x4000  }
0x27: {  	[sflag:s17] =	ssyncset.done $0x0  }
0x28: {  	[sflag:s17] =	ssyncadd.s32 $0xFFFFC000  }
0x29: {  	[spmem:s6] =	stream.linear.scatter [tilespmem:s16], [sflag:$0x3], $0x4000, $0x38;
	[tilespmem:$0x1E800] =	vst v63  }
0x2a: {  	_ =	swait.ge [sflag:s17], $0x4000  }
0x2b: {  	[sflag:s17] =	ssyncset.done $0x0  }
0x2c: {  	[sflag:s17] =	ssyncadd.s32 $0xFFFFC000  }
0x2d: {  	[spmem:s7] =	stream.linear.scatter [tilespmem:s16], [sflag:$0x3], $0x4000, $0x38;
	[tilespmem:$0x1E800] =	vst v63  }
0x2e: {  	_ =	swait.ge [sflag:s17], $0x4000  }
0x2f: {  	[sflag:s17] =	ssyncset.done $0x0  }
0x30: {  	[sflag:s17] =	ssyncadd.s32 $0xFFFFC000  }
0x31: {  	[spmem:s8] =	stream.linear.scatter [tilespmem:s16], [sflag:$0x3], $0x4000, $0x38;
	[tilespmem:$0x1E800] =	vst v63  }
0x32: {  	_ =	swait.ge [sflag:s17], $0x4000  }
0x33: {  	[sflag:s17] =	ssyncset.done $0x0  }
0x34: {  	[sflag:s17] =	ssyncadd.s32 $0xFFFFC000  }
0x35: {  	[spmem:s9] =	stream.linear.scatter [tilespmem:s16], [sflag:$0x3], $0x4000, $0x38;
	[tilespmem:$0x1E800] =	vst v63  }
0x36: {  	_ =	swait.ge [sflag:s17], $0x4000  }
0x37: {  	[sflag:s17] =	ssyncset.done $0x0  }
0x38: {  	[sflag:s17] =	ssyncadd.s32 $0xFFFFC000  }
0x39: {  	[bflag:$0x0] =	sbarrier.arrive $0xFFFF  }
0x3a: {  	[tilespmem:s18], [sflag:$0x3] =	stream.linear.gather [hbm4b:s10+s3], $0x1400, $0x38;
	[tilespmem:$0x1E800] =	vst v63  }
0x3b: {  	_ =	swait.ge [sflag:s17], $0x1400  }
0x3c: {  	[sflag:s17] =	ssyncset.done $0x0  }
0x3d: {  	[sflag:s17] =	ssyncadd.s32 $0xFFFFEC00  }
0x3e: {  	[tilespmem:s19], [sflag:$0x3] =	stream.linear.gather [hbm4b:s11+s3], $0x1400, $0x38;
	[tilespmem:$0x1E800] =	vst v63  }
0x3f: {  	_ =	swait.ge [sflag:s17], $0x1400  }
0x40: {  	[sflag:s17] =	ssyncset.done $0x0  }
0x41: {  	[sflag:s17] =	ssyncadd.s32 $0xFFFFEC00  }
0x42: {  	[tilespmem:s16], [sflag:$0x1] =	stream.indirect.gather [hbm4b:s4+s20], $0x80, s18, s20, $0xb8;
	[tilespmem:$0x1E800] =	vst v63  }
0x43: {  	_ = 	snop  }
0x44: {  	[tilespmem:s22], [sflag:$0x1] =	stream.indirect.gather [hbm4b:s4+s20], $0x80, s21, s20, $0xb8;
	[tilespmem:$0x1E800] =	vst v63  }
0x45: {  	_ =	swait.ge [sflag:s23], $0x4000  }
0x46: {  	[sflag:s23] =	ssyncset.done $0x0  }
0x47: {  	[sflag:s23] =	ssyncadd.s32 $0xFFFFC000  }
0x48: {  	[spmem:s1] =	stream.indirect.scatter.add.f32 [tilespmem:s16], [sflag:$0x2], $0x80, s19, s20, $0xb8;
	[tilespmem:$0x1E800] =	vst v63  }
0x49: {  	_ =	swait.ge [sflag:s23], $0x4000  }
0x4a: {  	[sflag:s23] =	ssyncset.done $0x0  }
0x4b: {  	[sflag:s23] =	ssyncadd.s32 $0xFFFFC000  }
0x4c: {  	[spmem:s1] =	stream.indirect.scatter.add.f32 [tilespmem:s22], [sflag:$0x2], $0x80, s24, s20, $0xb8;
	[tilespmem:$0x1E800] =	vst v63  }
0x4d: {  	_ =	swait.ge [sflag:s25], $0x4000  }
0x4e: {  	[sflag:s25] =	ssyncset.done $0x0  }
0x4f: {  	s28 =	simm.s32 $0x14100;
	[sflag:s25] =	ssyncadd.s32 $0xFFFFC000  }
0x50: {  	[tilespmem:s16], [sflag:$0x1] =	stream.indirect.gather [hbm4b:s4+s20], $0x80, s28, s20, $0xb8;
	[tilespmem:$0x1E800] =	vst v63  }
0x51: {  	_ =	swait.ge [sflag:s25], $0x4000  }
0x52: {  	[sflag:s25] =	ssyncset.done $0x0  }
0x53: {  	s28 =	simm.s32 $0x14180;
	[sflag:s25] =	ssyncadd.s32 $0xFFFFC000  }
0x54: {  	[tilespmem:s22], [sflag:$0x1] =	stream.indirect.gather [hbm4b:s4+s20], $0x80, s28, s20, $0xb8;
	[tilespmem:$0x1E800] =	vst v63  }
0x55: {  	_ =	swait.ge [sflag:s23], $0x4000  }
0x56: {  	[sflag:s23] =	ssyncset.done $0x0  }
0x57: {  	s28 =	simm.s32 $0x15500;
	[sflag:s23] =	ssyncadd.s32 $0xFFFFC000  }
0x58: {  	[spmem:s1] =	stream.indirect.scatter.add.f32 [tilespmem:s16], [sflag:$0x2], $0x80, s28, s20, $0xb8;
	[tilespmem:$0x1E800] =	vst v63  }
0x59: {  	_ =	swait.ge [sflag:s23], $0x4000  }
0x5a: {  	[sflag:s23] =	ssyncset.done $0x0  }
0x5b: {  	s29 =	simm.s32 $0x15580;
	s28 =	simm.s32 $0xFFFFB800;
	[sflag:s23] =	ssyncadd.s32 $0xFFFFC000  }
.LBB2_4:
0x5c: {  	[spmem:s1] =	stream.indirect.scatter.add.f32 [tilespmem:s22], [sflag:$0x2], $0x80, s29, s20, $0xb8;
	[tilespmem:$0x1E800] =	vst v63  }
0x5d: {  	s29 =	smov.u32 s28  }
0x5e: {  	p0 =	sne.s32 s28, $0xFFFFFC00;
	s28 =	sadd.s32 $0x400, s28;
	_ =	swait.ge [sflag:s25], $0x4000  }
0x5f: {  	s29 =	sshra.s32 s29, $0x2;
	[sflag:s25] =	ssyncset.done $0x0  }
0x60: {  	s30 =	sadd.s32 $0x15400, s29;
	[sflag:s25] =	ssyncadd.s32 $0xFFFFC000  }
0x61: {  	[tilespmem:s16], [sflag:$0x1] =	stream.indirect.gather [hbm4b:s4+s20], $0x80, s30, s20, $0xb8;
	[tilespmem:$0x1E800] =	vst v63  }
0x62: {  	_ =	swait.ge [sflag:s25], $0x4000  }
0x63: {  	[sflag:s25] =	ssyncset.done $0x0  }
0x64: {  	s30 =	sadd.s32 $0x15480, s29;
	[sflag:s25] =	ssyncadd.s32 $0xFFFFC000  }
0x65: {  	[tilespmem:s22], [sflag:$0x1] =	stream.indirect.gather [hbm4b:s4+s20], $0x80, s30, s20, $0xb8;
	[tilespmem:$0x1E800] =	vst v63  }
0x66: {  	_ =	swait.ge [sflag:s23], $0x4000  }
0x67: {  	[sflag:s23] =	ssyncset.done $0x0  }
.Ltmp1:
0x68: {  	s30 =	sadd.s32 $0x16800, s29;
	[sflag:s23] =	ssyncadd.s32 $0xFFFFC000;
	(pc) =	sbr.rel @p0 .LBB2_4-.Ltmp1, $4  }
0x69: {  	[spmem:s1] =	stream.indirect.scatter.add.f32 [tilespmem:s16], [sflag:$0x2], $0x80, s30, s20, $0xb8;
	[tilespmem:$0x1E800] =	vst v63  }
0x6a: {  	_ =	swait.ge [sflag:s23], $0x4000  }
0x6b: {  	[sflag:s23] =	ssyncset.done $0x0  }
0x6c: {  	s29 =	sadd.s32 $0x16880, s29;
	[sflag:s23] =	ssyncadd.s32 $0xFFFFC000  }
0x6d: {  	[spmem:s1] =	stream.indirect.scatter.add.f32 [tilespmem:s22], [sflag:$0x2], $0x80, s29, s20, $0xb8;
	[tilespmem:$0x1E800] =	vst v63  }
0x6e: {  	_ =	swait.ge [sflag:s25], $0x4000  }
0x6f: {  	[sflag:s25] =	ssyncset.done $0x0  }
0x70: {  	[sflag:s25] =	ssyncadd.s32 $0xFFFFC000  }
0x71: {  	_ =	swait.ge [sflag:s25], $0x4000  }
0x72: {  	[sflag:s25] =	ssyncset.done $0x0  }
0x73: {  	[sflag:s25] =	ssyncadd.s32 $0xFFFFC000  }
0x74: {  	[tilespmem:s18], [sflag:$0x3] =	stream.linear.gather [hbm4b:s12+s3], $0x1400, $0x38;
	[tilespmem:$0x1E800] =	vst v63  }
0x75: {  	_ =	swait.ge [sflag:s17], $0x1400  }
0x76: {  	[sflag:s17] =	ssyncset.done $0x0  }
0x77: {  	[sflag:s17] =	ssyncadd.s32 $0xFFFFEC00  }
0x78: {  	[tilespmem:s19], [sflag:$0x3] =	stream.linear.gather [hbm4b:s13+s3], $0x1400, $0x38;
	[tilespmem:$0x1E800] =	vst v63  }
0x79: {  	_ =	swait.ge [sflag:s17], $0x1400  }
0x7a: {  	[sflag:s17] =	ssyncset.done $0x0  }
0x7b: {  	[sflag:s17] =	ssyncadd.s32 $0xFFFFEC00  }
0x7c: {  	[tilespmem:s16], [sflag:$0x1] =	stream.indirect.gather [hbm4b:s4+s20], $0x80, s18, s20, $0xb8;
	[tilespmem:$0x1E800] =	vst v63  }
0x7d: {  	_ = 	snop  }
0x7e: {  	[tilespmem:s22], [sflag:$0x1] =	stream.indirect.gather [hbm4b:s4+s20], $0x80, s21, s20, $0xb8;
	[tilespmem:$0x1E800] =	vst v63  }
0x7f: {  	_ =	swait.ge [sflag:s23], $0x4000  }
0x80: {  	[sflag:s23] =	ssyncset.done $0x0  }
0x81: {  	[sflag:s23] =	ssyncadd.s32 $0xFFFFC000  }
0x82: {  	[spmem:s1] =	stream.indirect.scatter.add.f32 [tilespmem:s16], [sflag:$0x2], $0x80, s19, s20, $0xb8;
	[tilespmem:$0x1E800] =	vst v63  }
0x83: {  	_ =	swait.ge [sflag:s23], $0x4000  }
0x84: {  	[sflag:s23] =	ssyncset.done $0x0  }
0x85: {  	[sflag:s23] =	ssyncadd.s32 $0xFFFFC000  }
0x86: {  	[spmem:s1] =	stream.indirect.scatter.add.f32 [tilespmem:s22], [sflag:$0x2], $0x80, s24, s20, $0xb8;
	[tilespmem:$0x1E800] =	vst v63  }
0x87: {  	_ =	swait.ge [sflag:s25], $0x4000  }
0x88: {  	[sflag:s25] =	ssyncset.done $0x0  }
0x89: {  	s28 =	simm.s32 $0x14100;
	[sflag:s25] =	ssyncadd.s32 $0xFFFFC000  }
0x8a: {  	[tilespmem:s16], [sflag:$0x1] =	stream.indirect.gather [hbm4b:s4+s20], $0x80, s28, s20, $0xb8;
	[tilespmem:$0x1E800] =	vst v63  }
0x8b: {  	_ =	swait.ge [sflag:s25], $0x4000  }
0x8c: {  	[sflag:s25] =	ssyncset.done $0x0  }
0x8d: {  	s28 =	simm.s32 $0x14180;
	[sflag:s25] =	ssyncadd.s32 $0xFFFFC000  }
0x8e: {  	[tilespmem:s22], [sflag:$0x1] =	stream.indirect.gather [hbm4b:s4+s20], $0x80, s28, s20, $0xb8;
	[tilespmem:$0x1E800] =	vst v63  }
0x8f: {  	_ =	swait.ge [sflag:s23], $0x4000  }
0x90: {  	[sflag:s23] =	ssyncset.done $0x0  }
0x91: {  	s28 =	simm.s32 $0x15500;
	[sflag:s23] =	ssyncadd.s32 $0xFFFFC000  }
0x92: {  	[spmem:s1] =	stream.indirect.scatter.add.f32 [tilespmem:s16], [sflag:$0x2], $0x80, s28, s20, $0xb8;
	[tilespmem:$0x1E800] =	vst v63  }
0x93: {  	_ =	swait.ge [sflag:s23], $0x4000  }
0x94: {  	[sflag:s23] =	ssyncset.done $0x0  }
0x95: {  	s29 =	simm.s32 $0x15580;
	s28 =	simm.s32 $0xFFFFB800;
	[sflag:s23] =	ssyncadd.s32 $0xFFFFC000  }
.LBB2_6:
0x96: {  	[spmem:s1] =	stream.indirect.scatter.add.f32 [tilespmem:s22], [sflag:$0x2], $0x80, s29, s20, $0xb8;
	[tilespmem:$0x1E800] =	vst v63  }
0x97: {  	s29 =	smov.u32 s28  }
0x98: {  	p0 =	sne.s32 s28, $0xFFFFFC00;
	s28 =	sadd.s32 $0x400, s28;
	_ =	swait.ge [sflag:s25], $0x4000  }
0x99: {  	s29 =	sshra.s32 s29, $0x2;
	[sflag:s25] =	ssyncset.done $0x0  }
0x9a: {  	s30 =	sadd.s32 $0x15400, s29;
	[sflag:s25] =	ssyncadd.s32 $0xFFFFC000  }
0x9b: {  	[tilespmem:s16], [sflag:$0x1] =	stream.indirect.gather [hbm4b:s4+s20], $0x80, s30, s20, $0xb8;
	[tilespmem:$0x1E800] =	vst v63  }
0x9c: {  	_ =	swait.ge [sflag:s25], $0x4000  }
0x9d: {  	[sflag:s25] =	ssyncset.done $0x0  }
0x9e: {  	s30 =	sadd.s32 $0x15480, s29;
	[sflag:s25] =	ssyncadd.s32 $0xFFFFC000  }
0x9f: {  	[tilespmem:s22], [sflag:$0x1] =	stream.indirect.gather [hbm4b:s4+s20], $0x80, s30, s20, $0xb8;
	[tilespmem:$0x1E800] =	vst v63  }
0xa0: {  	_ =	swait.ge [sflag:s23], $0x4000  }
0xa1: {  	[sflag:s23] =	ssyncset.done $0x0  }
.Ltmp2:
0xa2: {  	s30 =	sadd.s32 $0x16800, s29;
	[sflag:s23] =	ssyncadd.s32 $0xFFFFC000;
	(pc) =	sbr.rel @p0 .LBB2_6-.Ltmp2, $4  }
0xa3: {  	[spmem:s1] =	stream.indirect.scatter.add.f32 [tilespmem:s16], [sflag:$0x2], $0x80, s30, s20, $0xb8;
	[tilespmem:$0x1E800] =	vst v63  }
0xa4: {  	_ =	swait.ge [sflag:s23], $0x4000  }
0xa5: {  	[sflag:s23] =	ssyncset.done $0x0  }
0xa6: {  	s29 =	sadd.s32 $0x16880, s29;
	[sflag:s23] =	ssyncadd.s32 $0xFFFFC000  }
0xa7: {  	[spmem:s1] =	stream.indirect.scatter.add.f32 [tilespmem:s22], [sflag:$0x2], $0x80, s29, s20, $0xb8;
	[tilespmem:$0x1E800] =	vst v63  }
0xa8: {  	_ =	swait.ge [sflag:s25], $0x4000  }
0xa9: {  	[sflag:s25] =	ssyncset.done $0x0  }
0xaa: {  	[sflag:s25] =	ssyncadd.s32 $0xFFFFC000  }
0xab: {  	_ =	swait.ge [sflag:s25], $0x4000  }
0xac: {  	s28 =	sshll.u32 s2, $0x6;
	s26 =	sadd.s32 $0x1, s26;
	[sflag:s25] =	ssyncset.done $0x0  }
0xad: {  	s31 =	sshrl.u32 s5, $0x3;
	p0 =	sne.s32 s26, s14;
	[sflag:s25] =	ssyncadd.s32 $0xFFFFC000  }
.Ltmp3:
0xae: {  	s28 =	sor.u32 $0x1C03, s28;
	[bflag:$0x0] =	sbarrier.arrive $0xFFFF;
	(pc) =	sbr.rel @p0 .LBB2_1-.Ltmp3, $4  }
0xaf: {  	[hbm:s15], [sflag:s28] =	dma.local [spmem:s31], $0x2800  }
0xb0: {  	_ =	swait.ge [sflag:s17], $0x2800  }
0xb1: {  	[sflag:s17] =	ssyncset.done $0x0  }
0xb2: {  	[sflag:s17] =	ssyncadd.s32 $0xFFFFD800  }
0xb3: {  	_ =	sfence.sel $0x180000  }
0xb4: {  	[bflag:$0x0] =	sbarrier.arrive $0xFFFF  }
0xb5: {  	p0 =	sne.s32 s2, $0x0;
	_ =	strace $0x9000004A  }
0xb6: {  	s0 =	sadd.s32 @!p0 $0x100000, s0;
	[bflag:$0x2] =	sbarrier.arrive $0xFFFF  }
0xb7: {  	[sflag:s0] =	ssyncadd.tile.s32 @!p0 $0x1;
	_ =	shalt  }
.Lfunc_end2:
_tile_overlayer_lowered:
.L_overlay_start_2:
0xb8: {  	(tag) =	ssettag $0x2  }
0xb9: {  	s0 =	rddreg [dreg:$0x0];
	s2 =	stileid.u32  }
0xba: {  	s1 =	rddreg [dreg:$0x1];
	p0 =	sne.s32 s2, $0x0  }
0xbb: {  	s3 =	rddreg [dreg:$0x2];
	[bflag:$0x3] =	sbarrier.arrive $0xFFFF;
	s2 =	simm.s32 @!p0 $0x1C03  }
0xbc: {  	[timem:s3], [sflag:s2] =	dma.local @!p0 [hbm:s0], s1  }
0xbd: {  	s0 =	simm.s32 @!p0 $0x3  }
0xbe: {  	_ =	swait.ge @!p0 [sflag:s0], s1  }
0xbf: {  	s1 =	ssub.s32 @!p0 $0x0, s1;
	[sflag:s0] =	ssyncset.done @!p0 $0x0  }
0xc0: {  	[sflag:s0] =	ssyncadd.s32 @!p0 s1  }
0xc1: {  	[bflag:$0x3] =	sbarrier.arrive $0xFFFF  }
0xc2: {  	_ =	shalt  }

// kernel: kernel.15.cloned.1.call-start
scs
__scs_entry_jumppad:
0x0: {  	(pc) =	sbr.rel $0x88, $3  }
0x1: {  	(tag) =	ssettag $0x0;
	lr =	simm.s32 $0x1  }
0x2: {  	[smem:$0x3F95] =	sst lr;
	_ =	strace $0xD0000000  }
0x3: {  	_ = 	snop  }
0x4: {  	_ = 	snop  }
0x5: {  	_ = 	snop  }
0x6: {  	_ = 	snop  }
0x7: {  	_ = 	snop  }
__scs_overlays_trampoline_lowered:
0x8: {  	[smem:$0x3FA4] =	sst s0  }
0x9: {  	[smem:$0x3FA5] =	sst s1  }
0xa: {  	[smem:$0x3FA6] =	sst s2  }
0xb: {  	[smem:$0x3FA7] =	sst s3  }
0xc: {  	[smem:$0x3FA8] =	sst s4  }
0xd: {  	[smem:$0x3FA9] =	sst s5  }
0xe: {  	[smem:$0x3FAA] =	sst s6  }
0xf: {  	[smem:$0x3FAB] =	sst s7  }
0x10: {  	[smem:$0x3FAC] =	sst s8  }
0x11: {  	[smem:$0x3FAD] =	sst s9;
	s0 =	simm.s32 @!p0 $0x0  }
0x12: {  	s1 =	sld [smem:$0x3F93];
	s0 =	simm.s32 @p0 $0x1  }
0x13: {  	[smem:$0x3FAE] =	sst s0;
	s0 =	simm.s32 @!p1 $0x0  }
0x14: {  	s2 =	sld [smem:$0x3F92];
	s0 =	simm.s32 @p1 $0x1  }
0x15: {  	[smem:$0x3FAF] =	sst s0;
	s0 =	simm.s32 @!p2 $0x0  }
0x16: {  	s3 =	sld [smem:$0x3FDB];
	s0 =	simm.s32 @p2 $0x1  }
0x17: {  	s4 =	simm.s32 $0x1BF5;
	[smem:$0x3FB1] =	sst s0  }
0x18: {  	s0 =	sld [smem:$0x3F94];
	_ =	swait.ge [sflag:s4], $0x0  }
0x19: {  	s7 =	sld [smem:$0x3F95]  }
0x1a: {  	s8 =	sadd.s32 $0xFFFFE003, lr  }
0x1b: {  	s9 =	sadd.s32 $0xFFFFFEF7, lr;
	s5 =	simm.s32 $0xFFFFFFFF;
	p2 =	slt.u32 s8, $0xFFFFF086  }
0x1c: {  	p1 =	slt.u32 s9, $0xF7A;
	s5 =	simm.s32 @!p2 $0x0  }
0x1d: {  	s5 =	simm.s32 @p1 $0x1;
	p0 =	seq.s32 s7, s2  }
0x1e: {  	s7 =	smul.u32 @!p0 $0xF7A, s2;
	p2 =	seq.s32 @!p0 s5, $0x0  }
0x1f: {  	s9 =	smul.u32 $0xF7A, s1;
	s8 =	simm.s32 @!p0 $0x1BF5;
	p2 =	por !p2, p0  }
0x20: {  	[sflag:s8] =	ssyncset.s32 @!p0 $0xFFFFF086;
	s6 =	sadd.s32 @!p0 s3, s7;
	s7 =	simm.s32 @!p0 $0x108  }
0x21: {  	s3 =	sadd.s32 s3, s9;
	s6 =	sadd.s32 @!p0 $0x88, s6;
	s7 =	simm.s32 @p2 $0x1082  }
0x22: {  	[simem:s7], [sflag:s8] =	dma.local @!p0 [hbm:s6], $0xF7A  }
0x23: {  	s9 =	sor.u32 $0xD0000000, s2;
	s6 =	simm.s32 $0x108;
	_ =	swait.ge @!p0 [sflag:s8], $0x0  }
0x24: {  	s3 =	sadd.s32 $0x88, s3;
	s6 =	simm.s32 @!p1 $0x1082;
	[sflag:s4] =	ssyncset.s32 $0xFFFFF086  }
0x25: {  	[simem:s6], [sflag:s4] =	dma.local [hbm:s3], $0xF7A  }
0x26: {  	[smem:$0x3F95] =	sst s1;
	(tag) =	ssettag s2;
	_ =	strace s9  }
0x27: {  	s1 =	sld [smem:$0x3FA5]  }
0x28: {  	s2 =	sld [smem:$0x3FA6]  }
0x29: {  	s4 =	sld [smem:$0x3FA8]  }
0x2a: {  	p0 =	seq.s32 s5, $0x0;
	s5 =	sld [smem:$0x3FA9]  }
0x2b: {  	s6 =	sld [smem:$0x3FAA]  }
0x2c: {  	s7 =	sld [smem:$0x3FAB]  }
0x2d: {  	s3 =	simm.s32 $0x108;
	s8 =	sld [smem:$0x3FAC]  }
0x2e: {  	s3 =	simm.s32 @!p0 $0x1082;
	s9 =	sld [smem:$0x3FAD]  }
0x2f: {  	lr =	sadd.s32 s0, s3;
	s0 =	sld [smem:$0x3FA4]  }
0x30: {  	s3 =	sld [smem:$0x3FA7]  }
0x31: {  	[smem:$0x3FB0] =	sst s10  }
0x32: {  	s10 =	sld [smem:$0x3FAE];
	_ =	sdelay $0x3  }
0x33: {  	p0 =	seq.s32 s10, $0x1;
	s10 =	sld [smem:$0x3FB0];
	_ =	sdelay $0x3  }
0x34: {  	[smem:$0x3FB0] =	sst s10  }
0x35: {  	s10 =	sld [smem:$0x3FAF];
	_ =	sdelay $0x3  }
0x36: {  	p1 =	seq.s32 s10, $0x1;
	s10 =	sld [smem:$0x3FB0];
	_ =	sdelay $0x3  }
0x37: {  	[smem:$0x3FB0] =	sst s10  }
0x38: {  	s10 =	sld [smem:$0x3FB1]  }
0x39: {  	_ = 	snop;
	(pc) =	sbr.ind lr, $3  }
0x3a: {  	_ = 	snop  }
0x3b: {  	_ = 	snop  }
0x3c: {  	p2 =	seq.s32 s10, $0x1;
	s10 =	sld [smem:$0x3FB0]  }
0x3d: {  	_ =	shalt  }
0x3e: {  	_ =	shalt  }
0x3f: {  	_ =	shalt  }
0x40: {  	_ =	shalt  }
0x41: {  	_ =	shalt  }
0x42: {  	_ =	shalt  }
0x43: {  	_ =	shalt  }
0x44: {  	_ =	shalt  }
0x45: {  	_ =	shalt  }
0x46: {  	_ =	shalt  }
0x47: {  	_ =	shalt  }
0x48: {  	_ =	shalt  }
0x49: {  	_ =	shalt  }
0x4a: {  	_ =	shalt  }
0x4b: {  	_ =	shalt  }
0x4c: {  	_ =	shalt  }
0x4d: {  	_ =	shalt  }
0x4e: {  	_ =	shalt  }
0x4f: {  	_ =	shalt  }
0x50: {  	_ =	shalt  }
0x51: {  	_ =	shalt  }
0x52: {  	_ =	shalt  }
0x53: {  	_ =	shalt  }
0x54: {  	_ =	shalt  }
0x55: {  	_ =	shalt  }
0x56: {  	_ =	shalt  }
0x57: {  	_ =	shalt  }
0x58: {  	_ =	shalt  }
0x59: {  	_ =	shalt  }
0x5a: {  	_ =	shalt  }
0x5b: {  	_ =	shalt  }
0x5c: {  	_ =	shalt  }
0x5d: {  	_ =	shalt  }
0x5e: {  	_ =	shalt  }
0x5f: {  	_ =	shalt  }
0x60: {  	_ =	shalt  }
0x61: {  	_ =	shalt  }
0x62: {  	_ =	shalt  }
0x63: {  	_ =	shalt  }
0x64: {  	_ =	shalt  }
0x65: {  	_ =	shalt  }
0x66: {  	_ =	shalt  }
0x67: {  	_ =	shalt  }
0x68: {  	_ =	shalt  }
0x69: {  	_ =	shalt  }
0x6a: {  	_ =	shalt  }
0x6b: {  	_ =	shalt  }
0x6c: {  	_ =	shalt  }
0x6d: {  	_ =	shalt  }
0x6e: {  	_ =	shalt  }
0x6f: {  	_ =	shalt  }
0x70: {  	_ =	shalt  }
0x71: {  	_ =	shalt  }
0x72: {  	_ =	shalt  }
0x73: {  	_ =	shalt  }
0x74: {  	_ =	shalt  }
0x75: {  	_ =	shalt  }
0x76: {  	_ =	shalt  }
0x77: {  	_ =	shalt  }
0x78: {  	_ =	shalt  }
0x79: {  	_ =	shalt  }
0x7a: {  	_ =	shalt  }
0x7b: {  	_ =	shalt  }
0x7c: {  	_ =	shalt  }
0x7d: {  	_ =	shalt  }
0x7e: {  	_ =	shalt  }
0x7f: {  	_ =	shalt  }
0x80: {  	_ =	shalt  }
0x81: {  	_ =	shalt  }
0x82: {  	_ =	shalt  }
0x83: {  	_ =	shalt  }
0x84: {  	_ =	shalt  }
0x85: {  	_ =	shalt  }
0x86: {  	_ =	shalt  }
0x87: {  	_ =	shalt  }
.Lfunc_end0:
.L_simem_size_0:
called_computation.2_lowered:
.L_overlay_start_0:
0x88: {  	s2 =	sld [smem:$0x3FD9]  }
0x89: {  	s3 =	sld [smem:$0x3FFE];
	_ =	sdelay $0x1  }
0x8a: {  	s1 =	srdreg.scid  }
0x8b: {  	s0 =	sand.u32 $0x1, s1  }
0x8c: {  	s17 =	sshll.u32 s0, $0xA;
	s2 =	sadd.s32 s3, s2  }
0x8d: {  	s2 =	sadd.s32 s2, s17  }
0x8e: {  	[smem:$0x3FBC] =	sst s2  }
0x8f: {  	_ = 	snop  }
0x90: {  	s2 =	sld [smem:$0x3FD0];
	(tm) =	ssettm $0x1  }
0x91: {  	s18 =	sld [smem:$0x3FFB];
	_ =	sdelay $0x3  }
0x92: {  	_ =	strace s18  }
0x93: {  	s3 =	sld [smem:$0x3FFC];
	_ =	sdelay $0x3  }
0x94: {  	_ =	strace s3  }
0x95: {  	s3 =	sld [smem:$0x3FFD];
	_ =	sdelay $0x3  }
0x96: {  	_ =	strace s3  }
0x97: {  	_ =	strace $0x8FFFFFFF  }
0x98: {  	s19 =	sld [smem:$0x3FDB];
	_ =	sdelay $0x1  }
0x99: {  	s4 =	simm.s32 $_scs_section_size  }
0x9a: {  	s5 =	simm.s32 $_size__tile_overlayer_lowered;
	s6 =	simm.s32 $_tile_overlayer_lowered  }
0x9b: {  	s22 =	simm.s32 $0x1BFF;
	s21 =	sshll.u32 s6, $0x1;
	s3 =	sadd.s32 s4, s19  }
0x9c: {  	s7 =	simm.s32 $0x0;
	s20 =	sshll.u32 s5, $0x1;
	s5 =	sadd.s32 s21, s3  }
0x9d: {  	[timem:s7], [sflag:s22] =	dma.local [hbm:s5], s20  }
0x9e: {  	_ =	swait.ge [sflag:s22], s20  }
0x9f: {  	s4 =	ssub.s32 $0x0, s20;
	[sflag:s22] =	ssyncset.done $0x0  }
0xa0: {  	[sflag:s22] =	ssyncadd.s32 s4;
	_ =	sdelay $0x1  }
0xa1: {  	s23 =	simm.s32 $0x1B8B  }
0xa2: {  	_ =	swait.ge [sflag:s23], $0x1  }
0xa3: {  	[sflag:s23] =	ssyncset.done $0x0  }
0xa4: {  	s25 =	simm.s32 $0x1B8E;
	s24 =	sld [smem:$0x3FFE];
	[sflag:s23] =	ssyncadd.s32 $0xFFFFFFFF  }
0xa5: {  	s26 =	simm.s32 $execute0_lowered;
	[smem:$0x3FD2] =	sst s25  }
0xa6: {  	s5 =	sshll.u32 s26, $0x1;
	_ =	strace $0x8000004C;
	[dreg:$0x1] =	wrdreg $0xFFFFFFFF  }
0xa7: {  	s28 =	simm.s32 $_size_execute0_lowered;
	s3 =	sadd.s32 s3, s5;
	[dreg:$0x0] =	wrdreg $0x0  }
0xa8: {  	s5 =	sshll.u32 s28, $0x1;
	[dreg:$0x2] =	wrdreg s3  }
0xa9: {  	[dreg:$0x3] =	wrdreg s5  }
0xaa: {  	[dreg:$0x4] =	wrdreg $0xC0  }
0xab: {  	_ =	task [dreg:s7], $0x5FFFF  }
0xac: {  	[dreg:$0x1] =	wrdreg $0xFFFFFFFF  }
0xad: {  	[dreg:$0x0] =	wrdreg $0x60  }
0xae: {  	[dreg:$0x2] =	wrdreg s24  }
0xaf: {  	[dreg:$0x3] =	wrdreg s2  }
0xb0: {  	[dreg:$0x4] =	wrdreg $0x0  }
0xb1: {  	[dreg:$0x5] =	wrdreg $0x9  }
0xb2: {  	_ =	task.clear_ibuf [dreg:s7], $0x6FFFF;
	_ =	strace $0x9000004C  }
0xb3: {  	s29 =	simm.s32 $0x9;
	_ =	strace $0x8000004E  }
0xb4: {  	_ =	swait.ge [sflag:s29], $0x1  }
0xb5: {  	[sflag:s29] =	ssyncadd.s32 $0xFFFFFFFF  }
0xb6: {  	_ =	strace $0x9000004E  }
0xb7: {  	_ =	sfence  }
0xb8: {  	s30 =	sld [smem:$0x0];
	_ =	sdelay $0x2  }
0xb9: {  	s31 =	sshll.u32 s1, $0xD;
	s1 =	sshrl.u32 s1, $0x2  }
0xba: {  	s3 =	sand.u32 $0x4000, s31;
	s1 =	sadd.s32 s1, s30  }
0xbb: {  	s0 =	sor.u32 s3, s0;
	s1 =	sshll.u32 s1, $0x11  }
0xbc: {  	s0 =	sor.u32 s1, s0  }
0xbd: {  	s0 =	sadd.s32 $0x8F2B, s0  }
0xbe: {  	[sflag:s0] =	ssyncadd.remote.s32 $0x1  }
0xbf: {  	_ =	sfence.sel $0xFFFF  }
0xc0: {  	[dreg:$0x0] =	wrdreg $0xFFFFFFFF;
	(pc) =	sbr.abs _section_cstart, $3  }
0xc1: {  	[dreg:$0x1] =	wrdreg $0xFFFFFFFF  }
0xc2: {  	_ =	task.clear_ibuf [dreg:s7], $0x2FFFF;
	_ =	strace $0x9FFFFFFF  }
0xc3: {  	(tm) =	ssettm $0x7FFFFFFF  }
tec
execute0_lowered:
.L_overlay_start_1:
0x0: {  	(tag) =	ssettag $0x1  }
0x1: {  	s15 =	rddreg [dreg:$0x0]  }
0x2: {  	s13 =	rddreg [dreg:$0x1]  }
0x3: {  	s1 =	rddreg [dreg:$0x2]  }
0x4: {  	s0 =	rddreg [dreg:$0x3];
	s3 =	simm.s32 $0x0  }
0x5: {  	s4 =	srdreg.scid;
	s2 =	stileid.u32;
	s18 =	simm.s32 $0xB8C00  }
0x6: {  	s20 =	simm.s32 $0x80;
	s21 =	simm.s32 $0x14080;
	s22 =	simm.s32 $0x1A800  }
0x7: {  	s23 =	simm.s32 $0x1;
	s24 =	simm.s32 $0x15480;
	s25 =	simm.s32 $0x2  }
0x8: {  	s26 =	simm.s32 $0x0;
	[smem:$0x7FF] =	sst s3;
	s12 =	sand.u32 $0x1, s4  }
0x9: {  	s5 =	smul.u32 $0x50000, s2;
	s4 =	sadd.s32 $0x68C00, s15;
	s14 =	sadd.s32 $0xEC00, s15  }
0xa: {  	s19 =	smul.u32 $0x2800, s2;
	_ =	strace $0x8000004D;
	s6 =	sshll.u32 s12, $0x4  }
0xb: {  	s7 =	ssub.s32 $0x2, s12;
	p0 =	seq.s32 s12, $0x1;
	s8 =	sor.u32 s2, s6  }
0xc: {  	s5 =	sshrl.u32 s5, $0x2;
	s31 =	sshrl.u32 s7, $0x1;
	s18 =	simm.s32 @!p0 $0x90C00  }
0xd: {  	s5 =	sadd.s32 s5, s1;
	s11 =	smul.u32 $0x500, s8;
	s16 =	ssub.s32 s7, s31  }
0xe: {  	s17 =	smul.u32 $0x2800, s8;
	s15 =	sadd.s32 s18, s15;
	s18 =	simm.s32 $0x14000  }
0xf: {  	s6 =	sadd.s32 $0x4000, s5;
	s7 =	sadd.s32 $0x8000, s5;
	s8 =	sadd.s32 $0xC000, s5  }
0x10: {  	s9 =	sadd.s32 $0x10000, s5;
	s15 =	sadd.s32 s15, s19;
	s17 =	sshrl.u32 s17, $0x3  }
0x11: {  	s19 =	simm.s32 $0x15400;
	s10 =	sadd.s32 s14, s11;
	s17 =	sadd.s32 $0x280, s17  }
0x12: {  	s11 =	sadd.s32 s13, s11;
	s12 =	sadd.s32 s14, s17;
	s13 =	sadd.s32 s13, s17  }
0x13: {  	v0 =	vimm.f32 $0.0e+00;
	s14 =	smax.u32 s16, $0x1;
	s16 =	simm.s32 $0x16800;
	s17 =	simm.s32 $0x3  }
.LBB2_1:
0x14: {  	s28 =	simm.s32 $0x0;
	s29 =	simm.s32 $0x200  }
.LBB2_2:
0x15: {  	p0 =	sne.s32 s29, $0xFE00;
	[tilespmem:s28+$0x16870] =	vst v0  }
0x16: {  	[tilespmem:s28+$0x16800] =	vst v0  }
0x17: {  	[tilespmem:s28+$0x16810] =	vst v0  }
.Ltmp0:
0x18: {  	[tilespmem:s28+$0x16820] =	vst v0;
	(pc) =	sbr.rel @p0 .LBB2_2-.Ltmp0, $4  }
0x19: {  	[tilespmem:s28+$0x16830] =	vst v0  }
0x1a: {  	[tilespmem:s28+$0x16840] =	vst v0  }
0x1b: {  	[tilespmem:s28+$0x16850] =	vst v0  }
0x1c: {  	[tilespmem:s28+$0x16860] =	vst v0;
	s28 =	sshra.s32 s29, $0x2;
	s29 =	sadd.s32 $0x200, s29  }
0x1d: {  	[tilespmem:s28+$0x16870] =	vst v0  }
0x1e: {  	[tilespmem:s28+$0x16800] =	vst v0  }
0x1f: {  	[tilespmem:s28+$0x16810] =	vst v0  }
0x20: {  	[tilespmem:s28+$0x16820] =	vst v0  }
0x21: {  	[tilespmem:s28+$0x16830] =	vst v0  }
0x22: {  	[tilespmem:s28+$0x16840] =	vst v0  }
0x23: {  	[tilespmem:s28+$0x16850] =	vst v0  }
0x24: {  	[tilespmem:s28+$0x16860] =	vst v0  }
0x25: {  	[spmem:s5] =	stream.linear.scatter [tilespmem:s16], [sflag:$0x3], $0x4000, $0x38;
	[tilespmem:$0x1E800] =	vst v63  }
0x26: {  	_ =	swait.ge [sflag:s17], $0x4000  }
0x27: {  	[sflag:s17] =	ssyncset.done $0x0  }
0x28: {  	[sflag:s17] =	ssyncadd.s32 $0xFFFFC000  }
0x29: {  	[spmem:s6] =	stream.linear.scatter [tilespmem:s16], [sflag:$0x3], $0x4000, $0x38;
	[tilespmem:$0x1E800] =	vst v63  }
0x2a: {  	_ =	swait.ge [sflag:s17], $0x4000  }
0x2b: {  	[sflag:s17] =	ssyncset.done $0x0  }
0x2c: {  	[sflag:s17] =	ssyncadd.s32 $0xFFFFC000  }
0x2d: {  	[spmem:s7] =	stream.linear.scatter [tilespmem:s16], [sflag:$0x3], $0x4000, $0x38;
	[tilespmem:$0x1E800] =	vst v63  }
0x2e: {  	_ =	swait.ge [sflag:s17], $0x4000  }
0x2f: {  	[sflag:s17] =	ssyncset.done $0x0  }
0x30: {  	[sflag:s17] =	ssyncadd.s32 $0xFFFFC000  }
0x31: {  	[spmem:s8] =	stream.linear.scatter [tilespmem:s16], [sflag:$0x3], $0x4000, $0x38;
	[tilespmem:$0x1E800] =	vst v63  }
0x32: {  	_ =	swait.ge [sflag:s17], $0x4000  }
0x33: {  	[sflag:s17] =	ssyncset.done $0x0  }
0x34: {  	[sflag:s17] =	ssyncadd.s32 $0xFFFFC000  }
0x35: {  	[spmem:s9] =	stream.linear.scatter [tilespmem:s16], [sflag:$0x3], $0x4000, $0x38;
	[tilespmem:$0x1E800] =	vst v63  }
0x36: {  	_ =	swait.ge [sflag:s17], $0x4000  }
0x37: {  	[sflag:s17] =	ssyncset.done $0x0  }
0x38: {  	[sflag:s17] =	ssyncadd.s32 $0xFFFFC000  }
0x39: {  	[bflag:$0x0] =	sbarrier.arrive $0xFFFF  }
0x3a: {  	[tilespmem:s18], [sflag:$0x3] =	stream.linear.gather [hbm4b:s10+s3], $0x1400, $0x38;
	[tilespmem:$0x1E800] =	vst v63  }
0x3b: {  	_ =	swait.ge [sflag:s17], $0x1400  }
0x3c: {  	[sflag:s17] =	ssyncset.done $0x0  }
0x3d: {  	[sflag:s17] =	ssyncadd.s32 $0xFFFFEC00  }
0x3e: {  	[tilespmem:s19], [sflag:$0x3] =	stream.linear.gather [hbm4b:s11+s3], $0x1400, $0x38;
	[tilespmem:$0x1E800] =	vst v63  }
0x3f: {  	_ =	swait.ge [sflag:s17], $0x1400  }
0x40: {  	[sflag:s17] =	ssyncset.done $0x0  }
0x41: {  	[sflag:s17] =	ssyncadd.s32 $0xFFFFEC00  }
0x42: {  	[tilespmem:s16], [sflag:$0x1] =	stream.indirect.gather [hbm4b:s4+s20], $0x80, s18, s20, $0xb8;
	[tilespmem:$0x1E800] =	vst v63  }
0x43: {  	_ = 	snop  }
0x44: {  	[tilespmem:s22], [sflag:$0x1] =	stream.indirect.gather [hbm4b:s4+s20], $0x80, s21, s20, $0xb8;
	[tilespmem:$0x1E800] =	vst v63  }
0x45: {  	_ =	swait.ge [sflag:s23], $0x4000  }
0x46: {  	[sflag:s23] =	ssyncset.done $0x0  }
0x47: {  	[sflag:s23] =	ssyncadd.s32 $0xFFFFC000  }
0x48: {  	[spmem:s1] =	stream.indirect.scatter.add.f32 [tilespmem:s16], [sflag:$0x2], $0x80, s19, s20, $0xb8;
	[tilespmem:$0x1E800] =	vst v63  }
0x49: {  	_ =	swait.ge [sflag:s23], $0x4000  }
0x4a: {  	[sflag:s23] =	ssyncset.done $0x0  }
0x4b: {  	[sflag:s23] =	ssyncadd.s32 $0xFFFFC000  }
0x4c: {  	[spmem:s1] =	stream.indirect.scatter.add.f32 [tilespmem:s22], [sflag:$0x2], $0x80, s24, s20, $0xb8;
	[tilespmem:$0x1E800] =	vst v63  }
0x4d: {  	_ =	swait.ge [sflag:s25], $0x4000  }
0x4e: {  	[sflag:s25] =	ssyncset.done $0x0  }
0x4f: {  	s28 =	simm.s32 $0x14100;
	[sflag:s25] =	ssyncadd.s32 $0xFFFFC000  }
0x50: {  	[tilespmem:s16], [sflag:$0x1] =	stream.indirect.gather [hbm4b:s4+s20], $0x80, s28, s20, $0xb8;
	[tilespmem:$0x1E800] =	vst v63  }
0x51: {  	_ =	swait.ge [sflag:s25], $0x4000  }
0x52: {  	[sflag:s25] =	ssyncset.done $0x0  }
0x53: {  	s28 =	simm.s32 $0x14180;
	[sflag:s25] =	ssyncadd.s32 $0xFFFFC000  }
0x54: {  	[tilespmem:s22], [sflag:$0x1] =	stream.indirect.gather [hbm4b:s4+s20], $0x80, s28, s20, $0xb8;
	[tilespmem:$0x1E800] =	vst v63  }
0x55: {  	_ =	swait.ge [sflag:s23], $0x4000  }
0x56: {  	[sflag:s23] =	ssyncset.done $0x0  }
0x57: {  	s28 =	simm.s32 $0x15500;
	[sflag:s23] =	ssyncadd.s32 $0xFFFFC000  }
0x58: {  	[spmem:s1] =	stream.indirect.scatter.add.f32 [tilespmem:s16], [sflag:$0x2], $0x80, s28, s20, $0xb8;
	[tilespmem:$0x1E800] =	vst v63  }
0x59: {  	_ =	swait.ge [sflag:s23], $0x4000  }
0x5a: {  	[sflag:s23] =	ssyncset.done $0x0  }
0x5b: {  	s29 =	simm.s32 $0x15580;
	s28 =	simm.s32 $0xFFFFB800;
	[sflag:s23] =	ssyncadd.s32 $0xFFFFC000  }
.LBB2_4:
0x5c: {  	[spmem:s1] =	stream.indirect.scatter.add.f32 [tilespmem:s22], [sflag:$0x2], $0x80, s29, s20, $0xb8;
	[tilespmem:$0x1E800] =	vst v63  }
0x5d: {  	s29 =	smov.u32 s28  }
0x5e: {  	p0 =	sne.s32 s28, $0xFFFFFC00;
	s28 =	sadd.s32 $0x400, s28;
	_ =	swait.ge [sflag:s25], $0x4000  }
0x5f: {  	s29 =	sshra.s32 s29, $0x2;
	[sflag:s25] =	ssyncset.done $0x0  }
0x60: {  	s30 =	sadd.s32 $0x15400, s29;
	[sflag:s25] =	ssyncadd.s32 $0xFFFFC000  }
0x61: {  	[tilespmem:s16], [sflag:$0x1] =	stream.indirect.gather [hbm4b:s4+s20], $0x80, s30, s20, $0xb8;
	[tilespmem:$0x1E800] =	vst v63  }
0x62: {  	_ =	swait.ge [sflag:s25], $0x4000  }
0x63: {  	[sflag:s25] =	ssyncset.done $0x0  }
0x64: {  	s30 =	sadd.s32 $0x15480, s29;
	[sflag:s25] =	ssyncadd.s32 $0xFFFFC000  }
0x65: {  	[tilespmem:s22], [sflag:$0x1] =	stream.indirect.gather [hbm4b:s4+s20], $0x80, s30, s20, $0xb8;
	[tilespmem:$0x1E800] =	vst v63  }
0x66: {  	_ =	swait.ge [sflag:s23], $0x4000  }
0x67: {  	[sflag:s23] =	ssyncset.done $0x0  }
.Ltmp1:
0x68: {  	s30 =	sadd.s32 $0x16800, s29;
	[sflag:s23] =	ssyncadd.s32 $0xFFFFC000;
	(pc) =	sbr.rel @p0 .LBB2_4-.Ltmp1, $4  }
0x69: {  	[spmem:s1] =	stream.indirect.scatter.add.f32 [tilespmem:s16], [sflag:$0x2], $0x80, s30, s20, $0xb8;
	[tilespmem:$0x1E800] =	vst v63  }
0x6a: {  	_ =	swait.ge [sflag:s23], $0x4000  }
0x6b: {  	[sflag:s23] =	ssyncset.done $0x0  }
0x6c: {  	s29 =	sadd.s32 $0x16880, s29;
	[sflag:s23] =	ssyncadd.s32 $0xFFFFC000  }
0x6d: {  	[spmem:s1] =	stream.indirect.scatter.add.f32 [tilespmem:s22], [sflag:$0x2], $0x80, s29, s20, $0xb8;
	[tilespmem:$0x1E800] =	vst v63  }
0x6e: {  	_ =	swait.ge [sflag:s25], $0x4000  }
0x6f: {  	[sflag:s25] =	ssyncset.done $0x0  }
0x70: {  	[sflag:s25] =	ssyncadd.s32 $0xFFFFC000  }
0x71: {  	_ =	swait.ge [sflag:s25], $0x4000  }
0x72: {  	[sflag:s25] =	ssyncset.done $0x0  }
0x73: {  	[sflag:s25] =	ssyncadd.s32 $0xFFFFC000  }
0x74: {  	[tilespmem:s18], [sflag:$0x3] =	stream.linear.gather [hbm4b:s12+s3], $0x1400, $0x38;
	[tilespmem:$0x1E800] =	vst v63  }
0x75: {  	_ =	swait.ge [sflag:s17], $0x1400  }
0x76: {  	[sflag:s17] =	ssyncset.done $0x0  }
0x77: {  	[sflag:s17] =	ssyncadd.s32 $0xFFFFEC00  }
0x78: {  	[tilespmem:s19], [sflag:$0x3] =	stream.linear.gather [hbm4b:s13+s3], $0x1400, $0x38;
	[tilespmem:$0x1E800] =	vst v63  }
0x79: {  	_ =	swait.ge [sflag:s17], $0x1400  }
0x7a: {  	[sflag:s17] =	ssyncset.done $0x0  }
0x7b: {  	[sflag:s17] =	ssyncadd.s32 $0xFFFFEC00  }
0x7c: {  	[tilespmem:s16], [sflag:$0x1] =	stream.indirect.gather [hbm4b:s4+s20], $0x80, s18, s20, $0xb8;
	[tilespmem:$0x1E800] =	vst v63  }
0x7d: {  	_ = 	snop  }
0x7e: {  	[tilespmem:s22], [sflag:$0x1] =	stream.indirect.gather [hbm4b:s4+s20], $0x80, s21, s20, $0xb8;
	[tilespmem:$0x1E800] =	vst v63  }
0x7f: {  	_ =	swait.ge [sflag:s23], $0x4000  }
0x80: {  	[sflag:s23] =	ssyncset.done $0x0  }
0x81: {  	[sflag:s23] =	ssyncadd.s32 $0xFFFFC000  }
0x82: {  	[spmem:s1] =	stream.indirect.scatter.add.f32 [tilespmem:s16], [sflag:$0x2], $0x80, s19, s20, $0xb8;
	[tilespmem:$0x1E800] =	vst v63  }
0x83: {  	_ =	swait.ge [sflag:s23], $0x4000  }
0x84: {  	[sflag:s23] =	ssyncset.done $0x0  }
0x85: {  	[sflag:s23] =	ssyncadd.s32 $0xFFFFC000  }
0x86: {  	[spmem:s1] =	stream.indirect.scatter.add.f32 [tilespmem:s22], [sflag:$0x2], $0x80, s24, s20, $0xb8;
	[tilespmem:$0x1E800] =	vst v63  }
0x87: {  	_ =	swait.ge [sflag:s25], $0x4000  }
0x88: {  	[sflag:s25] =	ssyncset.done $0x0  }
0x89: {  	s28 =	simm.s32 $0x14100;
	[sflag:s25] =	ssyncadd.s32 $0xFFFFC000  }
0x8a: {  	[tilespmem:s16], [sflag:$0x1] =	stream.indirect.gather [hbm4b:s4+s20], $0x80, s28, s20, $0xb8;
	[tilespmem:$0x1E800] =	vst v63  }
0x8b: {  	_ =	swait.ge [sflag:s25], $0x4000  }
0x8c: {  	[sflag:s25] =	ssyncset.done $0x0  }
0x8d: {  	s28 =	simm.s32 $0x14180;
	[sflag:s25] =	ssyncadd.s32 $0xFFFFC000  }
0x8e: {  	[tilespmem:s22], [sflag:$0x1] =	stream.indirect.gather [hbm4b:s4+s20], $0x80, s28, s20, $0xb8;
	[tilespmem:$0x1E800] =	vst v63  }
0x8f: {  	_ =	swait.ge [sflag:s23], $0x4000  }
0x90: {  	[sflag:s23] =	ssyncset.done $0x0  }
0x91: {  	s28 =	simm.s32 $0x15500;
	[sflag:s23] =	ssyncadd.s32 $0xFFFFC000  }
0x92: {  	[spmem:s1] =	stream.indirect.scatter.add.f32 [tilespmem:s16], [sflag:$0x2], $0x80, s28, s20, $0xb8;
	[tilespmem:$0x1E800] =	vst v63  }
0x93: {  	_ =	swait.ge [sflag:s23], $0x4000  }
0x94: {  	[sflag:s23] =	ssyncset.done $0x0  }
0x95: {  	s29 =	simm.s32 $0x15580;
	s28 =	simm.s32 $0xFFFFB800;
	[sflag:s23] =	ssyncadd.s32 $0xFFFFC000  }
.LBB2_6:
0x96: {  	[spmem:s1] =	stream.indirect.scatter.add.f32 [tilespmem:s22], [sflag:$0x2], $0x80, s29, s20, $0xb8;
	[tilespmem:$0x1E800] =	vst v63  }
0x97: {  	s29 =	smov.u32 s28  }
0x98: {  	p0 =	sne.s32 s28, $0xFFFFFC00;
	s28 =	sadd.s32 $0x400, s28;
	_ =	swait.ge [sflag:s25], $0x4000  }
0x99: {  	s29 =	sshra.s32 s29, $0x2;
	[sflag:s25] =	ssyncset.done $0x0  }
0x9a: {  	s30 =	sadd.s32 $0x15400, s29;
	[sflag:s25] =	ssyncadd.s32 $0xFFFFC000  }
0x9b: {  	[tilespmem:s16], [sflag:$0x1] =	stream.indirect.gather [hbm4b:s4+s20], $0x80, s30, s20, $0xb8;
	[tilespmem:$0x1E800] =	vst v63  }
0x9c: {  	_ =	swait.ge [sflag:s25], $0x4000  }
0x9d: {  	[sflag:s25] =	ssyncset.done $0x0  }
0x9e: {  	s30 =	sadd.s32 $0x15480, s29;
	[sflag:s25] =	ssyncadd.s32 $0xFFFFC000  }
0x9f: {  	[tilespmem:s22], [sflag:$0x1] =	stream.indirect.gather [hbm4b:s4+s20], $0x80, s30, s20, $0xb8;
	[tilespmem:$0x1E800] =	vst v63  }
0xa0: {  	_ =	swait.ge [sflag:s23], $0x4000  }
0xa1: {  	[sflag:s23] =	ssyncset.done $0x0  }
.Ltmp2:
0xa2: {  	s30 =	sadd.s32 $0x16800, s29;
	[sflag:s23] =	ssyncadd.s32 $0xFFFFC000;
	(pc) =	sbr.rel @p0 .LBB2_6-.Ltmp2, $4  }
0xa3: {  	[spmem:s1] =	stream.indirect.scatter.add.f32 [tilespmem:s16], [sflag:$0x2], $0x80, s30, s20, $0xb8;
	[tilespmem:$0x1E800] =	vst v63  }
0xa4: {  	_ =	swait.ge [sflag:s23], $0x4000  }
0xa5: {  	[sflag:s23] =	ssyncset.done $0x0  }
0xa6: {  	s29 =	sadd.s32 $0x16880, s29;
	[sflag:s23] =	ssyncadd.s32 $0xFFFFC000  }
0xa7: {  	[spmem:s1] =	stream.indirect.scatter.add.f32 [tilespmem:s22], [sflag:$0x2], $0x80, s29, s20, $0xb8;
	[tilespmem:$0x1E800] =	vst v63  }
0xa8: {  	_ =	swait.ge [sflag:s25], $0x4000  }
0xa9: {  	[sflag:s25] =	ssyncset.done $0x0  }
0xaa: {  	[sflag:s25] =	ssyncadd.s32 $0xFFFFC000  }
0xab: {  	_ =	swait.ge [sflag:s25], $0x4000  }
0xac: {  	s28 =	sshll.u32 s2, $0x6;
	s26 =	sadd.s32 $0x1, s26;
	[sflag:s25] =	ssyncset.done $0x0  }
0xad: {  	s31 =	sshrl.u32 s5, $0x3;
	p0 =	sne.s32 s26, s14;
	[sflag:s25] =	ssyncadd.s32 $0xFFFFC000  }
.Ltmp3:
0xae: {  	s28 =	sor.u32 $0x1C03, s28;
	[bflag:$0x0] =	sbarrier.arrive $0xFFFF;
	(pc) =	sbr.rel @p0 .LBB2_1-.Ltmp3, $4  }
0xaf: {  	[hbm:s15], [sflag:s28] =	dma.local [spmem:s31], $0x2800  }
0xb0: {  	_ =	swait.ge [sflag:s17], $0x2800  }
0xb1: {  	[sflag:s17] =	ssyncset.done $0x0  }
0xb2: {  	[sflag:s17] =	ssyncadd.s32 $0xFFFFD800  }
0xb3: {  	_ =	sfence.sel $0x180000  }
0xb4: {  	[bflag:$0x0] =	sbarrier.arrive $0xFFFF  }
0xb5: {  	p0 =	sne.s32 s2, $0x0;
	_ =	strace $0x9000004D  }
0xb6: {  	s0 =	sadd.s32 @!p0 $0x100000, s0;
	[bflag:$0x2] =	sbarrier.arrive $0xFFFF  }
0xb7: {  	[sflag:s0] =	ssyncadd.tile.s32 @!p0 $0x1;
	_ =	shalt  }
.Lfunc_end2:
_tile_overlayer_lowered:
.L_overlay_start_2:
0xb8: {  	(tag) =	ssettag $0x2  }
0xb9: {  	s0 =	rddreg [dreg:$0x0];
	s2 =	stileid.u32  }
0xba: {  	s1 =	rddreg [dreg:$0x1];
	p0 =	sne.s32 s2, $0x0  }
0xbb: {  	s3 =	rddreg [dreg:$0x2];
	[bflag:$0x3] =	sbarrier.arrive $0xFFFF;
	s2 =	simm.s32 @!p0 $0x1C03  }
0xbc: {  	[timem:s3], [sflag:s2] =	dma.local @!p0 [hbm:s0], s1  }
0xbd: {  	s0 =	simm.s32 @!p0 $0x3  }
0xbe: {  	_ =	swait.ge @!p0 [sflag:s0], s1  }
0xbf: {  	s1 =	ssub.s32 @!p0 $0x0, s1;
	[sflag:s0] =	ssyncset.done @!p0 $0x0  }
0xc0: {  	[sflag:s0] =	ssyncadd.s32 @!p0 s1  }
0xc1: {  	[bflag:$0x3] =	sbarrier.arrive $0xFFFF  }
0xc2: {  	_ =	shalt  }

// kernel: kernel.9.cloned.1.call-start
scs
__scs_entry_jumppad:
0x0: {  	(pc) =	sbr.rel $0x88, $3  }
0x1: {  	(tag) =	ssettag $0x0;
	lr =	simm.s32 $0x1  }
0x2: {  	[smem:$0x3F95] =	sst lr;
	_ =	strace $0xD0000000  }
0x3: {  	_ = 	snop  }
0x4: {  	_ = 	snop  }
0x5: {  	_ = 	snop  }
0x6: {  	_ = 	snop  }
0x7: {  	_ = 	snop  }
__scs_overlays_trampoline_lowered:
0x8: {  	[smem:$0x3FA4] =	sst s0  }
0x9: {  	[smem:$0x3FA5] =	sst s1  }
0xa: {  	[smem:$0x3FA6] =	sst s2  }
0xb: {  	[smem:$0x3FA7] =	sst s3  }
0xc: {  	[smem:$0x3FA8] =	sst s4  }
0xd: {  	[smem:$0x3FA9] =	sst s5  }
0xe: {  	[smem:$0x3FAA] =	sst s6  }
0xf: {  	[smem:$0x3FAB] =	sst s7  }
0x10: {  	[smem:$0x3FAC] =	sst s8  }
0x11: {  	[smem:$0x3FAD] =	sst s9;
	s0 =	simm.s32 @!p0 $0x0  }
0x12: {  	s1 =	sld [smem:$0x3F93];
	s0 =	simm.s32 @p0 $0x1  }
0x13: {  	[smem:$0x3FAE] =	sst s0;
	s0 =	simm.s32 @!p1 $0x0  }
0x14: {  	s2 =	sld [smem:$0x3F92];
	s0 =	simm.s32 @p1 $0x1  }
0x15: {  	[smem:$0x3FAF] =	sst s0;
	s0 =	simm.s32 @!p2 $0x0  }
0x16: {  	s3 =	sld [smem:$0x3FDB];
	s0 =	simm.s32 @p2 $0x1  }
0x17: {  	s4 =	simm.s32 $0x1BF5;
	[smem:$0x3FB1] =	sst s0  }
0x18: {  	s0 =	sld [smem:$0x3F94];
	_ =	swait.ge [sflag:s4], $0x0  }
0x19: {  	s7 =	sld [smem:$0x3F95]  }
0x1a: {  	s8 =	sadd.s32 $0xFFFFE003, lr  }
0x1b: {  	s9 =	sadd.s32 $0xFFFFFEF7, lr;
	s5 =	simm.s32 $0xFFFFFFFF;
	p2 =	slt.u32 s8, $0xFFFFF086  }
0x1c: {  	p1 =	slt.u32 s9, $0xF7A;
	s5 =	simm.s32 @!p2 $0x0  }
0x1d: {  	s5 =	simm.s32 @p1 $0x1;
	p0 =	seq.s32 s7, s2  }
0x1e: {  	s7 =	smul.u32 @!p0 $0xF7A, s2;
	p2 =	seq.s32 @!p0 s5, $0x0  }
0x1f: {  	s9 =	smul.u32 $0xF7A, s1;
	s8 =	simm.s32 @!p0 $0x1BF5;
	p2 =	por !p2, p0  }
0x20: {  	[sflag:s8] =	ssyncset.s32 @!p0 $0xFFFFF086;
	s6 =	sadd.s32 @!p0 s3, s7;
	s7 =	simm.s32 @!p0 $0x108  }
0x21: {  	s3 =	sadd.s32 s3, s9;
	s6 =	sadd.s32 @!p0 $0x88, s6;
	s7 =	simm.s32 @p2 $0x1082  }
0x22: {  	[simem:s7], [sflag:s8] =	dma.local @!p0 [hbm:s6], $0xF7A  }
0x23: {  	s9 =	sor.u32 $0xD0000000, s2;
	s6 =	simm.s32 $0x108;
	_ =	swait.ge @!p0 [sflag:s8], $0x0  }
0x24: {  	s3 =	sadd.s32 $0x88, s3;
	s6 =	simm.s32 @!p1 $0x1082;
	[sflag:s4] =	ssyncset.s32 $0xFFFFF086  }
0x25: {  	[simem:s6], [sflag:s4] =	dma.local [hbm:s3], $0xF7A  }
0x26: {  	[smem:$0x3F95] =	sst s1;
	(tag) =	ssettag s2;
	_ =	strace s9  }
0x27: {  	s1 =	sld [smem:$0x3FA5]  }
0x28: {  	s2 =	sld [smem:$0x3FA6]  }
0x29: {  	s4 =	sld [smem:$0x3FA8]  }
0x2a: {  	p0 =	seq.s32 s5, $0x0;
	s5 =	sld [smem:$0x3FA9]  }
0x2b: {  	s6 =	sld [smem:$0x3FAA]  }
0x2c: {  	s7 =	sld [smem:$0x3FAB]  }
0x2d: {  	s3 =	simm.s32 $0x108;
	s8 =	sld [smem:$0x3FAC]  }
0x2e: {  	s3 =	simm.s32 @!p0 $0x1082;
	s9 =	sld [smem:$0x3FAD]  }
0x2f: {  	lr =	sadd.s32 s0, s3;
	s0 =	sld [smem:$0x3FA4]  }
0x30: {  	s3 =	sld [smem:$0x3FA7]  }
0x31: {  	[smem:$0x3FB0] =	sst s10  }
0x32: {  	s10 =	sld [smem:$0x3FAE];
	_ =	sdelay $0x3  }
0x33: {  	p0 =	seq.s32 s10, $0x1;
	s10 =	sld [smem:$0x3FB0];
	_ =	sdelay $0x3  }
0x34: {  	[smem:$0x3FB0] =	sst s10  }
0x35: {  	s10 =	sld [smem:$0x3FAF];
	_ =	sdelay $0x3  }
0x36: {  	p1 =	seq.s32 s10, $0x1;
	s10 =	sld [smem:$0x3FB0];
	_ =	sdelay $0x3  }
0x37: {  	[smem:$0x3FB0] =	sst s10  }
0x38: {  	s10 =	sld [smem:$0x3FB1]  }
0x39: {  	_ = 	snop;
	(pc) =	sbr.ind lr, $3  }
0x3a: {  	_ = 	snop  }
0x3b: {  	_ = 	snop  }
0x3c: {  	p2 =	seq.s32 s10, $0x1;
	s10 =	sld [smem:$0x3FB0]  }
0x3d: {  	_ =	shalt  }
0x3e: {  	_ =	shalt  }
0x3f: {  	_ =	shalt  }
0x40: {  	_ =	shalt  }
0x41: {  	_ =	shalt  }
0x42: {  	_ =	shalt  }
0x43: {  	_ =	shalt  }
0x44: {  	_ =	shalt  }
0x45: {  	_ =	shalt  }
0x46: {  	_ =	shalt  }
0x47: {  	_ =	shalt  }
0x48: {  	_ =	shalt  }
0x49: {  	_ =	shalt  }
0x4a: {  	_ =	shalt  }
0x4b: {  	_ =	shalt  }
0x4c: {  	_ =	shalt  }
0x4d: {  	_ =	shalt  }
0x4e: {  	_ =	shalt  }
0x4f: {  	_ =	shalt  }
0x50: {  	_ =	shalt  }
0x51: {  	_ =	shalt  }
0x52: {  	_ =	shalt  }
0x53: {  	_ =	shalt  }
0x54: {  	_ =	shalt  }
0x55: {  	_ =	shalt  }
0x56: {  	_ =	shalt  }
0x57: {  	_ =	shalt  }
0x58: {  	_ =	shalt  }
0x59: {  	_ =	shalt  }
0x5a: {  	_ =	shalt  }
0x5b: {  	_ =	shalt  }
0x5c: {  	_ =	shalt  }
0x5d: {  	_ =	shalt  }
0x5e: {  	_ =	shalt  }
0x5f: {  	_ =	shalt  }
0x60: {  	_ =	shalt  }
0x61: {  	_ =	shalt  }
0x62: {  	_ =	shalt  }
0x63: {  	_ =	shalt  }
0x64: {  	_ =	shalt  }
0x65: {  	_ =	shalt  }
0x66: {  	_ =	shalt  }
0x67: {  	_ =	shalt  }
0x68: {  	_ =	shalt  }
0x69: {  	_ =	shalt  }
0x6a: {  	_ =	shalt  }
0x6b: {  	_ =	shalt  }
0x6c: {  	_ =	shalt  }
0x6d: {  	_ =	shalt  }
0x6e: {  	_ =	shalt  }
0x6f: {  	_ =	shalt  }
0x70: {  	_ =	shalt  }
0x71: {  	_ =	shalt  }
0x72: {  	_ =	shalt  }
0x73: {  	_ =	shalt  }
0x74: {  	_ =	shalt  }
0x75: {  	_ =	shalt  }
0x76: {  	_ =	shalt  }
0x77: {  	_ =	shalt  }
0x78: {  	_ =	shalt  }
0x79: {  	_ =	shalt  }
0x7a: {  	_ =	shalt  }
0x7b: {  	_ =	shalt  }
0x7c: {  	_ =	shalt  }
0x7d: {  	_ =	shalt  }
0x7e: {  	_ =	shalt  }
0x7f: {  	_ =	shalt  }
0x80: {  	_ =	shalt  }
0x81: {  	_ =	shalt  }
0x82: {  	_ =	shalt  }
0x83: {  	_ =	shalt  }
0x84: {  	_ =	shalt  }
0x85: {  	_ =	shalt  }
0x86: {  	_ =	shalt  }
0x87: {  	_ =	shalt  }
.Lfunc_end0:
.L_simem_size_0:
called_computation_lowered:
.L_overlay_start_0:
0x88: {  	s2 =	sld [smem:$0x3FD9]  }
0x89: {  	s3 =	sld [smem:$0x3FFE];
	_ =	sdelay $0x1  }
0x8a: {  	s1 =	srdreg.scid  }
0x8b: {  	s0 =	sand.u32 $0x1, s1  }
0x8c: {  	s17 =	sshll.u32 s0, $0xA;
	s2 =	sadd.s32 s3, s2  }
0x8d: {  	s2 =	sadd.s32 s2, s17  }
0x8e: {  	[smem:$0x3FBC] =	sst s2  }
0x8f: {  	_ = 	snop  }
0x90: {  	s2 =	sld [smem:$0x3FD0];
	(tm) =	ssettm $0x1  }
0x91: {  	s18 =	sld [smem:$0x3FFB];
	_ =	sdelay $0x3  }
0x92: {  	_ =	strace s18  }
0x93: {  	s3 =	sld [smem:$0x3FFC];
	_ =	sdelay $0x3  }
0x94: {  	_ =	strace s3  }
0x95: {  	s3 =	sld [smem:$0x3FFD];
	_ =	sdelay $0x3  }
0x96: {  	_ =	strace s3  }
0x97: {  	_ =	strace $0x8FFFFFFF  }
0x98: {  	s19 =	sld [smem:$0x3FDB];
	_ =	sdelay $0x1  }
0x99: {  	s4 =	simm.s32 $_scs_section_size  }
0x9a: {  	s5 =	simm.s32 $_size__tile_overlayer_lowered;
	s6 =	simm.s32 $_tile_overlayer_lowered  }
0x9b: {  	s22 =	simm.s32 $0x1BFF;
	s21 =	sshll.u32 s6, $0x1;
	s3 =	sadd.s32 s4, s19  }
0x9c: {  	s7 =	simm.s32 $0x0;
	s20 =	sshll.u32 s5, $0x1;
	s5 =	sadd.s32 s21, s3  }
0x9d: {  	[timem:s7], [sflag:s22] =	dma.local [hbm:s5], s20  }
0x9e: {  	_ =	swait.ge [sflag:s22], s20  }
0x9f: {  	s4 =	ssub.s32 $0x0, s20;
	[sflag:s22] =	ssyncset.done $0x0  }
0xa0: {  	[sflag:s22] =	ssyncadd.s32 s4;
	_ =	sdelay $0x1  }
0xa1: {  	s23 =	simm.s32 $0x1B8B  }
0xa2: {  	_ =	swait.ge [sflag:s23], $0x1  }
0xa3: {  	[sflag:s23] =	ssyncset.done $0x0  }
0xa4: {  	s25 =	simm.s32 $0x1B8E;
	s24 =	sld [smem:$0x3FFE];
	[sflag:s23] =	ssyncadd.s32 $0xFFFFFFFF  }
0xa5: {  	s26 =	simm.s32 $execute0_lowered;
	[smem:$0x3FD2] =	sst s25  }
0xa6: {  	s5 =	sshll.u32 s26, $0x1;
	_ =	strace $0x80000046;
	[dreg:$0x1] =	wrdreg $0xFFFFFFFF  }
0xa7: {  	s28 =	simm.s32 $_size_execute0_lowered;
	s3 =	sadd.s32 s3, s5;
	[dreg:$0x0] =	wrdreg $0x0  }
0xa8: {  	s5 =	sshll.u32 s28, $0x1;
	[dreg:$0x2] =	wrdreg s3  }
0xa9: {  	[dreg:$0x3] =	wrdreg s5  }
0xaa: {  	[dreg:$0x4] =	wrdreg $0xC0  }
0xab: {  	_ =	task [dreg:s7], $0x5FFFF  }
0xac: {  	[dreg:$0x1] =	wrdreg $0xFFFFFFFF  }
0xad: {  	[dreg:$0x0] =	wrdreg $0x60  }
0xae: {  	[dreg:$0x2] =	wrdreg s24  }
0xaf: {  	[dreg:$0x3] =	wrdreg s2  }
0xb0: {  	[dreg:$0x4] =	wrdreg $0x0  }
0xb1: {  	[dreg:$0x5] =	wrdreg $0x9  }
0xb2: {  	_ =	task.clear_ibuf [dreg:s7], $0x6FFFF;
	_ =	strace $0x90000046  }
0xb3: {  	s29 =	simm.s32 $0x9;
	_ =	strace $0x80000048  }
0xb4: {  	_ =	swait.ge [sflag:s29], $0x1  }
0xb5: {  	[sflag:s29] =	ssyncadd.s32 $0xFFFFFFFF  }
0xb6: {  	_ =	strace $0x90000048  }
0xb7: {  	_ =	sfence  }
0xb8: {  	s30 =	sld [smem:$0x0];
	_ =	sdelay $0x2  }
0xb9: {  	s31 =	sshll.u32 s1, $0xD;
	s1 =	sshrl.u32 s1, $0x2  }
0xba: {  	s3 =	sand.u32 $0x4000, s31;
	s1 =	sadd.s32 s1, s30  }
0xbb: {  	s0 =	sor.u32 s3, s0;
	s1 =	sshll.u32 s1, $0x11  }
0xbc: {  	s0 =	sor.u32 s1, s0  }
0xbd: {  	s0 =	sadd.s32 $0x8F2B, s0  }
0xbe: {  	[sflag:s0] =	ssyncadd.remote.s32 $0x1  }
0xbf: {  	_ =	sfence.sel $0xFFFF  }
0xc0: {  	[dreg:$0x0] =	wrdreg $0xFFFFFFFF;
	(pc) =	sbr.abs _section_cstart, $3  }
0xc1: {  	[dreg:$0x1] =	wrdreg $0xFFFFFFFF  }
0xc2: {  	_ =	task.clear_ibuf [dreg:s7], $0x2FFFF;
	_ =	strace $0x9FFFFFFF  }
0xc3: {  	(tm) =	ssettm $0x7FFFFFFF  }
tec
execute0_lowered:
.L_overlay_start_1:
0x0: {  	(tag) =	ssettag $0x1  }
0x1: {  	s0 =	rddreg [dreg:$0x0]  }
0x2: {  	s1 =	rddreg [dreg:$0x1]  }
0x3: {  	s2 =	rddreg [dreg:$0x2];
	s3 =	simm.s32 $0x0;
	s4 =	srdreg.scid  }
0x4: {  	s10 =	stileid.u32;
	s12 =	simm.s32 $0x1;
	s13 =	simm.s32 $0x280  }
0x5: {  	s14 =	simm.s32 $0x680;
	s15 =	simm.s32 $0x80;
	s16 =	simm.s32 $0xA80  }
0x6: {  	s17 =	simm.s32 $0x300;
	s18 =	simm.s32 $0xB00;
	s19 =	simm.s32 $0x380  }
0x7: {  	s20 =	simm.s32 $0xB80;
	s21 =	simm.s32 $0x400;
	s22 =	simm.s32 $0xC00  }
0x8: {  	s23 =	simm.s32 $0x480;
	s24 =	simm.s32 $0xC80;
	s28 =	simm.s32 $0x580  }
0x9: {  	s29 =	simm.s32 $0xD80;
	s30 =	simm.s32 $0x600;
	s31 =	simm.s32 $0xE00  }
0xa: {  	[smem:$0x7FF] =	sst s3;
	s4 =	sand.u32 $0x1, s4;
	s5 =	sadd.s32 $0x4000, s0  }
0xb: {  	s6 =	sadd.s32 $0xEC00, s0;
	s9 =	smul.u32 $0x280, s10;
	s7 =	ssub.s32 $0x2, s4  }
0xc: {  	s25 =	sshll.u32 s4, $0x4;
	p0 =	seq.s32 s4, $0x1;
	s4 =	simm.s32 $0xE000  }
0xd: {  	_ =	strace $0x80000047;
	s8 =	sshrl.u32 s7, $0x1;
	s4 =	simm.s32 @!p0 $0xE600  }
0xe: {  	s7 =	ssub.s32 s7, s8;
	s8 =	sor.u32 s10, s25;
	s10 =	sadd.s32 s9, s2  }
0xf: {  	s9 =	sshrl.u32 s9, $0x3;
	s0 =	sadd.s32 s4, s0;
	s25 =	simm.s32 $0x500  }
0x10: {  	s8 =	smul.u32 $0xA, s8;
	s26 =	smax.u32 s7, $0x1;
	[dreg:$0x4] =	wrdreg s10  }
0x11: {  	v2 =	vlaneseq.u32;
	s0 =	sadd.s32 s0, s9;
	s7 =	simm.s32 $0x0;
	[dreg:$0x5] =	wrdreg s26  }
0x12: {  	v0 =	vimm.f32 $0.0e+00;
	v1 =	vimm.f32 $1.000000000e+00;
	v2 =	vor.u32 $0x2710, v2;
	[dreg:$0x6] =	wrdreg s0;
	s26 =	simm.s32 $0xD00;
	s0 =	simm.s32 $0xE80  }
.LBB2_1:
0x13: {  	[tilespmem:$0x1280] =	vst v0  }
0x14: {  	[tilespmem:$0x1290] =	vst v0  }
0x15: {  	[tilespmem:$0x12A0] =	vst v0  }
0x16: {  	[tilespmem:$0x12B0] =	vst v0  }
0x17: {  	[tilespmem:$0x12C0] =	vst v0  }
0x18: {  	[tilespmem:$0x12D0] =	vst v0  }
0x19: {  	[tilespmem:$0x12E0] =	vst v0  }
0x1a: {  	[tilespmem:$0x12F0] =	vst v0  }
0x1b: {  	[tilespmem:$0x1300] =	vst v0  }
0x1c: {  	[tilespmem:$0x1310] =	vst v0  }
0x1d: {  	[tilespmem:$0x1320] =	vst v0  }
0x1e: {  	[tilespmem:$0x1330] =	vst v0  }
0x1f: {  	[tilespmem:$0x1340] =	vst v0  }
0x20: {  	[tilespmem:$0x1350] =	vst v0  }
0x21: {  	[tilespmem:$0x1360] =	vst v0  }
0x22: {  	[tilespmem:$0x1370] =	vst v0  }
0x23: {  	[tilespmem:$0x1380] =	vst v0  }
0x24: {  	[tilespmem:$0x1390] =	vst v0  }
0x25: {  	[tilespmem:$0x13A0] =	vst v0  }
0x26: {  	[tilespmem:$0x13B0] =	vst v0  }
0x27: {  	[tilespmem:$0x13C0] =	vst v0  }
0x28: {  	[tilespmem:$0x13D0] =	vst v0  }
0x29: {  	[tilespmem:$0x13E0] =	vst v0  }
0x2a: {  	[tilespmem:$0x13F0] =	vst v0  }
0x2b: {  	[tilespmem:$0x1400] =	vst v0  }
0x2c: {  	[tilespmem:$0x1410] =	vst v0  }
0x2d: {  	[tilespmem:$0x1420] =	vst v0  }
0x2e: {  	[tilespmem:$0x1430] =	vst v0  }
0x2f: {  	[tilespmem:$0x1440] =	vst v0  }
0x30: {  	[tilespmem:$0x1450] =	vst v0  }
0x31: {  	[tilespmem:$0x1460] =	vst v0  }
0x32: {  	[tilespmem:$0x1470] =	vst v0  }
0x33: {  	[tilespmem:$0x1480] =	vst v0  }
0x34: {  	[tilespmem:$0x1490] =	vst v0  }
0x35: {  	[tilespmem:$0x14A0] =	vst v0  }
0x36: {  	[tilespmem:$0x14B0] =	vst v0  }
0x37: {  	[tilespmem:$0x14C0] =	vst v0  }
0x38: {  	[tilespmem:$0x14D0] =	vst v0  }
0x39: {  	[tilespmem:$0x14E0] =	vst v0  }
0x3a: {  	[dreg:$0x7] =	wrdreg s7;
	[tilespmem:$0x14F0] =	vst v0;
	s4 =	simm.s32 $0x1280  }
0x3b: {  	[spmem:s10] =	stream.linear.scatter [tilespmem:s4], [sflag:$0x1], $0x280, $0x38;
	[tilespmem:$0x1500] =	vst v63  }
0x3c: {  	_ =	swait.ge [sflag:s12], $0x280  }
0x3d: {  	[sflag:s12] =	ssyncset.done $0x0  }
0x3e: {  	[sflag:s12] =	ssyncadd.s32 $0xFFFFFD80  }
0x3f: {  	s4 =	simm.s32 $0x0;
	[bflag:$0x0] =	sbarrier.arrive $0xFFFF  }
.LBB2_2:
0x40: {  	s7 =	sadd.s32 s8, s4  }
0x41: {  	s9 =	sshll.u32 s7, $0x7  }
0x42: {  	s10 =	simm.s32 $0x0;
	s7 =	sadd.s32 s5, s9  }
0x43: {  	[tilespmem:s13], [sflag:$0x1] =	stream.linear.gather [hbm4b:s7+s10], $0x400, $0x38;
	[tilespmem:$0x1500] =	vst v63  }
0x44: {  	_ =	swait.ge [sflag:s12], $0x400  }
0x45: {  	[sflag:s12] =	ssyncset.done $0x0  }
0x46: {  	s11 =	sadd.s32 s1, s9;
	[sflag:s12] =	ssyncadd.s32 $0xFFFFFC00  }
0x47: {  	[tilespmem:s14], [sflag:$0x1] =	stream.linear.gather [hbm4b:s11+s10], $0x400, $0x38;
	[tilespmem:$0x1500] =	vst v63  }
0x48: {  	_ =	swait.ge [sflag:s12], $0x400  }
0x49: {  	[sflag:s12] =	ssyncset.done $0x0  }
0x4a: {  	s10 =	simm.s32 $0x0;
	[sflag:s12] =	ssyncadd.s32 $0xFFFFFC00  }
0x4b: {  	v3 =	vld [tilespmem:s10+$0x2F0]  }
0x4c: {  	v4 =	vld [tilespmem:s10+$0x6F0]  }
0x4d: {  	v5 =	vld [tilespmem:s10+$0x280]  }
0x4e: {  	v6 =	vld [tilespmem:s10+$0x680]  }
0x4f: {  	v7 =	vld [tilespmem:s10+$0x290]  }
0x50: {  	v8 =	vld [tilespmem:s10+$0x690]  }
0x51: {  	v9 =	vld [tilespmem:s10+$0x2A0];
	vm0 =	veq.s32 v3, v4  }
0x52: {  	v10 =	vld [tilespmem:s10+$0x6A0];
	v3 =	vsel vm0, v2, v3  }
0x53: {  	v11 =	vld [tilespmem:s10+$0x2B0];
	[tilespmem:s10+$0xEF0] =	vst v3;
	v3 =	vsel vm0, $0x0, v1;
	vm0 =	veq.s32 v5, v6  }
0x54: {  	v6 =	vld [tilespmem:s10+$0x6B0];
	v4 =	vsel vm0, $0x0, v1;
	[tilespmem:s10+$0xAF0] =	vst v3  }
0x55: {  	v12 =	vld [tilespmem:s10+$0x6C0];
	[tilespmem:s10+$0xA80] =	vst v4;
	v4 =	vsel vm0, v2, v5;
	vm0 =	veq.s32 v7, v8  }
0x56: {  	v3 =	vld [tilespmem:s10+$0x2C0];
	[tilespmem:s10+$0xE80] =	vst v4;
	v4 =	vsel vm0, $0x0, v1  }
0x57: {  	v5 =	vsel vm0, v2, v7;
	vm0 =	veq.s32 v9, v10;
	v7 =	vld [tilespmem:s10+$0x6D0];
	[tilespmem:s10+$0xA90] =	vst v4  }
0x58: {  	v4 =	vld [tilespmem:s10+$0x2D0];
	[tilespmem:s10+$0xE90] =	vst v5;
	v5 =	vsel vm0, $0x0, v1  }
0x59: {  	v8 =	vsel vm0, v2, v9;
	[tilespmem:s10+$0xAA0] =	vst v5;
	v5 =	vld [tilespmem:s10+$0x2E0];
	vm0 =	veq.s32 v11, v6  }
0x5a: {  	s7 =	simm.s32 $0x80;
	[tilespmem:s10+$0xEA0] =	vst v8;
	v8 =	vld [tilespmem:s10+$0x6E0];
	v10 =	vsel vm0, $0x0, v1  }
0x5b: {  	s11 =	simm.s32 $0x400;
	v6 =	vld [tilespmem:s7+$0x2F0];
	v9 =	vsel vm0, v2, v11;
	vm0 =	veq.s32 v3, v12;
	[tilespmem:s10+$0xAB0] =	vst v10  }
.LBB2_3:
0x5c: {  	p0 =	sne.s32 s11, $0xE00;
	v10 =	vld [tilespmem:s7+$0x6F0];
	[tilespmem:s10+$0xEB0] =	vst v9;
	v9 =	vsel vm0, $0x0, v1;
	v3 =	vsel vm0, v2, v3  }
0x5d: {  	v11 =	vld [tilespmem:s7+$0x280];
	[tilespmem:s10+$0xAC0] =	vst v9;
	vm0 =	veq.s32 v4, v7  }
0x5e: {  	v7 =	vld [tilespmem:s7+$0x680];
	[tilespmem:s10+$0xEC0] =	vst v3;
	v3 =	vsel vm0, $0x0, v1;
	v4 =	vsel vm0, v2, v4  }
0x5f: {  	v9 =	vld [tilespmem:s7+$0x290];
	[tilespmem:s10+$0xAD0] =	vst v3;
	vm0 =	veq.s32 v5, v8  }
0x60: {  	v3 =	vld [tilespmem:s7+$0x690];
	[tilespmem:s10+$0xED0] =	vst v4;
	v4 =	vsel vm0, $0x0, v1;
	v5 =	vsel vm0, v2, v5  }
0x61: {  	v8 =	vld [tilespmem:s7+$0x2A0];
	vm0 =	veq.s32 v6, v10;
	[tilespmem:s10+$0xAE0] =	vst v4  }
0x62: {  	v4 =	vld [tilespmem:s7+$0x6A0];
	v10 =	vsel vm0, $0x0, v1;
	v6 =	vsel vm0, v2, v6;
	[tilespmem:s10+$0xEE0] =	vst v5;
	s10 =	smov.u32 s7  }
0x63: {  	vm0 =	veq.s32 v11, v7;
	v12 =	vld [tilespmem:s10+$0x2B0];
	[tilespmem:s10+$0xEF0] =	vst v6  }
0x64: {  	v5 =	vsel vm0, $0x0, v1;
	v6 =	vsel vm0, v2, v11;
	v11 =	vld [tilespmem:s10+$0x6B0];
	[tilespmem:s10+$0xAF0] =	vst v10  }
0x65: {  	[tilespmem:s10+$0xA80] =	vst v5;
	vm0 =	veq.s32 v9, v3;
	v3 =	vld [tilespmem:s10+$0x2C0]  }
0x66: {  	[tilespmem:s10+$0xE80] =	vst v6;
	v5 =	vsel vm0, $0x0, v1;
	v6 =	vsel vm0, v2, v9;
	v10 =	vld [tilespmem:s10+$0x6C0]  }
.Ltmp0:
0x67: {  	[tilespmem:s10+$0xA90] =	vst v5;
	vm0 =	veq.s32 v8, v4;
	v4 =	vld [tilespmem:s10+$0x2D0];
	(pc) =	sbr.rel @p0 .LBB2_3-.Ltmp0, $4  }
0x68: {  	[tilespmem:s10+$0xE90] =	vst v6;
	v5 =	vsel vm0, $0x0, v1;
	v6 =	vsel vm0, v2, v8;
	v7 =	vld [tilespmem:s10+$0x6D0]  }
0x69: {  	[tilespmem:s10+$0xAA0] =	vst v5;
	vm0 =	veq.s32 v12, v11;
	v5 =	vld [tilespmem:s10+$0x2E0]  }
0x6a: {  	s7 =	sshra.s32 s11, $0x2;
	[tilespmem:s10+$0xEA0] =	vst v6;
	v11 =	vsel vm0, $0x0, v1;
	v9 =	vsel vm0, v2, v12;
	v8 =	vld [tilespmem:s10+$0x6E0]  }
0x6b: {  	s11 =	sadd.s32 $0x200, s11;
	v6 =	vld [tilespmem:s7+$0x2F0];
	[tilespmem:s10+$0xAB0] =	vst v11;
	vm0 =	veq.s32 v3, v10  }
0x6c: {  	v10 =	vld [tilespmem:s7+$0x6F0];
	[tilespmem:s10+$0xEB0] =	vst v9;
	v48 =	vsel vm0, $0x0, v1  }
0x6d: {  	v3 =	vsel vm0, v2, v3;
	v11 =	vld [tilespmem:s7+$0x280];
	[tilespmem:s10+$0xAC0] =	vst v48;
	vm6 =	veq.s32 v4, v7  }
0x6e: {  	v9 =	vld [tilespmem:s7+$0x680];
	[tilespmem:s10+$0xEC0] =	vst v3;
	v3 =	vsel vm6, $0x0, v1  }
0x6f: {  	v49 =	vld [tilespmem:s7+$0x290];
	[tilespmem:s10+$0xAD0] =	vst v3;
	v3 =	vsel vm6, v2, v4;
	vm7 =	veq.s32 v5, v8  }
0x70: {  	v50 =	vld [tilespmem:s7+$0x690];
	[tilespmem:s10+$0xED0] =	vst v3;
	v3 =	vsel vm7, $0x0, v1  }
0x71: {  	v51 =	vld [tilespmem:s7+$0x2A0];
	[tilespmem:s10+$0xAE0] =	vst v3;
	v3 =	vsel vm7, v2, v5  }
0x72: {  	v52 =	vld [tilespmem:s7+$0x6A0];
	[tilespmem:s10+$0xEE0] =	vst v3  }
0x73: {  	v53 =	vld [tilespmem:s7+$0x2B0]  }
0x74: {  	vm8 =	veq.s32 v6, v10;
	v54 =	vld [tilespmem:s7+$0x6B0]  }
0x75: {  	v3 =	vsel vm8, v2, v6;
	v56 =	vld [tilespmem:s7+$0x2C0]  }
0x76: {  	[tilespmem:s7+$0xEF0] =	vst v3;
	v3 =	vsel vm8, $0x0, v1;
	vm9 =	veq.s32 v11, v9;
	v57 =	vld [tilespmem:s7+$0x6C0]  }
0x77: {  	v58 =	vld [tilespmem:s7+$0x2D0];
	v55 =	vsel vm9, $0x0, v1;
	[tilespmem:s7+$0xAF0] =	vst v3  }
0x78: {  	v59 =	vld [tilespmem:s7+$0x6D0];
	v3 =	vsel vm9, v2, v11;
	[tilespmem:s7+$0xA80] =	vst v55;
	vm10 =	veq.s32 v49, v50  }
0x79: {  	v60 =	vld [tilespmem:s7+$0x2E0];
	[tilespmem:s7+$0xE80] =	vst v3;
	v3 =	vsel vm10, $0x0, v1  }
0x7a: {  	v61 =	vld [tilespmem:s7+$0x6E0];
	[tilespmem:s7+$0xA90] =	vst v3;
	v3 =	vsel vm10, v2, v49;
	vm11 =	veq.s32 v51, v52  }
0x7b: {  	[tilespmem:s7+$0xE90] =	vst v3;
	v3 =	vsel vm11, $0x0, v1  }
0x7c: {  	vm12 =	veq.s32 v53, v54;
	[tilespmem:s7+$0xAA0] =	vst v3;
	v3 =	vsel vm11, v2, v51  }
0x7d: {  	vm13 =	veq.s32 v56, v57;
	v6 =	vsel vm12, v2, v53;
	[tilespmem:s7+$0xEA0] =	vst v3  }
0x7e: {  	vm14 =	veq.s32 v58, v59;
	v4 =	vsel vm13, v2, v56;
	[tilespmem:s7+$0xEB0] =	vst v6  }
0x7f: {  	vm15 =	veq.s32 v60, v61;
	v62 =	vsel vm14, v2, v58;
	[tilespmem:s7+$0xEC0] =	vst v4  }
0x80: {  	v63 =	vsel vm15, v2, v60;
	[tilespmem:s7+$0xED0] =	vst v62  }
0x81: {  	v3 =	vsel vm12, $0x0, v1;
	[tilespmem:s7+$0xEE0] =	vst v63  }
0x82: {  	[tilespmem:s7+$0xAB0] =	vst v3;
	v3 =	vsel vm13, $0x0, v1  }
0x83: {  	[tilespmem:s7+$0xAC0] =	vst v3;
	v3 =	vsel vm14, $0x0, v1  }
0x84: {  	[tilespmem:s7+$0xAD0] =	vst v3;
	v3 =	vsel vm15, $0x0, v1  }
0x85: {  	[tilespmem:s7+$0xAE0] =	vst v3  }
0x86: {  	[spmem:s2] =	stream.indirect.scatter.add.f32 [tilespmem:s16], [sflag:$0x1], $0x1, s13, s15, $0xb8;
	[tilespmem:$0x1500] =	vst v63  }
0x87: {  	_ =	swait.ge [sflag:s12], $0x80  }
0x88: {  	[sflag:s12] =	ssyncset.done $0x0  }
0x89: {  	[sflag:s12] =	ssyncadd.s32 $0xFFFFFF80  }
0x8a: {  	[spmem:s2] =	stream.indirect.scatter.add.f32 [tilespmem:s18], [sflag:$0x1], $0x1, s17, s15, $0xb8;
	[tilespmem:$0x1500] =	vst v63  }
0x8b: {  	_ =	swait.ge [sflag:s12], $0x80  }
0x8c: {  	[sflag:s12] =	ssyncset.done $0x0  }
0x8d: {  	[sflag:s12] =	ssyncadd.s32 $0xFFFFFF80  }
0x8e: {  	[spmem:s2] =	stream.indirect.scatter.add.f32 [tilespmem:s20], [sflag:$0x1], $0x1, s19, s15, $0xb8;
	[tilespmem:$0x1500] =	vst v63  }
0x8f: {  	_ =	swait.ge [sflag:s12], $0x80  }
0x90: {  	[sflag:s12] =	ssyncset.done $0x0  }
0x91: {  	[sflag:s12] =	ssyncadd.s32 $0xFFFFFF80  }
0x92: {  	[spmem:s2] =	stream.indirect.scatter.add.f32 [tilespmem:s22], [sflag:$0x1], $0x1, s21, s15, $0xb8;
	[tilespmem:$0x1500] =	vst v63  }
0x93: {  	_ =	swait.ge [sflag:s12], $0x80  }
0x94: {  	[sflag:s12] =	ssyncset.done $0x0  }
0x95: {  	[sflag:s12] =	ssyncadd.s32 $0xFFFFFF80  }
0x96: {  	[spmem:s2] =	stream.indirect.scatter.add.f32 [tilespmem:s24], [sflag:$0x1], $0x1, s23, s15, $0xb8;
	[tilespmem:$0x1500] =	vst v63  }
0x97: {  	_ =	swait.ge [sflag:s12], $0x80  }
0x98: {  	[sflag:s12] =	ssyncset.done $0x0  }
0x99: {  	[sflag:s12] =	ssyncadd.s32 $0xFFFFFF80  }
0x9a: {  	[spmem:s2] =	stream.indirect.scatter.add.f32 [tilespmem:s26], [sflag:$0x1], $0x1, s25, s15, $0xb8;
	[tilespmem:$0x1500] =	vst v63  }
0x9b: {  	_ =	swait.ge [sflag:s12], $0x80  }
0x9c: {  	[sflag:s12] =	ssyncset.done $0x0  }
0x9d: {  	[sflag:s12] =	ssyncadd.s32 $0xFFFFFF80  }
0x9e: {  	[spmem:s2] =	stream.indirect.scatter.add.f32 [tilespmem:s29], [sflag:$0x1], $0x1, s28, s15, $0xb8;
	[tilespmem:$0x1500] =	vst v63  }
0x9f: {  	_ =	swait.ge [sflag:s12], $0x80  }
0xa0: {  	[sflag:s12] =	ssyncset.done $0x0  }
0xa1: {  	[sflag:s12] =	ssyncadd.s32 $0xFFFFFF80  }
0xa2: {  	[spmem:s2] =	stream.indirect.scatter.add.f32 [tilespmem:s31], [sflag:$0x1], $0x1, s30, s15, $0xb8;
	[tilespmem:$0x1500] =	vst v63  }
0xa3: {  	s4 =	sadd.s32 $0x1, s4;
	_ =	swait.ge [sflag:s12], $0x80  }
0xa4: {  	p0 =	sne.s32 s4, $0xA;
	[sflag:s12] =	ssyncset.done $0x0  }
.Ltmp1:
0xa5: {  	s11 =	sadd.s32 s6, s9;
	[sflag:s12] =	ssyncadd.s32 $0xFFFFFF80;
	(pc) =	sbr.rel @p0 .LBB2_2-.Ltmp1, $4  }
0xa6: {  	[hbm4b:s11+s3] =	stream.linear.scatter [tilespmem:s0], [sflag:$0x1], $0x400, $0x38;
	[tilespmem:$0x1500] =	vst v63  }
0xa7: {  	_ =	swait.ge [sflag:s12], $0x400  }
0xa8: {  	[sflag:s12] =	ssyncset.done $0x0  }
0xa9: {  	[sflag:s12] =	ssyncadd.s32 $0xFFFFFC00  }
0xaa: {  	s4 =	stileid.u32;
	[bflag:$0x0] =	sbarrier.arrive $0xFFFF  }
0xab: {  	s4 =	sshll.u32 s4, $0x6;
	s10 =	rddreg [dreg:$0x4]  }
0xac: {  	s9 =	rddreg [dreg:$0x6];
	s4 =	sor.u32 $0x1C01, s4;
	s7 =	sshrl.u32 s10, $0x3  }
0xad: {  	[hbm:s9], [sflag:s4] =	dma.local [spmem:s7], $0x50  }
0xae: {  	_ =	swait.ge [sflag:s12], $0x50  }
0xaf: {  	s9 =	rddreg [dreg:$0x7]  }
0xb0: {  	s11 =	rddreg [dreg:$0x5];
	s7 =	sadd.s32 $0x1, s9  }
0xb1: {  	p0 =	sne.s32 s7, s11  }
.Ltmp2:
0xb2: {  	_ = 	snop;
	(pc) =	sbr.rel @p0 .LBB2_1-.Ltmp2, $3  }
0xb3: {  	_ =	sdelay $0x1  }
0xb4: {  	[sflag:s12] =	ssyncset.done $0x0  }
0xb5: {  	[sflag:s12] =	ssyncadd.s32 $0xFFFFFFB0  }
0xb6: {  	_ =	sfence.sel $0x180000  }
0xb7: {  	[bflag:$0x0] =	sbarrier.arrive $0xFFFF  }
0xb8: {  	_ =	strace $0x90000047  }
0xb9: {  	s0 =	stileid.u32;
	[bflag:$0x2] =	sbarrier.arrive $0xFFFF  }
0xba: {  	p0 =	sne.s32 s0, $0x0;
	s0 =	rddreg [dreg:$0x3]  }
0xbb: {  	s0 =	sadd.s32 @!p0 $0x100000, s0  }
0xbc: {  	[sflag:s0] =	ssyncadd.tile.s32 @!p0 $0x1;
	_ =	shalt  }
.Lfunc_end2:
_tile_overlayer_lowered:
.L_overlay_start_2:
0xbd: {  	(tag) =	ssettag $0x2  }
0xbe: {  	s0 =	rddreg [dreg:$0x0];
	s2 =	stileid.u32  }
0xbf: {  	s1 =	rddreg [dreg:$0x1];
	p0 =	sne.s32 s2, $0x0  }
0xc0: {  	s3 =	rddreg [dreg:$0x2];
	[bflag:$0x3] =	sbarrier.arrive $0xFFFF;
	s2 =	simm.s32 @!p0 $0x1C01  }
0xc1: {  	[timem:s3], [sflag:s2] =	dma.local @!p0 [hbm:s0], s1  }
0xc2: {  	s0 =	simm.s32 @!p0 $0x1  }
0xc3: {  	_ =	swait.ge @!p0 [sflag:s0], s1  }
0xc4: {  	s1 =	ssub.s32 @!p0 $0x0, s1;
	[sflag:s0] =	ssyncset.done @!p0 $0x0  }
0xc5: {  	[sflag:s0] =	ssyncadd.s32 @!p0 s1  }
0xc6: {  	[bflag:$0x3] =	sbarrier.arrive $0xFFFF  }
0xc7: {  	_ =	shalt  }

</sc_bundles>
